<compile_context>
chip_gen: v7x
topology: tpu7x:2x2x1
jax: 0.10.2.dev20260603
libtpu: 0.0.44.dev20260713+nightly
codegen_flags: <defaults>
</compile_context>

<pallas_src>
import functools

import jax
import jax.numpy as jnp
from jax import lax
from jax.experimental import pallas as pl
from jax.experimental.pallas import tpu as pltpu
from jax.experimental.pallas import tpu_sc as plsc

_V = 1000000
_DIM = 64
_B = 4096
_L = 200
_N = _B * _L
_NC = 2
_NS = 16
_NW = _NC * _NS

_mesh = plsc.VectorSubcoreMesh(core_axis_name="c", subcore_axis_name="s")

_NFULL = _V // 128
_K1_ITERS = _NFULL // _NW + 1


def _k1_body(tab_t, out, buf0, buf1, tbuf, ow0, ow1, out_v2, sem0, sem1, os0, os1):
    wid = lax.axis_index("s") * _NC + lax.axis_index("c")
    iota = lax.iota(jnp.int32, 16)

    bufs = (buf0, buf1)
    sems = (sem0, sem1)
    out_vs = (ow0, ow1)
    osems = (os0, os1)

    def gstart(c, b):
        pltpu.async_copy(tab_t.at[:, pl.ds(128 * c, 128)], bufs[b], sems[b])

    def gwait(c, b):
        pltpu.make_async_copy(
            tab_t.at[:, pl.ds(128 * c, 128)], bufs[b], sems[b]
        ).wait()

    vds = [16 * jc + iota for jc in range(8)]
    v64s = [64 * v for v in vds]

    def transpose_block(buf, dst):
        @plsc.parallel_loop(0, 64, unroll=8)
        def fbody(f0):
            fd = lax.bitwise_and(f0 + iota, 63)
            for jc in range(8):
                vec = plsc.load_gather(buf, [fd, vds[jc]])
                plsc.store_scatter(dst, [v64s[jc] + fd], vec)

    gstart(wid, 0)

    def step(g, b):
        c = g * _NW + wid
        gwait(c, b)

        nxt = (g + 1) * _NW + wid

        @pl.when(nxt < _NFULL)
        def _():
            gstart(nxt, 1 - b)

        @pl.when(g >= 2)
        def _():
            pltpu.make_async_copy(
                out_vs[b], out.at[pl.ds(8192 * wid, 8192)], osems[b]
            ).wait()

        transpose_block(bufs[b], out_vs[b])
        pltpu.async_copy(out_vs[b], out.at[pl.ds(8192 * c, 8192)], osems[b])

    def outer(i, carry):
        for b in range(2):
            g = 2 * i + b

            @pl.when(g * _NW + wid < _NFULL)
            def _():
                step(g, b)

        return carry

    lax.fori_loop(0, (_K1_ITERS + 1) // 2, outer, 0)

    for b in range(2):
        pltpu.make_async_copy(
            out_vs[b], out.at[pl.ds(8192 * wid, 8192)], osems[b]
        ).wait()

    @pl.when(wid == _NW - 1)
    def _():
        pltpu.sync_copy(tab_t.at[:, pl.ds(128 * _NFULL, 64)], tbuf)

        @plsc.parallel_loop(0, 64, unroll=8)
        def fbody(f0):
            fd = lax.bitwise_and(f0 + iota, 63)
            for jc in range(4):
                vec = plsc.load_gather(tbuf, [fd, vds[jc]])
                plsc.store_scatter(out_v2, [v64s[jc] + fd], vec)

        pltpu.sync_copy(out_v2, out.at[pl.ds(8192 * _NFULL, 4096)])


_k1 = functools.partial(
    pl.kernel,
    mesh=_mesh,
    out_type=jax.ShapeDtypeStruct((_V * _DIM,), jnp.float32),
    scratch_types=[
        pltpu.VMEM((_DIM, 128), jnp.float32),
        pltpu.VMEM((_DIM, 128), jnp.float32),
        pltpu.VMEM((_DIM, 64), jnp.float32),
        pltpu.VMEM((8192,), jnp.float32),
        pltpu.VMEM((8192,), jnp.float32),
        pltpu.VMEM((4096,), jnp.float32),
        pltpu.SemaphoreType.DMA,
        pltpu.SemaphoreType.DMA,
        pltpu.SemaphoreType.DMA,
        pltpu.SemaphoreType.DMA,
    ],
    compiler_params=pltpu.CompilerParams(use_tc_tiling_on_sc=True, needs_layout_passes=False),
)(_k1_body)


def _k23_body(table, idx_t_hbm, out5, idx_lm, g0, g1, ow0, ow1, sem0, sem1, os0, os1):
    wid = lax.axis_index("s") * _NC + lax.axis_index("c")
    iota = lax.iota(jnp.int32, 16)
    gbufs = (g0, g1)
    sems = (sem0, sem1)
    out_vs = (ow0, ow1)
    osems = (os0, os1)

    pltpu.sync_copy(idx_t_hbm.at[:, pl.ds(128 * wid, 128)], idx_lm)

    jvs = [16 * jc + iota for jc in range(8)]

    def gstart(l, p):
        pltpu.async_copy(table.at[idx_lm.at[l]], gbufs[p], sems[p])

    def gwait(l, p):
        pltpu.make_async_copy(table.at[idx_lm.at[l]], gbufs[p], sems[p]).wait()

    gstart(0, 0)

    def step(l, p):
        gwait(l, p)

        @pl.when(l + 1 < _L)
        def _():
            gstart(l + 1, 1 - p)

        @pl.when(l >= 2)
        def _():
            pltpu.make_async_copy(
                out_vs[p], out5.at[0, :, wid, :, :], osems[p]
            ).wait()

        gbuf = gbufs[p]
        dst = out_vs[p]

        @plsc.parallel_loop(0, 64, unroll=8)
        def fbody(f0):
            fd = lax.bitwise_and(f0 + iota, 63)
            fhi = lax.shift_right_logical(fd, 3)
            flo = lax.bitwise_and(fd, 7)
            for jc in range(8):
                vec = plsc.load_gather(gbuf, [jvs[jc], fd])
                plsc.store_scatter(dst, [fhi, flo, jvs[jc]], vec)

        pltpu.async_copy(dst, out5.at[l, :, wid, :, :], osems[p])

    def outer(i, carry):
        for p in range(2):
            step(2 * i + p, p)
        return carry

    lax.fori_loop(0, _L // 2, outer, 0)
    for p in range(2):
        pltpu.make_async_copy(
            out_vs[p], out5.at[0, :, wid, :, :], osems[p]
        ).wait()


_k23 = functools.partial(
    pl.kernel,
    mesh=_mesh,
    out_type=jax.ShapeDtypeStruct((_L, 8, 32, 8, 128), jnp.float32),
    scratch_types=[
        pltpu.VMEM((_L, 128), jnp.int32),
        pltpu.VMEM((128, _DIM), jnp.float32),
        pltpu.VMEM((128, _DIM), jnp.float32),
        pltpu.VMEM((8, 8, 128), jnp.float32),
        pltpu.VMEM((8, 8, 128), jnp.float32),
        pltpu.SemaphoreType.DMA,
        pltpu.SemaphoreType.DMA,
        pltpu.SemaphoreType.DMA,
        pltpu.SemaphoreType.DMA,
    ],
    compiler_params=pltpu.CompilerParams(
        use_tc_tiling_on_sc=False, needs_layout_passes=False
    ),
)(_k23_body)


def kernel(embedding, x):
    b, l = x.shape
    idx_t = x.T.astype(jnp.int32)
    tab = _k1(embedding.T)
    out5 = _k23(tab.reshape(_V, _DIM), idx_t)
    return out5.transpose(2, 4, 0, 1, 3).reshape(b, l, _DIM)

# --- scband reference (transcript-rebuilt; emitter-appended) ---
"""Pipeline reference for scband-embedding-layer-13383118094491 (READ-ONLY COPY).

The authoritative reference and input builder live on the scoring server;
editing this copy changes nothing except your own understanding.
"""

import jax, jax.numpy as jnp
import numpy as np
import math

VOCAB = 1000000
DIM = 64
B = 4096
L = 200

def setup_inputs(seed: int = 0) -> dict:
    key = jax.random.key(seed)
    k_emb, k_idx = jax.random.split(key)
    # kaiming_uniform_ with a=sqrt(5) on a (vocab, dim) matrix -> bound = sqrt(6/((1+a^2)*fan_in)) = sqrt(1/fan_in), fan_in = dim
    bound = math.sqrt(1.0 / DIM)
    embedding = jax.random.uniform(k_emb, (VOCAB, DIM), dtype=jnp.float32, minval=-bound, maxval=bound)
    x = jax.random.randint(k_idx, (B, L), 0, VOCAB, dtype=jnp.int64 if jax.config.jax_enable_x64 else jnp.int32)
    return {"embedding": embedding, "x": x}

def reference(embedding, x):
    # x.ndim == 2 path: plain gather (embedding lookup)
    return jnp.take(embedding, x, axis=0)

if __name__ == "__main__":
    import jax
    _d = setup_inputs()
    print(jax.jit(kernel)(*tuple(_d.values())))

</pallas_src>

<mosaic_0001>
#map = affine_map<(d0, d1) -> (0, 0)>
#map1 = affine_map<(d0, d1) -> (0)>
module attributes {stable_mosaic.version = 14 : i64} {
  func.func @_k1_body(%arg0: i32, %arg1: i32, %arg2: memref<64x1000000xf32, #tpu.memory_space<hbm>>, %arg3: memref<64000000xf32, #tpu.memory_space<hbm>>, %arg4: memref<64x128xf32, #tpu.memory_space<vmem>>, %arg5: memref<64x128xf32, #tpu.memory_space<vmem>>, %arg6: memref<64x64xf32, #tpu.memory_space<vmem>>, %arg7: memref<8192xf32, #tpu.memory_space<vmem>>, %arg8: memref<8192xf32, #tpu.memory_space<vmem>>, %arg9: memref<4096xf32, #tpu.memory_space<vmem>>, %arg10: memref<!tpu.dma_semaphore, #tpu.memory_space<semaphore_mem>>, %arg11: memref<!tpu.dma_semaphore, #tpu.memory_space<semaphore_mem>>, %arg12: memref<!tpu.dma_semaphore, #tpu.memory_space<semaphore_mem>>, %arg13: memref<!tpu.dma_semaphore, #tpu.memory_space<semaphore_mem>>) attributes {dimension_semantics = [#tpu.dimension_semantics<core_parallel>, #tpu.dimension_semantics<subcore_parallel>], iteration_bounds = array<i64: 2, 16>, scalar_prefetch = 0 : i64, scratch_operands = 10 : i64, tpu.core_type = #tpu.core_type<sc_vector_subcore>, window_params = [{transform_indices = #map}, {transform_indices = #map1}]} {
    %mul3A = arith.constant 2 : i32
    %mul3A_0 = arith.muli %arg1, %mul3A : i32
    %add3A = arith.addi %mul3A_0, %arg0 : i32
    %iota3A = tpu.iota {dimensions = array<i32: 0>} : vector<16xi32>
    %add3A_1 = arith.constant 0 : i32
    %add3A_2 = vector.broadcast %add3A_1 : i32 to vector<16xi32>
    %add3A_3 = arith.addi %add3A_2, %iota3A : vector<16xi32>
    %add3A_4 = arith.constant 16 : i32
    %add3A_5 = vector.broadcast %add3A_4 : i32 to vector<16xi32>
    %add3A_6 = arith.addi %add3A_5, %iota3A : vector<16xi32>
    %add3A_7 = arith.constant 32 : i32
    %add3A_8 = vector.broadcast %add3A_7 : i32 to vector<16xi32>
    %add3A_9 = arith.addi %add3A_8, %iota3A : vector<16xi32>
    %add3A_10 = arith.constant 48 : i32
    %add3A_11 = vector.broadcast %add3A_10 : i32 to vector<16xi32>
    %add3A_12 = arith.addi %add3A_11, %iota3A : vector<16xi32>
    %add3A_13 = arith.constant 64 : i32
    %add3A_14 = vector.broadcast %add3A_13 : i32 to vector<16xi32>
    %add3A_15 = arith.addi %add3A_14, %iota3A : vector<16xi32>
    %add3A_16 = arith.constant 80 : i32
    %add3A_17 = vector.broadcast %add3A_16 : i32 to vector<16xi32>
    %add3A_18 = arith.addi %add3A_17, %iota3A : vector<16xi32>
    %add3A_19 = arith.constant 96 : i32
    %add3A_20 = vector.broadcast %add3A_19 : i32 to vector<16xi32>
    %add3A_21 = arith.addi %add3A_20, %iota3A : vector<16xi32>
    %add3A_22 = arith.constant 112 : i32
    %add3A_23 = vector.broadcast %add3A_22 : i32 to vector<16xi32>
    %add3A_24 = arith.addi %add3A_23, %iota3A : vector<16xi32>
    %mul3A_25 = arith.constant 64 : i32
    %mul3A_26 = vector.broadcast %mul3A_25 : i32 to vector<16xi32>
    %mul3A_27 = arith.muli %mul3A_26, %add3A_3 : vector<16xi32>
    %mul3A_28 = arith.constant 64 : i32
    %mul3A_29 = vector.broadcast %mul3A_28 : i32 to vector<16xi32>
    %mul3A_30 = arith.muli %mul3A_29, %add3A_6 : vector<16xi32>
    %mul3A_31 = arith.constant 64 : i32
    %mul3A_32 = vector.broadcast %mul3A_31 : i32 to vector<16xi32>
    %mul3A_33 = arith.muli %mul3A_32, %add3A_9 : vector<16xi32>
    %mul3A_34 = arith.constant 64 : i32
    %mul3A_35 = vector.broadcast %mul3A_34 : i32 to vector<16xi32>
    %mul3A_36 = arith.muli %mul3A_35, %add3A_12 : vector<16xi32>
    %mul3A_37 = arith.constant 64 : i32
    %mul3A_38 = vector.broadcast %mul3A_37 : i32 to vector<16xi32>
    %mul3A_39 = arith.muli %mul3A_38, %add3A_15 : vector<16xi32>
    %mul3A_40 = arith.constant 64 : i32
    %mul3A_41 = vector.broadcast %mul3A_40 : i32 to vector<16xi32>
    %mul3A_42 = arith.muli %mul3A_41, %add3A_18 : vector<16xi32>
    %mul3A_43 = arith.constant 64 : i32
    %mul3A_44 = vector.broadcast %mul3A_43 : i32 to vector<16xi32>
    %mul3A_45 = arith.muli %mul3A_44, %add3A_21 : vector<16xi32>
    %mul3A_46 = arith.constant 64 : i32
    %mul3A_47 = vector.broadcast %mul3A_46 : i32 to vector<16xi32>
    %mul3A_48 = arith.muli %mul3A_47, %add3A_24 : vector<16xi32>
    %mul3A_49 = arith.constant 128 : i32
    %mul3A_50 = arith.muli %mul3A_49, %add3A : i32
    %dma_start3A = arith.constant 0 : i32
    %dma_start3A_51 = tpu.memref_slice %arg2[%dma_start3A, %mul3A_50] : memref<64x1000000xf32, #tpu.memory_space<hbm>> -> memref<64x128xf32, #tpu.memory_space<hbm>>
    %dma_start3A_52 = arith.constant 0 : i32
    %dma_start3A_53 = tpu.memref_slice %arg2[%dma_start3A_52, %mul3A_50] : memref<64x1000000xf32, #tpu.memory_space<hbm>> -> memref<64x128xf32, #tpu.memory_space<hbm>>
    tpu.enqueue_dma source(%dma_start3A_53 : memref<64x128xf32, #tpu.memory_space<hbm>>) target(%arg4 : memref<64x128xf32, #tpu.memory_space<vmem>>) target_semaphore(%arg10 : memref<!tpu.dma_semaphore, #tpu.memory_space<semaphore_mem>>)
    %scan3A = arith.constant 0 : i32
    %scan3A_54 = arith.constant 0 : i32
    %scan3A_55 = arith.constant 123 : i32
    %scan3A_56 = arith.addi %scan3A_54, %scan3A_55 : i32
    %scan3A_57 = arith.constant 1 : i32
    scf.for %scan3A_68 = %scan3A_54 to %scan3A_56 step %scan3A_57  : i32 {
      %mul3A_69 = arith.constant 2 : i32
      %mul3A_70 = arith.muli %mul3A_69, %scan3A_68 : i32
      %add3A_71 = arith.constant 0 : i32
      %add3A_72 = arith.addi %mul3A_70, %add3A_71 : i32
      %mul3A_73 = arith.constant 32 : i32
      %mul3A_74 = arith.muli %add3A_72, %mul3A_73 : i32
      %add3A_75 = arith.addi %mul3A_74, %add3A : i32
      %lt3A = arith.constant 7812 : i32
      %lt3A_76 = arith.cmpi slt, %add3A_75, %lt3A : i32
      %convert_element_type3A_77 = arith.extui %lt3A_76 : i1 to i32
      %cond3A_78 = arith.constant 0 : i32
      %cond3A_79 = arith.cmpi ne, %convert_element_type3A_77, %cond3A_78 : i32
      scf.if %cond3A_79 {
        %mul3A_92 = arith.constant 32 : i32
        %mul3A_93 = arith.muli %add3A_72, %mul3A_92 : i32
        %add3A_94 = arith.addi %mul3A_93, %add3A : i32
        %mul3A_95 = arith.constant 128 : i32
        %mul3A_96 = arith.muli %mul3A_95, %add3A_94 : i32
        %dma_wait3A_97 = arith.constant 0 : i32
        %dma_wait3A_98 = tpu.memref_slice %arg2[%dma_wait3A_97, %mul3A_96] : memref<64x1000000xf32, #tpu.memory_space<hbm>> -> memref<64x128xf32, #tpu.memory_space<hbm>>
        %dma_wait3A_99 = arith.constant 0 : i32
        %dma_wait3A_100 = tpu.memref_slice %arg2[%dma_wait3A_99, %mul3A_96] : memref<64x1000000xf32, #tpu.memory_space<hbm>> -> memref<64x128xf32, #tpu.memory_space<hbm>>
        tpu.wait_dma2 semaphore(%arg10 : memref<!tpu.dma_semaphore, #tpu.memory_space<semaphore_mem>>) src(%dma_wait3A_100 : memref<64x128xf32, #tpu.memory_space<hbm>>) dst(%arg4 : memref<64x128xf32, #tpu.memory_space<vmem>>)
        %add3A_101 = arith.constant 1 : i32
        %add3A_102 = arith.addi %add3A_72, %add3A_101 : i32
        %mul3A_103 = arith.constant 32 : i32
        %mul3A_104 = arith.muli %add3A_102, %mul3A_103 : i32
        %add3A_105 = arith.addi %mul3A_104, %add3A : i32
        %lt3A_106 = arith.constant 7812 : i32
        %lt3A_107 = arith.cmpi slt, %add3A_105, %lt3A_106 : i32
        %convert_element_type3A_108 = arith.extui %lt3A_107 : i1 to i32
        %cond3A_109 = arith.constant 0 : i32
        %cond3A_110 = arith.cmpi ne, %convert_element_type3A_108, %cond3A_109 : i32
        scf.if %cond3A_110 {
          %mul3A_121 = arith.constant 128 : i32
          %mul3A_122 = arith.muli %mul3A_121, %add3A_105 : i32
          %dma_start3A_123 = arith.constant 0 : i32
          %dma_start3A_124 = tpu.memref_slice %arg2[%dma_start3A_123, %mul3A_122] : memref<64x1000000xf32, #tpu.memory_space<hbm>> -> memref<64x128xf32, #tpu.memory_space<hbm>>
          %dma_start3A_125 = arith.constant 0 : i32
          %dma_start3A_126 = tpu.memref_slice %arg2[%dma_start3A_125, %mul3A_122] : memref<64x1000000xf32, #tpu.memory_space<hbm>> -> memref<64x128xf32, #tpu.memory_space<hbm>>
          tpu.enqueue_dma source(%dma_start3A_126 : memref<64x128xf32, #tpu.memory_space<hbm>>) target(%arg5 : memref<64x128xf32, #tpu.memory_space<vmem>>) target_semaphore(%arg11 : memref<!tpu.dma_semaphore, #tpu.memory_space<semaphore_mem>>)
        } else {
        }
        %ge3A = arith.constant 2 : i32
        %ge3A_111 = arith.cmpi sge, %add3A_72, %ge3A : i32
        %convert_element_type3A_112 = arith.extui %ge3A_111 : i1 to i32
        %cond3A_113 = arith.constant 0 : i32
        %cond3A_114 = arith.cmpi ne, %convert_element_type3A_112, %cond3A_113 : i32
        scf.if %cond3A_114 {
          %mul3A_121 = arith.constant 8192 : i32
          %mul3A_122 = arith.muli %mul3A_121, %add3A : i32
          %dma_wait3A_123 = tpu.memref_slice %arg3[%mul3A_122] : memref<64000000xf32, #tpu.memory_space<hbm>> -> memref<8192xf32, #tpu.memory_space<hbm>>
          %dma_wait3A_124 = tpu.memref_slice %arg3[%mul3A_122] : memref<64000000xf32, #tpu.memory_space<hbm>> -> memref<8192xf32, #tpu.memory_space<hbm>>
          tpu.wait_dma2 semaphore(%arg12 : memref<!tpu.dma_semaphore, #tpu.memory_space<semaphore_mem>>) src(%arg7 : memref<8192xf32, #tpu.memory_space<vmem>>) dst(%dma_wait3A_124 : memref<8192xf32, #tpu.memory_space<hbm>>)
        } else {
        }
        %parallel_loop3A = arith.constant 0 : i32
        %parallel_loop3A_115 = arith.constant 64 : i32
        %parallel_loop3A_116 = arith.constant 1 : i32
        scf.for %parallel_loop3A_121 = %parallel_loop3A to %parallel_loop3A_115 step %parallel_loop3A_116  : i32 {
          %parallel_loop3A_122 = vector.broadcast %parallel_loop3A_121 : i32 to vector<16xi32>
          %parallel_loop3A_123 = arith.addi %parallel_loop3A_122, %iota3A : vector<16xi32>
          %parallel_loop3A_124 = arith.constant 63 : i32
          %parallel_loop3A_125 = vector.broadcast %parallel_loop3A_124 : i32 to vector<16xi32>
          %parallel_loop3A_126 = arith.andi %parallel_loop3A_123, %parallel_loop3A_125 : vector<16xi32>
          %parallel_loop3A_127 = tpu.vector_load_idx %arg4[%parallel_loop3A_126, %add3A_3] : memref<64x128xf32, #tpu.memory_space<vmem>>[vector<16xi32>, vector<16xi32>], vector<16xf32>,
          %parallel_loop3A_128 = arith.addi %mul3A_27, %parallel_loop3A_126 : vector<16xi32>
          tpu.vector_store_idx %arg7[%parallel_loop3A_128], %parallel_loop3A_127 : memref<8192xf32, #tpu.memory_space<vmem>>[vector<16xi32>], vector<16xf32>,
          %parallel_loop3A_129 = tpu.vector_load_idx %arg4[%parallel_loop3A_126, %add3A_6] : memref<64x128xf32, #tpu.memory_space<vmem>>[vector<16xi32>, vector<16xi32>], vector<16xf32>,
          %parallel_loop3A_130 = arith.addi %mul3A_30, %parallel_loop3A_126 : vector<16xi32>
          tpu.vector_store_idx %arg7[%parallel_loop3A_130], %parallel_loop3A_129 : memref<8192xf32, #tpu.memory_space<vmem>>[vector<16xi32>], vector<16xf32>,
          %parallel_loop3A_131 = tpu.vector_load_idx %arg4[%parallel_loop3A_126, %add3A_9] : memref<64x128xf32, #tpu.memory_space<vmem>>[vector<16xi32>, vector<16xi32>], vector<16xf32>,
          %parallel_loop3A_132 = arith.addi %mul3A_33, %parallel_loop3A_126 : vector<16xi32>
          tpu.vector_store_idx %arg7[%parallel_loop3A_132], %parallel_loop3A_131 : memref<8192xf32, #tpu.memory_space<vmem>>[vector<16xi32>], vector<16xf32>,
          %parallel_loop3A_133 = tpu.vector_load_idx %arg4[%parallel_loop3A_126, %add3A_12] : memref<64x128xf32, #tpu.memory_space<vmem>>[vector<16xi32>, vector<16xi32>], vector<16xf32>,
          %parallel_loop3A_134 = arith.addi %mul3A_36, %parallel_loop3A_126 : vector<16xi32>
          tpu.vector_store_idx %arg7[%parallel_loop3A_134], %parallel_loop3A_133 : memref<8192xf32, #tpu.memory_space<vmem>>[vector<16xi32>], vector<16xf32>,
          %parallel_loop3A_135 = tpu.vector_load_idx %arg4[%parallel_loop3A_126, %add3A_15] : memref<64x128xf32, #tpu.memory_space<vmem>>[vector<16xi32>, vector<16xi32>], vector<16xf32>,
          %parallel_loop3A_136 = arith.addi %mul3A_39, %parallel_loop3A_126 : vector<16xi32>
          tpu.vector_store_idx %arg7[%parallel_loop3A_136], %parallel_loop3A_135 : memref<8192xf32, #tpu.memory_space<vmem>>[vector<16xi32>], vector<16xf32>,
          %parallel_loop3A_137 = tpu.vector_load_idx %arg4[%parallel_loop3A_126, %add3A_18] : memref<64x128xf32, #tpu.memory_space<vmem>>[vector<16xi32>, vector<16xi32>], vector<16xf32>,
          %parallel_loop3A_138 = arith.addi %mul3A_42, %parallel_loop3A_126 : vector<16xi32>
          tpu.vector_store_idx %arg7[%parallel_loop3A_138], %parallel_loop3A_137 : memref<8192xf32, #tpu.memory_space<vmem>>[vector<16xi32>], vector<16xf32>,
          %parallel_loop3A_139 = tpu.vector_load_idx %arg4[%parallel_loop3A_126, %add3A_21] : memref<64x128xf32, #tpu.memory_space<vmem>>[vector<16xi32>, vector<16xi32>], vector<16xf32>,
          %parallel_loop3A_140 = arith.addi %mul3A_45, %parallel_loop3A_126 : vector<16xi32>
          tpu.vector_store_idx %arg7[%parallel_loop3A_140], %parallel_loop3A_139 : memref<8192xf32, #tpu.memory_space<vmem>>[vector<16xi32>], vector<16xf32>,
          %parallel_loop3A_141 = tpu.vector_load_idx %arg4[%parallel_loop3A_126, %add3A_24] : memref<64x128xf32, #tpu.memory_space<vmem>>[vector<16xi32>, vector<16xi32>], vector<16xf32>,
          %parallel_loop3A_142 = arith.addi %mul3A_48, %parallel_loop3A_126 : vector<16xi32>
          tpu.vector_store_idx %arg7[%parallel_loop3A_142], %parallel_loop3A_141 : memref<8192xf32, #tpu.memory_space<vmem>>[vector<16xi32>], vector<16xf32>,
        } {sc.loop_unroll_factor = 8 : i64, sc.parallel_access}
        %mul3A_117 = arith.constant 8192 : i32
        %mul3A_118 = arith.muli %mul3A_117, %add3A_94 : i32
        %dma_start3A_119 = tpu.memref_slice %arg3[%mul3A_118] : memref<64000000xf32, #tpu.memory_space<hbm>> -> memref<8192xf32, #tpu.memory_space<hbm>>
        %dma_start3A_120 = tpu.memref_slice %arg3[%mul3A_118] : memref<64000000xf32, #tpu.memory_space<hbm>> -> memref<8192xf32, #tpu.memory_space<hbm>>
        tpu.enqueue_dma source(%arg7 : memref<8192xf32, #tpu.memory_space<vmem>>) target(%dma_start3A_120 : memref<8192xf32, #tpu.memory_space<hbm>>) target_semaphore(%arg12 : memref<!tpu.dma_semaphore, #tpu.memory_space<semaphore_mem>>)
      } else {
      }
      %mul3A_80 = arith.constant 2 : i32
      %mul3A_81 = arith.muli %mul3A_80, %scan3A_68 : i32
      %add3A_82 = arith.constant 1 : i32
      %add3A_83 = arith.addi %mul3A_81, %add3A_82 : i32
      %mul3A_84 = arith.constant 32 : i32
      %mul3A_85 = arith.muli %add3A_83, %mul3A_84 : i32
      %add3A_86 = arith.addi %mul3A_85, %add3A : i32
      %lt3A_87 = arith.constant 7812 : i32
      %lt3A_88 = arith.cmpi slt, %add3A_86, %lt3A_87 : i32
      %convert_element_type3A_89 = arith.extui %lt3A_88 : i1 to i32
      %cond3A_90 = arith.constant 0 : i32
      %cond3A_91 = arith.cmpi ne, %convert_element_type3A_89, %cond3A_90 : i32
      scf.if %cond3A_91 {
        %mul3A_92 = arith.constant 32 : i32
        %mul3A_93 = arith.muli %add3A_83, %mul3A_92 : i32
        %add3A_94 = arith.addi %mul3A_93, %add3A : i32
        %mul3A_95 = arith.constant 128 : i32
        %mul3A_96 = arith.muli %mul3A_95, %add3A_94 : i32
        %dma_wait3A_97 = arith.constant 0 : i32
        %dma_wait3A_98 = tpu.memref_slice %arg2[%dma_wait3A_97, %mul3A_96] : memref<64x1000000xf32, #tpu.memory_space<hbm>> -> memref<64x128xf32, #tpu.memory_space<hbm>>
        %dma_wait3A_99 = arith.constant 0 : i32
        %dma_wait3A_100 = tpu.memref_slice %arg2[%dma_wait3A_99, %mul3A_96] : memref<64x1000000xf32, #tpu.memory_space<hbm>> -> memref<64x128xf32, #tpu.memory_space<hbm>>
        tpu.wait_dma2 semaphore(%arg11 : memref<!tpu.dma_semaphore, #tpu.memory_space<semaphore_mem>>) src(%dma_wait3A_100 : memref<64x128xf32, #tpu.memory_space<hbm>>) dst(%arg5 : memref<64x128xf32, #tpu.memory_space<vmem>>)
        %add3A_101 = arith.constant 1 : i32
        %add3A_102 = arith.addi %add3A_83, %add3A_101 : i32
        %mul3A_103 = arith.constant 32 : i32
        %mul3A_104 = arith.muli %add3A_102, %mul3A_103 : i32
        %add3A_105 = arith.addi %mul3A_104, %add3A : i32
        %lt3A_106 = arith.constant 7812 : i32
        %lt3A_107 = arith.cmpi slt, %add3A_105, %lt3A_106 : i32
        %convert_element_type3A_108 = arith.extui %lt3A_107 : i1 to i32
        %cond3A_109 = arith.constant 0 : i32
        %cond3A_110 = arith.cmpi ne, %convert_element_type3A_108, %cond3A_109 : i32
        scf.if %cond3A_110 {
          %mul3A_121 = arith.constant 128 : i32
          %mul3A_122 = arith.muli %mul3A_121, %add3A_105 : i32
          %dma_start3A_123 = arith.constant 0 : i32
          %dma_start3A_124 = tpu.memref_slice %arg2[%dma_start3A_123, %mul3A_122] : memref<64x1000000xf32, #tpu.memory_space<hbm>> -> memref<64x128xf32, #tpu.memory_space<hbm>>
          %dma_start3A_125 = arith.constant 0 : i32
          %dma_start3A_126 = tpu.memref_slice %arg2[%dma_start3A_125, %mul3A_122] : memref<64x1000000xf32, #tpu.memory_space<hbm>> -> memref<64x128xf32, #tpu.memory_space<hbm>>
          tpu.enqueue_dma source(%dma_start3A_126 : memref<64x128xf32, #tpu.memory_space<hbm>>) target(%arg4 : memref<64x128xf32, #tpu.memory_space<vmem>>) target_semaphore(%arg10 : memref<!tpu.dma_semaphore, #tpu.memory_space<semaphore_mem>>)
        } else {
        }
        %ge3A = arith.constant 2 : i32
        %ge3A_111 = arith.cmpi sge, %add3A_83, %ge3A : i32
        %convert_element_type3A_112 = arith.extui %ge3A_111 : i1 to i32
        %cond3A_113 = arith.constant 0 : i32
        %cond3A_114 = arith.cmpi ne, %convert_element_type3A_112, %cond3A_113 : i32
        scf.if %cond3A_114 {
          %mul3A_121 = arith.constant 8192 : i32
          %mul3A_122 = arith.muli %mul3A_121, %add3A : i32
          %dma_wait3A_123 = tpu.memref_slice %arg3[%mul3A_122] : memref<64000000xf32, #tpu.memory_space<hbm>> -> memref<8192xf32, #tpu.memory_space<hbm>>
          %dma_wait3A_124 = tpu.memref_slice %arg3[%mul3A_122] : memref<64000000xf32, #tpu.memory_space<hbm>> -> memref<8192xf32, #tpu.memory_space<hbm>>
          tpu.wait_dma2 semaphore(%arg13 : memref<!tpu.dma_semaphore, #tpu.memory_space<semaphore_mem>>) src(%arg8 : memref<8192xf32, #tpu.memory_space<vmem>>) dst(%dma_wait3A_124 : memref<8192xf32, #tpu.memory_space<hbm>>)
        } else {
        }
        %parallel_loop3A = arith.constant 0 : i32
        %parallel_loop3A_115 = arith.constant 64 : i32
        %parallel_loop3A_116 = arith.constant 1 : i32
        scf.for %parallel_loop3A_121 = %parallel_loop3A to %parallel_loop3A_115 step %parallel_loop3A_116  : i32 {
          %parallel_loop3A_122 = vector.broadcast %parallel_loop3A_121 : i32 to vector<16xi32>
          %parallel_loop3A_123 = arith.addi %parallel_loop3A_122, %iota3A : vector<16xi32>
          %parallel_loop3A_124 = arith.constant 63 : i32
          %parallel_loop3A_125 = vector.broadcast %parallel_loop3A_124 : i32 to vector<16xi32>
          %parallel_loop3A_126 = arith.andi %parallel_loop3A_123, %parallel_loop3A_125 : vector<16xi32>
          %parallel_loop3A_127 = tpu.vector_load_idx %arg5[%parallel_loop3A_126, %add3A_3] : memref<64x128xf32, #tpu.memory_space<vmem>>[vector<16xi32>, vector<16xi32>], vector<16xf32>,
          %parallel_loop3A_128 = arith.addi %mul3A_27, %parallel_loop3A_126 : vector<16xi32>
          tpu.vector_store_idx %arg8[%parallel_loop3A_128], %parallel_loop3A_127 : memref<8192xf32, #tpu.memory_space<vmem>>[vector<16xi32>], vector<16xf32>,
          %parallel_loop3A_129 = tpu.vector_load_idx %arg5[%parallel_loop3A_126, %add3A_6] : memref<64x128xf32, #tpu.memory_space<vmem>>[vector<16xi32>, vector<16xi32>], vector<16xf32>,
          %parallel_loop3A_130 = arith.addi %mul3A_30, %parallel_loop3A_126 : vector<16xi32>
          tpu.vector_store_idx %arg8[%parallel_loop3A_130], %parallel_loop3A_129 : memref<8192xf32, #tpu.memory_space<vmem>>[vector<16xi32>], vector<16xf32>,
          %parallel_loop3A_131 = tpu.vector_load_idx %arg5[%parallel_loop3A_126, %add3A_9] : memref<64x128xf32, #tpu.memory_space<vmem>>[vector<16xi32>, vector<16xi32>], vector<16xf32>,
          %parallel_loop3A_132 = arith.addi %mul3A_33, %parallel_loop3A_126 : vector<16xi32>
          tpu.vector_store_idx %arg8[%parallel_loop3A_132], %parallel_loop3A_131 : memref<8192xf32, #tpu.memory_space<vmem>>[vector<16xi32>], vector<16xf32>,
          %parallel_loop3A_133 = tpu.vector_load_idx %arg5[%parallel_loop3A_126, %add3A_12] : memref<64x128xf32, #tpu.memory_space<vmem>>[vector<16xi32>, vector<16xi32>], vector<16xf32>,
          %parallel_loop3A_134 = arith.addi %mul3A_36, %parallel_loop3A_126 : vector<16xi32>
          tpu.vector_store_idx %arg8[%parallel_loop3A_134], %parallel_loop3A_133 : memref<8192xf32, #tpu.memory_space<vmem>>[vector<16xi32>], vector<16xf32>,
          %parallel_loop3A_135 = tpu.vector_load_idx %arg5[%parallel_loop3A_126, %add3A_15] : memref<64x128xf32, #tpu.memory_space<vmem>>[vector<16xi32>, vector<16xi32>], vector<16xf32>,
          %parallel_loop3A_136 = arith.addi %mul3A_39, %parallel_loop3A_126 : vector<16xi32>
          tpu.vector_store_idx %arg8[%parallel_loop3A_136], %parallel_loop3A_135 : memref<8192xf32, #tpu.memory_space<vmem>>[vector<16xi32>], vector<16xf32>,
          %parallel_loop3A_137 = tpu.vector_load_idx %arg5[%parallel_loop3A_126, %add3A_18] : memref<64x128xf32, #tpu.memory_space<vmem>>[vector<16xi32>, vector<16xi32>], vector<16xf32>,
          %parallel_loop3A_138 = arith.addi %mul3A_42, %parallel_loop3A_126 : vector<16xi32>
          tpu.vector_store_idx %arg8[%parallel_loop3A_138], %parallel_loop3A_137 : memref<8192xf32, #tpu.memory_space<vmem>>[vector<16xi32>], vector<16xf32>,
          %parallel_loop3A_139 = tpu.vector_load_idx %arg5[%parallel_loop3A_126, %add3A_21] : memref<64x128xf32, #tpu.memory_space<vmem>>[vector<16xi32>, vector<16xi32>], vector<16xf32>,
          %parallel_loop3A_140 = arith.addi %mul3A_45, %parallel_loop3A_126 : vector<16xi32>
          tpu.vector_store_idx %arg8[%parallel_loop3A_140], %parallel_loop3A_139 : memref<8192xf32, #tpu.memory_space<vmem>>[vector<16xi32>], vector<16xf32>,
          %parallel_loop3A_141 = tpu.vector_load_idx %arg5[%parallel_loop3A_126, %add3A_24] : memref<64x128xf32, #tpu.memory_space<vmem>>[vector<16xi32>, vector<16xi32>], vector<16xf32>,
          %parallel_loop3A_142 = arith.addi %mul3A_48, %parallel_loop3A_126 : vector<16xi32>
          tpu.vector_store_idx %arg8[%parallel_loop3A_142], %parallel_loop3A_141 : memref<8192xf32, #tpu.memory_space<vmem>>[vector<16xi32>], vector<16xf32>,
        } {sc.loop_unroll_factor = 8 : i64, sc.parallel_access}
        %mul3A_117 = arith.constant 8192 : i32
        %mul3A_118 = arith.muli %mul3A_117, %add3A_94 : i32
        %dma_start3A_119 = tpu.memref_slice %arg3[%mul3A_118] : memref<64000000xf32, #tpu.memory_space<hbm>> -> memref<8192xf32, #tpu.memory_space<hbm>>
        %dma_start3A_120 = tpu.memref_slice %arg3[%mul3A_118] : memref<64000000xf32, #tpu.memory_space<hbm>> -> memref<8192xf32, #tpu.memory_space<hbm>>
        tpu.enqueue_dma source(%arg8 : memref<8192xf32, #tpu.memory_space<vmem>>) target(%dma_start3A_120 : memref<8192xf32, #tpu.memory_space<hbm>>) target_semaphore(%arg13 : memref<!tpu.dma_semaphore, #tpu.memory_space<semaphore_mem>>)
      } else {
      }
    }
    %scan3A_58 = arith.constant 123 : i32
    %mul3A_59 = arith.constant 8192 : i32
    %mul3A_60 = arith.muli %mul3A_59, %add3A : i32
    %dma_wait3A = tpu.memref_slice %arg3[%mul3A_60] : memref<64000000xf32, #tpu.memory_space<hbm>> -> memref<8192xf32, #tpu.memory_space<hbm>>
    %dma_wait3A_61 = tpu.memref_slice %arg3[%mul3A_60] : memref<64000000xf32, #tpu.memory_space<hbm>> -> memref<8192xf32, #tpu.memory_space<hbm>>
    tpu.wait_dma2 semaphore(%arg12 : memref<!tpu.dma_semaphore, #tpu.memory_space<semaphore_mem>>) src(%arg7 : memref<8192xf32, #tpu.memory_space<vmem>>) dst(%dma_wait3A_61 : memref<8192xf32, #tpu.memory_space<hbm>>)
    %mul3A_62 = arith.constant 8192 : i32
    %mul3A_63 = arith.muli %mul3A_62, %add3A : i32
    %dma_wait3A_64 = tpu.memref_slice %arg3[%mul3A_63] : memref<64000000xf32, #tpu.memory_space<hbm>> -> memref<8192xf32, #tpu.memory_space<hbm>>
    %dma_wait3A_65 = tpu.memref_slice %arg3[%mul3A_63] : memref<64000000xf32, #tpu.memory_space<hbm>> -> memref<8192xf32, #tpu.memory_space<hbm>>
    tpu.wait_dma2 semaphore(%arg13 : memref<!tpu.dma_semaphore, #tpu.memory_space<semaphore_mem>>) src(%arg8 : memref<8192xf32, #tpu.memory_space<vmem>>) dst(%dma_wait3A_65 : memref<8192xf32, #tpu.memory_space<hbm>>)
    %eq3A = arith.constant 31 : i32
    %eq3A_66 = arith.cmpi eq, %add3A, %eq3A : i32
    %convert_element_type3A = arith.extui %eq3A_66 : i1 to i32
    %cond3A = arith.constant 0 : i32
    %cond3A_67 = arith.cmpi ne, %convert_element_type3A, %cond3A : i32
    scf.if %cond3A_67 {
      "tpu.region"() ({
        %run_scoped3A = tpu.sem_alloc : memref<!tpu.dma_semaphore, #tpu.memory_space<semaphore_mem>>
        %dma_start3A_70 = arith.constant 0 : i32
        %dma_start3A_71 = arith.constant 999936 : i32
        %dma_start3A_72 = tpu.memref_slice %arg2[%dma_start3A_70, %dma_start3A_71] : memref<64x1000000xf32, #tpu.memory_space<hbm>> -> memref<64x64xf32, #tpu.memory_space<hbm>>
        %dma_start3A_73 = arith.constant 0 : i32
        %dma_start3A_74 = arith.constant 999936 : i32
        %dma_start3A_75 = tpu.memref_slice %arg2[%dma_start3A_73, %dma_start3A_74] : memref<64x1000000xf32, #tpu.memory_space<hbm>> -> memref<64x64xf32, #tpu.memory_space<hbm>>
        tpu.enqueue_dma source(%dma_start3A_75 : memref<64x64xf32, #tpu.memory_space<hbm>>) target(%arg6 : memref<64x64xf32, #tpu.memory_space<vmem>>) target_semaphore(%run_scoped3A : memref<!tpu.dma_semaphore, #tpu.memory_space<semaphore_mem>>)
        %dma_wait3A_76 = arith.constant 0 : i32
        %dma_wait3A_77 = arith.constant 999936 : i32
        %dma_wait3A_78 = tpu.memref_slice %arg2[%dma_wait3A_76, %dma_wait3A_77] : memref<64x1000000xf32, #tpu.memory_space<hbm>> -> memref<64x64xf32, #tpu.memory_space<hbm>>
        %dma_wait3A_79 = arith.constant 0 : i32
        %dma_wait3A_80 = arith.constant 999936 : i32
        %dma_wait3A_81 = tpu.memref_slice %arg2[%dma_wait3A_79, %dma_wait3A_80] : memref<64x1000000xf32, #tpu.memory_space<hbm>> -> memref<64x64xf32, #tpu.memory_space<hbm>>
        tpu.wait_dma2 semaphore(%run_scoped3A : memref<!tpu.dma_semaphore, #tpu.memory_space<semaphore_mem>>) src(%dma_wait3A_81 : memref<64x64xf32, #tpu.memory_space<hbm>>) dst(%arg6 : memref<64x64xf32, #tpu.memory_space<vmem>>)
        tpu.yield
      }) : () -> ()
      %parallel_loop3A = arith.constant 0 : i32
      %parallel_loop3A_68 = arith.constant 64 : i32
      %parallel_loop3A_69 = arith.constant 1 : i32
      scf.for %parallel_loop3A_70 = %parallel_loop3A to %parallel_loop3A_68 step %parallel_loop3A_69  : i32 {
        %parallel_loop3A_71 = vector.broadcast %parallel_loop3A_70 : i32 to vector<16xi32>
        %parallel_loop3A_72 = arith.addi %parallel_loop3A_71, %iota3A : vector<16xi32>
        %parallel_loop3A_73 = arith.constant 63 : i32
        %parallel_loop3A_74 = vector.broadcast %parallel_loop3A_73 : i32 to vector<16xi32>
        %parallel_loop3A_75 = arith.andi %parallel_loop3A_72, %parallel_loop3A_74 : vector<16xi32>
        %parallel_loop3A_76 = tpu.vector_load_idx %arg6[%parallel_loop3A_75, %add3A_3] : memref<64x64xf32, #tpu.memory_space<vmem>>[vector<16xi32>, vector<16xi32>], vector<16xf32>,
        %parallel_loop3A_77 = arith.addi %mul3A_27, %parallel_loop3A_75 : vector<16xi32>
        tpu.vector_store_idx %arg9[%parallel_loop3A_77], %parallel_loop3A_76 : memref<4096xf32, #tpu.memory_space<vmem>>[vector<16xi32>], vector<16xf32>,
        %parallel_loop3A_78 = tpu.vector_load_idx %arg6[%parallel_loop3A_75, %add3A_6] : memref<64x64xf32, #tpu.memory_space<vmem>>[vector<16xi32>, vector<16xi32>], vector<16xf32>,
        %parallel_loop3A_79 = arith.addi %mul3A_30, %parallel_loop3A_75 : vector<16xi32>
        tpu.vector_store_idx %arg9[%parallel_loop3A_79], %parallel_loop3A_78 : memref<4096xf32, #tpu.memory_space<vmem>>[vector<16xi32>], vector<16xf32>,
        %parallel_loop3A_80 = tpu.vector_load_idx %arg6[%parallel_loop3A_75, %add3A_9] : memref<64x64xf32, #tpu.memory_space<vmem>>[vector<16xi32>, vector<16xi32>], vector<16xf32>,
        %parallel_loop3A_81 = arith.addi %mul3A_33, %parallel_loop3A_75 : vector<16xi32>
        tpu.vector_store_idx %arg9[%parallel_loop3A_81], %parallel_loop3A_80 : memref<4096xf32, #tpu.memory_space<vmem>>[vector<16xi32>], vector<16xf32>,
        %parallel_loop3A_82 = tpu.vector_load_idx %arg6[%parallel_loop3A_75, %add3A_12] : memref<64x64xf32, #tpu.memory_space<vmem>>[vector<16xi32>, vector<16xi32>], vector<16xf32>,
        %parallel_loop3A_83 = arith.addi %mul3A_36, %parallel_loop3A_75 : vector<16xi32>
        tpu.vector_store_idx %arg9[%parallel_loop3A_83], %parallel_loop3A_82 : memref<4096xf32, #tpu.memory_space<vmem>>[vector<16xi32>], vector<16xf32>,
      } {sc.loop_unroll_factor = 8 : i64, sc.parallel_access}
      "tpu.region"() ({
        %run_scoped3A = tpu.sem_alloc : memref<!tpu.dma_semaphore, #tpu.memory_space<semaphore_mem>>
        %dma_start3A_70 = arith.constant 63995904 : i32
        %dma_start3A_71 = tpu.memref_slice %arg3[%dma_start3A_70] : memref<64000000xf32, #tpu.memory_space<hbm>> -> memref<4096xf32, #tpu.memory_space<hbm>>
        %dma_start3A_72 = arith.constant 63995904 : i32
        %dma_start3A_73 = tpu.memref_slice %arg3[%dma_start3A_72] : memref<64000000xf32, #tpu.memory_space<hbm>> -> memref<4096xf32, #tpu.memory_space<hbm>>
        tpu.enqueue_dma source(%arg9 : memref<4096xf32, #tpu.memory_space<vmem>>) target(%dma_start3A_73 : memref<4096xf32, #tpu.memory_space<hbm>>) target_semaphore(%run_scoped3A : memref<!tpu.dma_semaphore, #tpu.memory_space<semaphore_mem>>)
        %dma_wait3A_74 = arith.constant 63995904 : i32
        %dma_wait3A_75 = tpu.memref_slice %arg3[%dma_wait3A_74] : memref<64000000xf32, #tpu.memory_space<hbm>> -> memref<4096xf32, #tpu.memory_space<hbm>>
        %dma_wait3A_76 = arith.constant 63995904 : i32
        %dma_wait3A_77 = tpu.memref_slice %arg3[%dma_wait3A_76] : memref<64000000xf32, #tpu.memory_space<hbm>> -> memref<4096xf32, #tpu.memory_space<hbm>>
        tpu.wait_dma2 semaphore(%run_scoped3A : memref<!tpu.dma_semaphore, #tpu.memory_space<semaphore_mem>>) src(%arg9 : memref<4096xf32, #tpu.memory_space<vmem>>) dst(%dma_wait3A_77 : memref<4096xf32, #tpu.memory_space<hbm>>)
        tpu.yield
      }) : () -> ()
    } else {
    }
    return
  }
}

#map = affine_map<(d0, d1) -> (0, 0)>
#map1 = affine_map<(d0, d1) -> (0, 0, 0, 0, 0)>
module attributes {stable_mosaic.version = 14 : i64} {
  func.func @_k23_body(%arg0: i32, %arg1: i32, %arg2: memref<1000000x64xf32, #tpu.memory_space<hbm>>, %arg3: memref<200x4096xi32, #tpu.memory_space<hbm>>, %arg4: memref<200x8x32x8x128xf32, #tpu.memory_space<hbm>>, %arg5: memref<200x128xi32, #tpu.memory_space<vmem>>, %arg6: memref<128x64xf32, #tpu.memory_space<vmem>>, %arg7: memref<128x64xf32, #tpu.memory_space<vmem>>, %arg8: memref<8x8x128xf32, #tpu.memory_space<vmem>>, %arg9: memref<8x8x128xf32, #tpu.memory_space<vmem>>, %arg10: memref<!tpu.dma_semaphore, #tpu.memory_space<semaphore_mem>>, %arg11: memref<!tpu.dma_semaphore, #tpu.memory_space<semaphore_mem>>, %arg12: memref<!tpu.dma_semaphore, #tpu.memory_space<semaphore_mem>>, %arg13: memref<!tpu.dma_semaphore, #tpu.memory_space<semaphore_mem>>) attributes {dimension_semantics = [#tpu.dimension_semantics<core_parallel>, #tpu.dimension_semantics<subcore_parallel>], iteration_bounds = array<i64: 2, 16>, scalar_prefetch = 0 : i64, scratch_operands = 9 : i64, tpu.core_type = #tpu.core_type<sc_vector_subcore>, window_params = [{transform_indices = #map}, {transform_indices = #map}, {transform_indices = #map1}]} {
    %mul3A = arith.constant 2 : i32
    %mul3A_0 = arith.muli %arg1, %mul3A : i32
    %add3A = arith.addi %mul3A_0, %arg0 : i32
    %iota3A = tpu.iota {dimensions = array<i32: 0>} : vector<16xi32>
    %mul3A_1 = arith.constant 128 : i32
    %mul3A_2 = arith.muli %mul3A_1, %add3A : i32
    "tpu.region"() ({
      %run_scoped3A = tpu.sem_alloc : memref<!tpu.dma_semaphore, #tpu.memory_space<semaphore_mem>>
      %dma_start3A_59 = arith.constant 0 : i32
      %dma_start3A_60 = tpu.memref_slice %arg3[%dma_start3A_59, %mul3A_2] : memref<200x4096xi32, #tpu.memory_space<hbm>> -> memref<200x128xi32, #tpu.memory_space<hbm>>
      %dma_start3A_61 = arith.constant 0 : i32
      %dma_start3A_62 = tpu.memref_slice %arg3[%dma_start3A_61, %mul3A_2] : memref<200x4096xi32, #tpu.memory_space<hbm>> -> memref<200x128xi32, #tpu.memory_space<hbm>>
      tpu.enqueue_dma source(%dma_start3A_62 : memref<200x128xi32, #tpu.memory_space<hbm>>) target(%arg5 : memref<200x128xi32, #tpu.memory_space<vmem>>) target_semaphore(%run_scoped3A : memref<!tpu.dma_semaphore, #tpu.memory_space<semaphore_mem>>)
      %dma_wait3A_63 = arith.constant 0 : i32
      %dma_wait3A_64 = tpu.memref_slice %arg3[%dma_wait3A_63, %mul3A_2] : memref<200x4096xi32, #tpu.memory_space<hbm>> -> memref<200x128xi32, #tpu.memory_space<hbm>>
      %dma_wait3A_65 = arith.constant 0 : i32
      %dma_wait3A_66 = tpu.memref_slice %arg3[%dma_wait3A_65, %mul3A_2] : memref<200x4096xi32, #tpu.memory_space<hbm>> -> memref<200x128xi32, #tpu.memory_space<hbm>>
      tpu.wait_dma2 semaphore(%run_scoped3A : memref<!tpu.dma_semaphore, #tpu.memory_space<semaphore_mem>>) src(%dma_wait3A_66 : memref<200x128xi32, #tpu.memory_space<hbm>>) dst(%arg5 : memref<200x128xi32, #tpu.memory_space<vmem>>)
      tpu.yield
    }) : () -> ()
    %add3A_3 = arith.constant 0 : i32
    %add3A_4 = vector.broadcast %add3A_3 : i32 to vector<16xi32>
    %add3A_5 = arith.addi %add3A_4, %iota3A : vector<16xi32>
    %add3A_6 = arith.constant 16 : i32
    %add3A_7 = vector.broadcast %add3A_6 : i32 to vector<16xi32>
    %add3A_8 = arith.addi %add3A_7, %iota3A : vector<16xi32>
    %add3A_9 = arith.constant 32 : i32
    %add3A_10 = vector.broadcast %add3A_9 : i32 to vector<16xi32>
    %add3A_11 = arith.addi %add3A_10, %iota3A : vector<16xi32>
    %add3A_12 = arith.constant 48 : i32
    %add3A_13 = vector.broadcast %add3A_12 : i32 to vector<16xi32>
    %add3A_14 = arith.addi %add3A_13, %iota3A : vector<16xi32>
    %add3A_15 = arith.constant 64 : i32
    %add3A_16 = vector.broadcast %add3A_15 : i32 to vector<16xi32>
    %add3A_17 = arith.addi %add3A_16, %iota3A : vector<16xi32>
    %add3A_18 = arith.constant 80 : i32
    %add3A_19 = vector.broadcast %add3A_18 : i32 to vector<16xi32>
    %add3A_20 = arith.addi %add3A_19, %iota3A : vector<16xi32>
    %add3A_21 = arith.constant 96 : i32
    %add3A_22 = vector.broadcast %add3A_21 : i32 to vector<16xi32>
    %add3A_23 = arith.addi %add3A_22, %iota3A : vector<16xi32>
    %add3A_24 = arith.constant 112 : i32
    %add3A_25 = vector.broadcast %add3A_24 : i32 to vector<16xi32>
    %add3A_26 = arith.addi %add3A_25, %iota3A : vector<16xi32>
    %dma_start3A = arith.constant 0 : i32
    %dma_start3A_27 = arith.constant 0 : i32
    %dma_start3A_28 = tpu.memref_slice %arg5[%dma_start3A, %dma_start3A_27] : memref<200x128xi32, #tpu.memory_space<vmem>> -> memref<1x128xi32, #tpu.memory_space<vmem>>
    %dma_start3A_29 = tpu.memref_squeeze %dma_start3A_28 : memref<1x128xi32, #tpu.memory_space<vmem>> -> memref<128xi32, #tpu.memory_space<vmem>>
    %dma_start3A_30 = arith.constant 0 : i32
    %dma_start3A_31 = arith.constant 0 : i32
    %dma_start3A_32 = tpu.memref_slice %arg2[%dma_start3A_30, %dma_start3A_31] : memref<1000000x64xf32, #tpu.memory_space<hbm>> -> memref<1000000x64xf32, #tpu.memory_space<hbm>>
    tpu.enqueue_indirect_dma source(%dma_start3A_32 : memref<1000000x64xf32, #tpu.memory_space<hbm>>) target(%arg6 : memref<128x64xf32, #tpu.memory_space<vmem>>) offsets(%dma_start3A_29 : memref<128xi32, #tpu.memory_space<vmem>>) semaphore(%arg10 : memref<!tpu.dma_semaphore, #tpu.memory_space<semaphore_mem>>)
    %scan3A = arith.constant 0 : i32
    %scan3A_33 = arith.constant 0 : i32
    %scan3A_34 = arith.constant 100 : i32
    %scan3A_35 = arith.addi %scan3A_33, %scan3A_34 : i32
    %scan3A_36 = arith.constant 1 : i32
    scf.for %scan3A_59 = %scan3A_33 to %scan3A_35 step %scan3A_36  : i32 {
      %mul3A_60 = arith.constant 2 : i32
      %mul3A_61 = arith.muli %mul3A_60, %scan3A_59 : i32
      %add3A_62 = arith.constant 0 : i32
      %add3A_63 = arith.addi %mul3A_61, %add3A_62 : i32
      %dma_wait3A_64 = arith.constant 0 : i32
      %dma_wait3A_65 = tpu.memref_slice %arg5[%add3A_63, %dma_wait3A_64] : memref<200x128xi32, #tpu.memory_space<vmem>> -> memref<1x128xi32, #tpu.memory_space<vmem>>
      %dma_wait3A_66 = tpu.memref_squeeze %dma_wait3A_65 : memref<1x128xi32, #tpu.memory_space<vmem>> -> memref<128xi32, #tpu.memory_space<vmem>>
      %dma_wait3A_67 = arith.constant 0 : i32
      %dma_wait3A_68 = arith.constant 0 : i32
      %dma_wait3A_69 = tpu.memref_slice %arg2[%dma_wait3A_67, %dma_wait3A_68] : memref<1000000x64xf32, #tpu.memory_space<hbm>> -> memref<1000000x64xf32, #tpu.memory_space<hbm>>
      tpu.wait_indirect_dma semaphore(%arg10 : memref<!tpu.dma_semaphore, #tpu.memory_space<semaphore_mem>>) src(%dma_wait3A_69 : memref<1000000x64xf32, #tpu.memory_space<hbm>>) dst(%arg6 : memref<128x64xf32, #tpu.memory_space<vmem>>)
      %add3A_70 = arith.constant 1 : i32
      %add3A_71 = arith.addi %add3A_63, %add3A_70 : i32
      %lt3A = arith.constant 200 : i32
      %lt3A_72 = arith.cmpi slt, %add3A_71, %lt3A : i32
      %convert_element_type3A = arith.extui %lt3A_72 : i1 to i32
      %cond3A = arith.constant 0 : i32
      %cond3A_73 = arith.cmpi ne, %convert_element_type3A, %cond3A : i32
      scf.if %cond3A_73 {
        %add3A_125 = arith.constant 1 : i32
        %add3A_126 = arith.addi %add3A_63, %add3A_125 : i32
        %dma_start3A_127 = arith.constant 0 : i32
        %dma_start3A_128 = tpu.memref_slice %arg5[%add3A_126, %dma_start3A_127] : memref<200x128xi32, #tpu.memory_space<vmem>> -> memref<1x128xi32, #tpu.memory_space<vmem>>
        %dma_start3A_129 = tpu.memref_squeeze %dma_start3A_128 : memref<1x128xi32, #tpu.memory_space<vmem>> -> memref<128xi32, #tpu.memory_space<vmem>>
        %dma_start3A_130 = arith.constant 0 : i32
        %dma_start3A_131 = arith.constant 0 : i32
        %dma_start3A_132 = tpu.memref_slice %arg2[%dma_start3A_130, %dma_start3A_131] : memref<1000000x64xf32, #tpu.memory_space<hbm>> -> memref<1000000x64xf32, #tpu.memory_space<hbm>>
        tpu.enqueue_indirect_dma source(%dma_start3A_132 : memref<1000000x64xf32, #tpu.memory_space<hbm>>) target(%arg7 : memref<128x64xf32, #tpu.memory_space<vmem>>) offsets(%dma_start3A_129 : memref<128xi32, #tpu.memory_space<vmem>>) semaphore(%arg11 : memref<!tpu.dma_semaphore, #tpu.memory_space<semaphore_mem>>)
      } else {
      }
      %ge3A = arith.constant 2 : i32
      %ge3A_74 = arith.cmpi sge, %add3A_63, %ge3A : i32
      %convert_element_type3A_75 = arith.extui %ge3A_74 : i1 to i32
      %cond3A_76 = arith.constant 0 : i32
      %cond3A_77 = arith.cmpi ne, %convert_element_type3A_75, %cond3A_76 : i32
      scf.if %cond3A_77 {
        %dma_wait3A_125 = arith.constant 0 : i32
        %dma_wait3A_126 = arith.constant 0 : i32
        %dma_wait3A_127 = arith.constant 0 : i32
        %dma_wait3A_128 = arith.constant 0 : i32
        %dma_wait3A_129 = tpu.memref_slice %arg4[%dma_wait3A_125, %dma_wait3A_126, %add3A, %dma_wait3A_127, %dma_wait3A_128] : memref<200x8x32x8x128xf32, #tpu.memory_space<hbm>> -> memref<1x8x1x8x128xf32, #tpu.memory_space<hbm>>
        %dma_wait3A_130 = tpu.memref_squeeze %dma_wait3A_129 : memref<1x8x1x8x128xf32, #tpu.memory_space<hbm>> -> memref<8x8x128xf32, #tpu.memory_space<hbm>>
        %dma_wait3A_131 = arith.constant 0 : i32
        %dma_wait3A_132 = arith.constant 0 : i32
        %dma_wait3A_133 = arith.constant 0 : i32
        %dma_wait3A_134 = tpu.memref_slice %arg4[%dma_wait3A_125, %dma_wait3A_131, %add3A, %dma_wait3A_132, %dma_wait3A_133] : memref<200x8x32x8x128xf32, #tpu.memory_space<hbm>> -> memref<1x8x1x8x128xf32, #tpu.memory_space<hbm>>
        %dma_wait3A_135 = tpu.memref_squeeze %dma_wait3A_134 : memref<1x8x1x8x128xf32, #tpu.memory_space<hbm>> -> memref<8x8x128xf32, #tpu.memory_space<hbm>>
        tpu.wait_dma2 semaphore(%arg12 : memref<!tpu.dma_semaphore, #tpu.memory_space<semaphore_mem>>) src(%arg8 : memref<8x8x128xf32, #tpu.memory_space<vmem>>) dst(%dma_wait3A_135 : memref<8x8x128xf32, #tpu.memory_space<hbm>>)
      } else {
      }
      %parallel_loop3A = arith.constant 0 : i32
      %parallel_loop3A_78 = arith.constant 64 : i32
      %parallel_loop3A_79 = arith.constant 1 : i32
      scf.for %parallel_loop3A_125 = %parallel_loop3A to %parallel_loop3A_78 step %parallel_loop3A_79  : i32 {
        %parallel_loop3A_126 = vector.broadcast %parallel_loop3A_125 : i32 to vector<16xi32>
        %parallel_loop3A_127 = arith.addi %parallel_loop3A_126, %iota3A : vector<16xi32>
        %parallel_loop3A_128 = arith.constant 63 : i32
        %parallel_loop3A_129 = vector.broadcast %parallel_loop3A_128 : i32 to vector<16xi32>
        %parallel_loop3A_130 = arith.andi %parallel_loop3A_127, %parallel_loop3A_129 : vector<16xi32>
        %parallel_loop3A_131 = arith.constant 3 : i32
        %parallel_loop3A_132 = vector.broadcast %parallel_loop3A_131 : i32 to vector<16xi32>
        %parallel_loop3A_133 = arith.shrui %parallel_loop3A_130, %parallel_loop3A_132 : vector<16xi32>
        %parallel_loop3A_134 = arith.constant 7 : i32
        %parallel_loop3A_135 = vector.broadcast %parallel_loop3A_134 : i32 to vector<16xi32>
        %parallel_loop3A_136 = arith.andi %parallel_loop3A_130, %parallel_loop3A_135 : vector<16xi32>
        %parallel_loop3A_137 = tpu.vector_load_idx %arg6[%add3A_5, %parallel_loop3A_130] : memref<128x64xf32, #tpu.memory_space<vmem>>[vector<16xi32>, vector<16xi32>], vector<16xf32>,
        tpu.vector_store_idx %arg8[%parallel_loop3A_133, %parallel_loop3A_136, %add3A_5], %parallel_loop3A_137 : memref<8x8x128xf32, #tpu.memory_space<vmem>>[vector<16xi32>, vector<16xi32>, vector<16xi32>], vector<16xf32>,
        %parallel_loop3A_138 = tpu.vector_load_idx %arg6[%add3A_8, %parallel_loop3A_130] : memref<128x64xf32, #tpu.memory_space<vmem>>[vector<16xi32>, vector<16xi32>], vector<16xf32>,
        tpu.vector_store_idx %arg8[%parallel_loop3A_133, %parallel_loop3A_136, %add3A_8], %parallel_loop3A_138 : memref<8x8x128xf32, #tpu.memory_space<vmem>>[vector<16xi32>, vector<16xi32>, vector<16xi32>], vector<16xf32>,
        %parallel_loop3A_139 = tpu.vector_load_idx %arg6[%add3A_11, %parallel_loop3A_130] : memref<128x64xf32, #tpu.memory_space<vmem>>[vector<16xi32>, vector<16xi32>], vector<16xf32>,
        tpu.vector_store_idx %arg8[%parallel_loop3A_133, %parallel_loop3A_136, %add3A_11], %parallel_loop3A_139 : memref<8x8x128xf32, #tpu.memory_space<vmem>>[vector<16xi32>, vector<16xi32>, vector<16xi32>], vector<16xf32>,
        %parallel_loop3A_140 = tpu.vector_load_idx %arg6[%add3A_14, %parallel_loop3A_130] : memref<128x64xf32, #tpu.memory_space<vmem>>[vector<16xi32>, vector<16xi32>], vector<16xf32>,
        tpu.vector_store_idx %arg8[%parallel_loop3A_133, %parallel_loop3A_136, %add3A_14], %parallel_loop3A_140 : memref<8x8x128xf32, #tpu.memory_space<vmem>>[vector<16xi32>, vector<16xi32>, vector<16xi32>], vector<16xf32>,
        %parallel_loop3A_141 = tpu.vector_load_idx %arg6[%add3A_17, %parallel_loop3A_130] : memref<128x64xf32, #tpu.memory_space<vmem>>[vector<16xi32>, vector<16xi32>], vector<16xf32>,
        tpu.vector_store_idx %arg8[%parallel_loop3A_133, %parallel_loop3A_136, %add3A_17], %parallel_loop3A_141 : memref<8x8x128xf32, #tpu.memory_space<vmem>>[vector<16xi32>, vector<16xi32>, vector<16xi32>], vector<16xf32>,
        %parallel_loop3A_142 = tpu.vector_load_idx %arg6[%add3A_20, %parallel_loop3A_130] : memref<128x64xf32, #tpu.memory_space<vmem>>[vector<16xi32>, vector<16xi32>], vector<16xf32>,
        tpu.vector_store_idx %arg8[%parallel_loop3A_133, %parallel_loop3A_136, %add3A_20], %parallel_loop3A_142 : memref<8x8x128xf32, #tpu.memory_space<vmem>>[vector<16xi32>, vector<16xi32>, vector<16xi32>], vector<16xf32>,
        %parallel_loop3A_143 = tpu.vector_load_idx %arg6[%add3A_23, %parallel_loop3A_130] : memref<128x64xf32, #tpu.memory_space<vmem>>[vector<16xi32>, vector<16xi32>], vector<16xf32>,
        tpu.vector_store_idx %arg8[%parallel_loop3A_133, %parallel_loop3A_136, %add3A_23], %parallel_loop3A_143 : memref<8x8x128xf32, #tpu.memory_space<vmem>>[vector<16xi32>, vector<16xi32>, vector<16xi32>], vector<16xf32>,
        %parallel_loop3A_144 = tpu.vector_load_idx %arg6[%add3A_26, %parallel_loop3A_130] : memref<128x64xf32, #tpu.memory_space<vmem>>[vector<16xi32>, vector<16xi32>], vector<16xf32>,
        tpu.vector_store_idx %arg8[%parallel_loop3A_133, %parallel_loop3A_136, %add3A_26], %parallel_loop3A_144 : memref<8x8x128xf32, #tpu.memory_space<vmem>>[vector<16xi32>, vector<16xi32>, vector<16xi32>], vector<16xf32>,
      } {sc.loop_unroll_factor = 8 : i64, sc.parallel_access}
      %dma_start3A_80 = arith.constant 0 : i32
      %dma_start3A_81 = arith.constant 0 : i32
      %dma_start3A_82 = arith.constant 0 : i32
      %dma_start3A_83 = tpu.memref_slice %arg4[%add3A_63, %dma_start3A_80, %add3A, %dma_start3A_81, %dma_start3A_82] : memref<200x8x32x8x128xf32, #tpu.memory_space<hbm>> -> memref<1x8x1x8x128xf32, #tpu.memory_space<hbm>>
      %dma_start3A_84 = tpu.memref_squeeze %dma_start3A_83 : memref<1x8x1x8x128xf32, #tpu.memory_space<hbm>> -> memref<8x8x128xf32, #tpu.memory_space<hbm>>
      %dma_start3A_85 = arith.constant 0 : i32
      %dma_start3A_86 = arith.constant 0 : i32
      %dma_start3A_87 = arith.constant 0 : i32
      %dma_start3A_88 = tpu.memref_slice %arg4[%add3A_63, %dma_start3A_85, %add3A, %dma_start3A_86, %dma_start3A_87] : memref<200x8x32x8x128xf32, #tpu.memory_space<hbm>> -> memref<1x8x1x8x128xf32, #tpu.memory_space<hbm>>
      %dma_start3A_89 = tpu.memref_squeeze %dma_start3A_88 : memref<1x8x1x8x128xf32, #tpu.memory_space<hbm>> -> memref<8x8x128xf32, #tpu.memory_space<hbm>>
      tpu.enqueue_dma source(%arg8 : memref<8x8x128xf32, #tpu.memory_space<vmem>>) target(%dma_start3A_89 : memref<8x8x128xf32, #tpu.memory_space<hbm>>) target_semaphore(%arg12 : memref<!tpu.dma_semaphore, #tpu.memory_space<semaphore_mem>>)
      %mul3A_90 = arith.constant 2 : i32
      %mul3A_91 = arith.muli %mul3A_90, %scan3A_59 : i32
      %add3A_92 = arith.constant 1 : i32
      %add3A_93 = arith.addi %mul3A_91, %add3A_92 : i32
      %dma_wait3A_94 = arith.constant 0 : i32
      %dma_wait3A_95 = tpu.memref_slice %arg5[%add3A_93, %dma_wait3A_94] : memref<200x128xi32, #tpu.memory_space<vmem>> -> memref<1x128xi32, #tpu.memory_space<vmem>>
      %dma_wait3A_96 = tpu.memref_squeeze %dma_wait3A_95 : memref<1x128xi32, #tpu.memory_space<vmem>> -> memref<128xi32, #tpu.memory_space<vmem>>
      %dma_wait3A_97 = arith.constant 0 : i32
      %dma_wait3A_98 = arith.constant 0 : i32
      %dma_wait3A_99 = tpu.memref_slice %arg2[%dma_wait3A_97, %dma_wait3A_98] : memref<1000000x64xf32, #tpu.memory_space<hbm>> -> memref<1000000x64xf32, #tpu.memory_space<hbm>>
      tpu.wait_indirect_dma semaphore(%arg11 : memref<!tpu.dma_semaphore, #tpu.memory_space<semaphore_mem>>) src(%dma_wait3A_99 : memref<1000000x64xf32, #tpu.memory_space<hbm>>) dst(%arg7 : memref<128x64xf32, #tpu.memory_space<vmem>>)
      %add3A_100 = arith.constant 1 : i32
      %add3A_101 = arith.addi %add3A_93, %add3A_100 : i32
      %lt3A_102 = arith.constant 200 : i32
      %lt3A_103 = arith.cmpi slt, %add3A_101, %lt3A_102 : i32
      %convert_element_type3A_104 = arith.extui %lt3A_103 : i1 to i32
      %cond3A_105 = arith.constant 0 : i32
      %cond3A_106 = arith.cmpi ne, %convert_element_type3A_104, %cond3A_105 : i32
      scf.if %cond3A_106 {
        %add3A_125 = arith.constant 1 : i32
        %add3A_126 = arith.addi %add3A_93, %add3A_125 : i32
        %dma_start3A_127 = arith.constant 0 : i32
        %dma_start3A_128 = tpu.memref_slice %arg5[%add3A_126, %dma_start3A_127] : memref<200x128xi32, #tpu.memory_space<vmem>> -> memref<1x128xi32, #tpu.memory_space<vmem>>
        %dma_start3A_129 = tpu.memref_squeeze %dma_start3A_128 : memref<1x128xi32, #tpu.memory_space<vmem>> -> memref<128xi32, #tpu.memory_space<vmem>>
        %dma_start3A_130 = arith.constant 0 : i32
        %dma_start3A_131 = arith.constant 0 : i32
        %dma_start3A_132 = tpu.memref_slice %arg2[%dma_start3A_130, %dma_start3A_131] : memref<1000000x64xf32, #tpu.memory_space<hbm>> -> memref<1000000x64xf32, #tpu.memory_space<hbm>>
        tpu.enqueue_indirect_dma source(%dma_start3A_132 : memref<1000000x64xf32, #tpu.memory_space<hbm>>) target(%arg6 : memref<128x64xf32, #tpu.memory_space<vmem>>) offsets(%dma_start3A_129 : memref<128xi32, #tpu.memory_space<vmem>>) semaphore(%arg10 : memref<!tpu.dma_semaphore, #tpu.memory_space<semaphore_mem>>)
      } else {
      }
      %ge3A_107 = arith.constant 2 : i32
      %ge3A_108 = arith.cmpi sge, %add3A_93, %ge3A_107 : i32
      %convert_element_type3A_109 = arith.extui %ge3A_108 : i1 to i32
      %cond3A_110 = arith.constant 0 : i32
      %cond3A_111 = arith.cmpi ne, %convert_element_type3A_109, %cond3A_110 : i32
      scf.if %cond3A_111 {
        %dma_wait3A_125 = arith.constant 0 : i32
        %dma_wait3A_126 = arith.constant 0 : i32
        %dma_wait3A_127 = arith.constant 0 : i32
        %dma_wait3A_128 = arith.constant 0 : i32
        %dma_wait3A_129 = tpu.memref_slice %arg4[%dma_wait3A_125, %dma_wait3A_126, %add3A, %dma_wait3A_127, %dma_wait3A_128] : memref<200x8x32x8x128xf32, #tpu.memory_space<hbm>> -> memref<1x8x1x8x128xf32, #tpu.memory_space<hbm>>
        %dma_wait3A_130 = tpu.memref_squeeze %dma_wait3A_129 : memref<1x8x1x8x128xf32, #tpu.memory_space<hbm>> -> memref<8x8x128xf32, #tpu.memory_space<hbm>>
        %dma_wait3A_131 = arith.constant 0 : i32
        %dma_wait3A_132 = arith.constant 0 : i32
        %dma_wait3A_133 = arith.constant 0 : i32
        %dma_wait3A_134 = tpu.memref_slice %arg4[%dma_wait3A_125, %dma_wait3A_131, %add3A, %dma_wait3A_132, %dma_wait3A_133] : memref<200x8x32x8x128xf32, #tpu.memory_space<hbm>> -> memref<1x8x1x8x128xf32, #tpu.memory_space<hbm>>
        %dma_wait3A_135 = tpu.memref_squeeze %dma_wait3A_134 : memref<1x8x1x8x128xf32, #tpu.memory_space<hbm>> -> memref<8x8x128xf32, #tpu.memory_space<hbm>>
        tpu.wait_dma2 semaphore(%arg13 : memref<!tpu.dma_semaphore, #tpu.memory_space<semaphore_mem>>) src(%arg9 : memref<8x8x128xf32, #tpu.memory_space<vmem>>) dst(%dma_wait3A_135 : memref<8x8x128xf32, #tpu.memory_space<hbm>>)
      } else {
      }
      %parallel_loop3A_112 = arith.constant 0 : i32
      %parallel_loop3A_113 = arith.constant 64 : i32
      %parallel_loop3A_114 = arith.constant 1 : i32
      scf.for %parallel_loop3A_125 = %parallel_loop3A_112 to %parallel_loop3A_113 step %parallel_loop3A_114  : i32 {
        %parallel_loop3A_126 = vector.broadcast %parallel_loop3A_125 : i32 to vector<16xi32>
        %parallel_loop3A_127 = arith.addi %parallel_loop3A_126, %iota3A : vector<16xi32>
        %parallel_loop3A_128 = arith.constant 63 : i32
        %parallel_loop3A_129 = vector.broadcast %parallel_loop3A_128 : i32 to vector<16xi32>
        %parallel_loop3A_130 = arith.andi %parallel_loop3A_127, %parallel_loop3A_129 : vector<16xi32>
        %parallel_loop3A_131 = arith.constant 3 : i32
        %parallel_loop3A_132 = vector.broadcast %parallel_loop3A_131 : i32 to vector<16xi32>
        %parallel_loop3A_133 = arith.shrui %parallel_loop3A_130, %parallel_loop3A_132 : vector<16xi32>
        %parallel_loop3A_134 = arith.constant 7 : i32
        %parallel_loop3A_135 = vector.broadcast %parallel_loop3A_134 : i32 to vector<16xi32>
        %parallel_loop3A_136 = arith.andi %parallel_loop3A_130, %parallel_loop3A_135 : vector<16xi32>
        %parallel_loop3A_137 = tpu.vector_load_idx %arg7[%add3A_5, %parallel_loop3A_130] : memref<128x64xf32, #tpu.memory_space<vmem>>[vector<16xi32>, vector<16xi32>], vector<16xf32>,
        tpu.vector_store_idx %arg9[%parallel_loop3A_133, %parallel_loop3A_136, %add3A_5], %parallel_loop3A_137 : memref<8x8x128xf32, #tpu.memory_space<vmem>>[vector<16xi32>, vector<16xi32>, vector<16xi32>], vector<16xf32>,
        %parallel_loop3A_138 = tpu.vector_load_idx %arg7[%add3A_8, %parallel_loop3A_130] : memref<128x64xf32, #tpu.memory_space<vmem>>[vector<16xi32>, vector<16xi32>], vector<16xf32>,
        tpu.vector_store_idx %arg9[%parallel_loop3A_133, %parallel_loop3A_136, %add3A_8], %parallel_loop3A_138 : memref<8x8x128xf32, #tpu.memory_space<vmem>>[vector<16xi32>, vector<16xi32>, vector<16xi32>], vector<16xf32>,
        %parallel_loop3A_139 = tpu.vector_load_idx %arg7[%add3A_11, %parallel_loop3A_130] : memref<128x64xf32, #tpu.memory_space<vmem>>[vector<16xi32>, vector<16xi32>], vector<16xf32>,
        tpu.vector_store_idx %arg9[%parallel_loop3A_133, %parallel_loop3A_136, %add3A_11], %parallel_loop3A_139 : memref<8x8x128xf32, #tpu.memory_space<vmem>>[vector<16xi32>, vector<16xi32>, vector<16xi32>], vector<16xf32>,
        %parallel_loop3A_140 = tpu.vector_load_idx %arg7[%add3A_14, %parallel_loop3A_130] : memref<128x64xf32, #tpu.memory_space<vmem>>[vector<16xi32>, vector<16xi32>], vector<16xf32>,
        tpu.vector_store_idx %arg9[%parallel_loop3A_133, %parallel_loop3A_136, %add3A_14], %parallel_loop3A_140 : memref<8x8x128xf32, #tpu.memory_space<vmem>>[vector<16xi32>, vector<16xi32>, vector<16xi32>], vector<16xf32>,
        %parallel_loop3A_141 = tpu.vector_load_idx %arg7[%add3A_17, %parallel_loop3A_130] : memref<128x64xf32, #tpu.memory_space<vmem>>[vector<16xi32>, vector<16xi32>], vector<16xf32>,
        tpu.vector_store_idx %arg9[%parallel_loop3A_133, %parallel_loop3A_136, %add3A_17], %parallel_loop3A_141 : memref<8x8x128xf32, #tpu.memory_space<vmem>>[vector<16xi32>, vector<16xi32>, vector<16xi32>], vector<16xf32>,
        %parallel_loop3A_142 = tpu.vector_load_idx %arg7[%add3A_20, %parallel_loop3A_130] : memref<128x64xf32, #tpu.memory_space<vmem>>[vector<16xi32>, vector<16xi32>], vector<16xf32>,
        tpu.vector_store_idx %arg9[%parallel_loop3A_133, %parallel_loop3A_136, %add3A_20], %parallel_loop3A_142 : memref<8x8x128xf32, #tpu.memory_space<vmem>>[vector<16xi32>, vector<16xi32>, vector<16xi32>], vector<16xf32>,
        %parallel_loop3A_143 = tpu.vector_load_idx %arg7[%add3A_23, %parallel_loop3A_130] : memref<128x64xf32, #tpu.memory_space<vmem>>[vector<16xi32>, vector<16xi32>], vector<16xf32>,
        tpu.vector_store_idx %arg9[%parallel_loop3A_133, %parallel_loop3A_136, %add3A_23], %parallel_loop3A_143 : memref<8x8x128xf32, #tpu.memory_space<vmem>>[vector<16xi32>, vector<16xi32>, vector<16xi32>], vector<16xf32>,
        %parallel_loop3A_144 = tpu.vector_load_idx %arg7[%add3A_26, %parallel_loop3A_130] : memref<128x64xf32, #tpu.memory_space<vmem>>[vector<16xi32>, vector<16xi32>], vector<16xf32>,
        tpu.vector_store_idx %arg9[%parallel_loop3A_133, %parallel_loop3A_136, %add3A_26], %parallel_loop3A_144 : memref<8x8x128xf32, #tpu.memory_space<vmem>>[vector<16xi32>, vector<16xi32>, vector<16xi32>], vector<16xf32>,
      } {sc.loop_unroll_factor = 8 : i64, sc.parallel_access}
      %dma_start3A_115 = arith.constant 0 : i32
      %dma_start3A_116 = arith.constant 0 : i32
      %dma_start3A_117 = arith.constant 0 : i32
      %dma_start3A_118 = tpu.memref_slice %arg4[%add3A_93, %dma_start3A_115, %add3A, %dma_start3A_116, %dma_start3A_117] : memref<200x8x32x8x128xf32, #tpu.memory_space<hbm>> -> memref<1x8x1x8x128xf32, #tpu.memory_space<hbm>>
      %dma_start3A_119 = tpu.memref_squeeze %dma_start3A_118 : memref<1x8x1x8x128xf32, #tpu.memory_space<hbm>> -> memref<8x8x128xf32, #tpu.memory_space<hbm>>
      %dma_start3A_120 = arith.constant 0 : i32
      %dma_start3A_121 = arith.constant 0 : i32
      %dma_start3A_122 = arith.constant 0 : i32
      %dma_start3A_123 = tpu.memref_slice %arg4[%add3A_93, %dma_start3A_120, %add3A, %dma_start3A_121, %dma_start3A_122] : memref<200x8x32x8x128xf32, #tpu.memory_space<hbm>> -> memref<1x8x1x8x128xf32, #tpu.memory_space<hbm>>
      %dma_start3A_124 = tpu.memref_squeeze %dma_start3A_123 : memref<1x8x1x8x128xf32, #tpu.memory_space<hbm>> -> memref<8x8x128xf32, #tpu.memory_space<hbm>>
      tpu.enqueue_dma source(%arg9 : memref<8x8x128xf32, #tpu.memory_space<vmem>>) target(%dma_start3A_124 : memref<8x8x128xf32, #tpu.memory_space<hbm>>) target_semaphore(%arg13 : memref<!tpu.dma_semaphore, #tpu.memory_space<semaphore_mem>>)
    }
    %scan3A_37 = arith.constant 100 : i32
    %dma_wait3A = arith.constant 0 : i32
    %dma_wait3A_38 = arith.constant 0 : i32
    %dma_wait3A_39 = arith.constant 0 : i32
    %dma_wait3A_40 = arith.constant 0 : i32
    %dma_wait3A_41 = tpu.memref_slice %arg4[%dma_wait3A, %dma_wait3A_38, %add3A, %dma_wait3A_39, %dma_wait3A_40] : memref<200x8x32x8x128xf32, #tpu.memory_space<hbm>> -> memref<1x8x1x8x128xf32, #tpu.memory_space<hbm>>
    %dma_wait3A_42 = tpu.memref_squeeze %dma_wait3A_41 : memref<1x8x1x8x128xf32, #tpu.memory_space<hbm>> -> memref<8x8x128xf32, #tpu.memory_space<hbm>>
    %dma_wait3A_43 = arith.constant 0 : i32
    %dma_wait3A_44 = arith.constant 0 : i32
    %dma_wait3A_45 = arith.constant 0 : i32
    %dma_wait3A_46 = tpu.memref_slice %arg4[%dma_wait3A, %dma_wait3A_43, %add3A, %dma_wait3A_44, %dma_wait3A_45] : memref<200x8x32x8x128xf32, #tpu.memory_space<hbm>> -> memref<1x8x1x8x128xf32, #tpu.memory_space<hbm>>
    %dma_wait3A_47 = tpu.memref_squeeze %dma_wait3A_46 : memref<1x8x1x8x128xf32, #tpu.memory_space<hbm>> -> memref<8x8x128xf32, #tpu.memory_space<hbm>>
    tpu.wait_dma2 semaphore(%arg12 : memref<!tpu.dma_semaphore, #tpu.memory_space<semaphore_mem>>) src(%arg8 : memref<8x8x128xf32, #tpu.memory_space<vmem>>) dst(%dma_wait3A_47 : memref<8x8x128xf32, #tpu.memory_space<hbm>>)
    %dma_wait3A_48 = arith.constant 0 : i32
    %dma_wait3A_49 = arith.constant 0 : i32
    %dma_wait3A_50 = arith.constant 0 : i32
    %dma_wait3A_51 = arith.constant 0 : i32
    %dma_wait3A_52 = tpu.memref_slice %arg4[%dma_wait3A_48, %dma_wait3A_49, %add3A, %dma_wait3A_50, %dma_wait3A_51] : memref<200x8x32x8x128xf32, #tpu.memory_space<hbm>> -> memref<1x8x1x8x128xf32, #tpu.memory_space<hbm>>
    %dma_wait3A_53 = tpu.memref_squeeze %dma_wait3A_52 : memref<1x8x1x8x128xf32, #tpu.memory_space<hbm>> -> memref<8x8x128xf32, #tpu.memory_space<hbm>>
    %dma_wait3A_54 = arith.constant 0 : i32
    %dma_wait3A_55 = arith.constant 0 : i32
    %dma_wait3A_56 = arith.constant 0 : i32
    %dma_wait3A_57 = tpu.memref_slice %arg4[%dma_wait3A_48, %dma_wait3A_54, %add3A, %dma_wait3A_55, %dma_wait3A_56] : memref<200x8x32x8x128xf32, #tpu.memory_space<hbm>> -> memref<1x8x1x8x128xf32, #tpu.memory_space<hbm>>
    %dma_wait3A_58 = tpu.memref_squeeze %dma_wait3A_57 : memref<1x8x1x8x128xf32, #tpu.memory_space<hbm>> -> memref<8x8x128xf32, #tpu.memory_space<hbm>>
    tpu.wait_dma2 semaphore(%arg13 : memref<!tpu.dma_semaphore, #tpu.memory_space<semaphore_mem>>) src(%arg9 : memref<8x8x128xf32, #tpu.memory_space<vmem>>) dst(%dma_wait3A_58 : memref<8x8x128xf32, #tpu.memory_space<hbm>>)
    return
  }
}

</mosaic_0001>

<sc_bundles>
// kernel: kernel.4.cloned.1.call-start
scs
__scs_entry_jumppad:
0x0: {  	(pc) =	sbr.rel $0x88, $3  }
0x1: {  	(tag) =	ssettag $0x0;
	lr =	simm.s32 $0x1  }
0x2: {  	[smem:$0x3F9F] =	sst lr;
	_ =	strace $0xD0000000  }
0x3: {  	_ = 	snop  }
0x4: {  	_ = 	snop  }
0x5: {  	_ = 	snop  }
0x6: {  	_ = 	snop  }
0x7: {  	_ = 	snop  }
__scs_overlays_trampoline_lowered:
0x8: {  	[smem:$0x3FAE] =	sst s0  }
0x9: {  	[smem:$0x3FAF] =	sst s1  }
0xa: {  	[smem:$0x3FB0] =	sst s2  }
0xb: {  	[smem:$0x3FB1] =	sst s3  }
0xc: {  	[smem:$0x3FB2] =	sst s4  }
0xd: {  	[smem:$0x3FB3] =	sst s5  }
0xe: {  	[smem:$0x3FB4] =	sst s6  }
0xf: {  	[smem:$0x3FB5] =	sst s7  }
0x10: {  	[smem:$0x3FB6] =	sst s8  }
0x11: {  	[smem:$0x3FB7] =	sst s9;
	s0 =	simm.s32 @!p0 $0x0  }
0x12: {  	s1 =	sld [smem:$0x3F9D];
	s0 =	simm.s32 @p0 $0x1  }
0x13: {  	[smem:$0x3FB8] =	sst s0;
	s0 =	simm.s32 @!p1 $0x0  }
0x14: {  	s2 =	sld [smem:$0x3F9C];
	s0 =	simm.s32 @p1 $0x1  }
0x15: {  	[smem:$0x3FB9] =	sst s0;
	s0 =	simm.s32 @!p2 $0x0  }
0x16: {  	s3 =	sld [smem:$0x3FDB];
	s0 =	simm.s32 @p2 $0x1  }
0x17: {  	s4 =	simm.s32 $0x1BF5;
	[smem:$0x3FBB] =	sst s0  }
0x18: {  	s0 =	sld [smem:$0x3F9E];
	_ =	swait.ge [sflag:s4], $0x0  }
0x19: {  	s7 =	sld [smem:$0x3F9F]  }
0x1a: {  	s8 =	sadd.s32 $0xFFFFE003, lr  }
0x1b: {  	s9 =	sadd.s32 $0xFFFFFEF7, lr;
	s5 =	simm.s32 $0xFFFFFFFF;
	p2 =	slt.u32 s8, $0xFFFFF086  }
0x1c: {  	p1 =	slt.u32 s9, $0xF7A;
	s5 =	simm.s32 @!p2 $0x0  }
0x1d: {  	s5 =	simm.s32 @p1 $0x1;
	p0 =	seq.s32 s7, s2  }
0x1e: {  	s7 =	smul.u32 @!p0 $0xF7A, s2;
	p2 =	seq.s32 @!p0 s5, $0x0  }
0x1f: {  	s9 =	smul.u32 $0xF7A, s1;
	s8 =	simm.s32 @!p0 $0x1BF5;
	p2 =	por !p2, p0  }
0x20: {  	[sflag:s8] =	ssyncset.s32 @!p0 $0xFFFFF086;
	s6 =	sadd.s32 @!p0 s3, s7;
	s7 =	simm.s32 @!p0 $0x108  }
0x21: {  	s3 =	sadd.s32 s3, s9;
	s6 =	sadd.s32 @!p0 $0x88, s6;
	s7 =	simm.s32 @p2 $0x1082  }
0x22: {  	[simem:s7], [sflag:s8] =	dma.local @!p0 [hbm:s6], $0xF7A  }
0x23: {  	s9 =	sor.u32 $0xD0000000, s2;
	s6 =	simm.s32 $0x108;
	_ =	swait.ge @!p0 [sflag:s8], $0x0  }
0x24: {  	s3 =	sadd.s32 $0x88, s3;
	s6 =	simm.s32 @!p1 $0x1082;
	[sflag:s4] =	ssyncset.s32 $0xFFFFF086  }
0x25: {  	[simem:s6], [sflag:s4] =	dma.local [hbm:s3], $0xF7A  }
0x26: {  	[smem:$0x3F9F] =	sst s1;
	(tag) =	ssettag s2;
	_ =	strace s9  }
0x27: {  	s1 =	sld [smem:$0x3FAF]  }
0x28: {  	s2 =	sld [smem:$0x3FB0]  }
0x29: {  	s4 =	sld [smem:$0x3FB2]  }
0x2a: {  	p0 =	seq.s32 s5, $0x0;
	s5 =	sld [smem:$0x3FB3]  }
0x2b: {  	s6 =	sld [smem:$0x3FB4]  }
0x2c: {  	s7 =	sld [smem:$0x3FB5]  }
0x2d: {  	s3 =	simm.s32 $0x108;
	s8 =	sld [smem:$0x3FB6]  }
0x2e: {  	s3 =	simm.s32 @!p0 $0x1082;
	s9 =	sld [smem:$0x3FB7]  }
0x2f: {  	lr =	sadd.s32 s0, s3;
	s0 =	sld [smem:$0x3FAE]  }
0x30: {  	s3 =	sld [smem:$0x3FB1]  }
0x31: {  	[smem:$0x3FBA] =	sst s10  }
0x32: {  	s10 =	sld [smem:$0x3FB8];
	_ =	sdelay $0x3  }
0x33: {  	p0 =	seq.s32 s10, $0x1;
	s10 =	sld [smem:$0x3FBA];
	_ =	sdelay $0x3  }
0x34: {  	[smem:$0x3FBA] =	sst s10  }
0x35: {  	s10 =	sld [smem:$0x3FB9];
	_ =	sdelay $0x3  }
0x36: {  	p1 =	seq.s32 s10, $0x1;
	s10 =	sld [smem:$0x3FBA];
	_ =	sdelay $0x3  }
0x37: {  	[smem:$0x3FBA] =	sst s10  }
0x38: {  	s10 =	sld [smem:$0x3FBB]  }
0x39: {  	_ = 	snop;
	(pc) =	sbr.ind lr, $3  }
0x3a: {  	_ = 	snop  }
0x3b: {  	_ = 	snop  }
0x3c: {  	p2 =	seq.s32 s10, $0x1;
	s10 =	sld [smem:$0x3FBA]  }
0x3d: {  	_ =	shalt  }
0x3e: {  	_ =	shalt  }
0x3f: {  	_ =	shalt  }
0x40: {  	_ =	shalt  }
0x41: {  	_ =	shalt  }
0x42: {  	_ =	shalt  }
0x43: {  	_ =	shalt  }
0x44: {  	_ =	shalt  }
0x45: {  	_ =	shalt  }
0x46: {  	_ =	shalt  }
0x47: {  	_ =	shalt  }
0x48: {  	_ =	shalt  }
0x49: {  	_ =	shalt  }
0x4a: {  	_ =	shalt  }
0x4b: {  	_ =	shalt  }
0x4c: {  	_ =	shalt  }
0x4d: {  	_ =	shalt  }
0x4e: {  	_ =	shalt  }
0x4f: {  	_ =	shalt  }
0x50: {  	_ =	shalt  }
0x51: {  	_ =	shalt  }
0x52: {  	_ =	shalt  }
0x53: {  	_ =	shalt  }
0x54: {  	_ =	shalt  }
0x55: {  	_ =	shalt  }
0x56: {  	_ =	shalt  }
0x57: {  	_ =	shalt  }
0x58: {  	_ =	shalt  }
0x59: {  	_ =	shalt  }
0x5a: {  	_ =	shalt  }
0x5b: {  	_ =	shalt  }
0x5c: {  	_ =	shalt  }
0x5d: {  	_ =	shalt  }
0x5e: {  	_ =	shalt  }
0x5f: {  	_ =	shalt  }
0x60: {  	_ =	shalt  }
0x61: {  	_ =	shalt  }
0x62: {  	_ =	shalt  }
0x63: {  	_ =	shalt  }
0x64: {  	_ =	shalt  }
0x65: {  	_ =	shalt  }
0x66: {  	_ =	shalt  }
0x67: {  	_ =	shalt  }
0x68: {  	_ =	shalt  }
0x69: {  	_ =	shalt  }
0x6a: {  	_ =	shalt  }
0x6b: {  	_ =	shalt  }
0x6c: {  	_ =	shalt  }
0x6d: {  	_ =	shalt  }
0x6e: {  	_ =	shalt  }
0x6f: {  	_ =	shalt  }
0x70: {  	_ =	shalt  }
0x71: {  	_ =	shalt  }
0x72: {  	_ =	shalt  }
0x73: {  	_ =	shalt  }
0x74: {  	_ =	shalt  }
0x75: {  	_ =	shalt  }
0x76: {  	_ =	shalt  }
0x77: {  	_ =	shalt  }
0x78: {  	_ =	shalt  }
0x79: {  	_ =	shalt  }
0x7a: {  	_ =	shalt  }
0x7b: {  	_ =	shalt  }
0x7c: {  	_ =	shalt  }
0x7d: {  	_ =	shalt  }
0x7e: {  	_ =	shalt  }
0x7f: {  	_ =	shalt  }
0x80: {  	_ =	shalt  }
0x81: {  	_ =	shalt  }
0x82: {  	_ =	shalt  }
0x83: {  	_ =	shalt  }
0x84: {  	_ =	shalt  }
0x85: {  	_ =	shalt  }
0x86: {  	_ =	shalt  }
0x87: {  	_ =	shalt  }
.Lfunc_end0:
.L_simem_size_0:
called_computation_lowered:
.L_overlay_start_0:
0x88: {  	s2 =	sld [smem:$0x3FD9]  }
0x89: {  	s3 =	sld [smem:$0x3FFE];
	_ =	sdelay $0x1  }
0x8a: {  	s1 =	srdreg.scid  }
0x8b: {  	s0 =	sand.u32 $0x1, s1  }
0x8c: {  	s17 =	sshll.u32 s0, $0xA;
	s2 =	sadd.s32 s3, s2  }
0x8d: {  	s2 =	sadd.s32 s2, s17  }
0x8e: {  	[smem:$0x3FC6] =	sst s2  }
0x8f: {  	_ = 	snop  }
0x90: {  	s2 =	sld [smem:$0x3FC9];
	(tm) =	ssettm $0x1  }
0x91: {  	s18 =	sld [smem:$0x3FFB];
	_ =	sdelay $0x3  }
0x92: {  	_ =	strace s18  }
0x93: {  	s3 =	sld [smem:$0x3FFC];
	_ =	sdelay $0x3  }
0x94: {  	_ =	strace s3  }
0x95: {  	s3 =	sld [smem:$0x3FFD];
	_ =	sdelay $0x3  }
0x96: {  	_ =	strace s3  }
0x97: {  	_ =	strace $0x8FFFFFFF  }
0x98: {  	s19 =	sld [smem:$0x3FDB];
	_ =	sdelay $0x1  }
0x99: {  	s4 =	simm.s32 $_scs_section_size  }
0x9a: {  	s5 =	simm.s32 $_size__tile_overlayer_lowered;
	s6 =	simm.s32 $_tile_overlayer_lowered  }
0x9b: {  	s22 =	simm.s32 $0x1BFF;
	s21 =	sshll.u32 s6, $0x1;
	s3 =	sadd.s32 s4, s19  }
0x9c: {  	s7 =	simm.s32 $0x0;
	s20 =	sshll.u32 s5, $0x1;
	s5 =	sadd.s32 s21, s3  }
0x9d: {  	[timem:s7], [sflag:s22] =	dma.local [hbm:s5], s20  }
0x9e: {  	_ =	swait.ge [sflag:s22], s20  }
0x9f: {  	s4 =	ssub.s32 $0x0, s20;
	[sflag:s22] =	ssyncset.done $0x0  }
0xa0: {  	[sflag:s22] =	ssyncadd.s32 s4;
	_ =	sdelay $0x1  }
0xa1: {  	s23 =	simm.s32 $0x1B8B  }
0xa2: {  	_ =	swait.ge [sflag:s23], $0x1  }
0xa3: {  	[sflag:s23] =	ssyncset.done $0x0  }
0xa4: {  	s25 =	simm.s32 $0x1B8E;
	s24 =	sld [smem:$0x3FFE];
	[sflag:s23] =	ssyncadd.s32 $0xFFFFFFFF  }
0xa5: {  	s26 =	simm.s32 $execute0_lowered;
	[smem:$0x3FD2] =	sst s25  }
0xa6: {  	s5 =	sshll.u32 s26, $0x1;
	_ =	strace $0x80000046;
	[dreg:$0x1] =	wrdreg $0xFFFFFFFF  }
0xa7: {  	s28 =	simm.s32 $_size_execute0_lowered;
	s3 =	sadd.s32 s3, s5;
	[dreg:$0x0] =	wrdreg $0x0  }
0xa8: {  	s5 =	sshll.u32 s28, $0x1;
	[dreg:$0x2] =	wrdreg s3  }
0xa9: {  	[dreg:$0x3] =	wrdreg s5  }
0xaa: {  	[dreg:$0x4] =	wrdreg $0xC0  }
0xab: {  	_ =	task [dreg:s7], $0x5FFFF  }
0xac: {  	[dreg:$0x1] =	wrdreg $0xFFFFFFFF  }
0xad: {  	[dreg:$0x0] =	wrdreg $0x60  }
0xae: {  	[dreg:$0x2] =	wrdreg s2  }
0xaf: {  	[dreg:$0x3] =	wrdreg s24  }
0xb0: {  	[dreg:$0x4] =	wrdreg $0x9  }
0xb1: {  	_ =	task.clear_ibuf [dreg:s7], $0x5FFFF;
	_ =	strace $0x90000046  }
0xb2: {  	s29 =	simm.s32 $0x9;
	_ =	strace $0x80000048  }
0xb3: {  	_ =	swait.ge [sflag:s29], $0x1  }
0xb4: {  	[sflag:s29] =	ssyncadd.s32 $0xFFFFFFFF  }
0xb5: {  	_ =	strace $0x90000048  }
0xb6: {  	_ =	sfence  }
0xb7: {  	s30 =	sld [smem:$0x0];
	_ =	sdelay $0x2  }
0xb8: {  	s31 =	sshll.u32 s1, $0xD;
	s1 =	sshrl.u32 s1, $0x2  }
0xb9: {  	s3 =	sand.u32 $0x4000, s31;
	s1 =	sadd.s32 s1, s30  }
0xba: {  	s0 =	sor.u32 s3, s0;
	s1 =	sshll.u32 s1, $0x11  }
0xbb: {  	s0 =	sor.u32 s1, s0  }
0xbc: {  	s0 =	sadd.s32 $0x8F2B, s0  }
0xbd: {  	[sflag:s0] =	ssyncadd.remote.s32 $0x1  }
0xbe: {  	_ =	sfence.sel $0xFFFF  }
0xbf: {  	[dreg:$0x0] =	wrdreg $0xFFFFFFFF;
	(pc) =	sbr.abs _section_cstart, $3  }
0xc0: {  	[dreg:$0x1] =	wrdreg $0xFFFFFFFF  }
0xc1: {  	_ =	task.clear_ibuf [dreg:s7], $0x2FFFF;
	_ =	strace $0x9FFFFFFF  }
0xc2: {  	(tm) =	ssettm $0x7FFFFFFF  }
0xc3: {  	_ =	shalt  }
tec
execute0_lowered:
.L_overlay_start_1:
0x0: {  	(tag) =	ssettag $0x1  }
0x1: {  	s2 =	rddreg [dreg:$0x0];
	s3 =	simm.s32 $0x0;
	v54 =	vlaneseq.u32  }
0x2: {  	[smem:$0x7FF] =	sst s3;
	v52 =	vor.u32 $0x60, v54  }
0x3: {  	s9 =	rddreg [dreg:$0x1];
	v59 =	vor.u32 $0x70, v54;
	_ =	strace $0x80000047;
	[tilespmem:$0x1FF30] =	vst v52  }
0x4: {  	v55 =	vor.u32 $0x10, v54;
	[tilespmem:$0x1FF50] =	vst v59  }
0x5: {  	v63 =	vor.u32 $0x20, v54;
	[tilespmem:$0x1FF70] =	vst v55  }
0x6: {  	v61 =	vor.u32 $0x30, v54;
	[tilespmem:$0x1FF90] =	vst v63  }
0x7: {  	v39 =	vor.u32 $0x40, v54;
	[tilespmem:$0x1FFB0] =	vst v61  }
0x8: {  	s4 =	srdreg.scid;
	s0 =	stileid.u32;
	s11 =	simm.s32 $0x400;
	v7 =	vmul.u32 $0x40, v54;
	v22 =	vor.u32 $0x50, v54;
	[tilespmem:$0x1FFC0] =	vst v39  }
0x9: {  	s12 =	simm.s32 $0x7A1400;
	s13 =	simm.s32 $0x1;
	s14 =	simm.s32 $0x6000;
	[tilespmem:$0x1FFF0] =	vst v22  }
0xa: {  	s15 =	simm.s32 $0x2;
	s16 =	simm.s32 $0x2000;
	s17 =	simm.s32 $0x8000;
	v14 =	vor.u32 $0x1C00, v7;
	[tilespmem:$0x1FF60] =	vst v7  }
0xb: {  	s18 =	simm.s32 $0x3;
	s19 =	simm.s32 $0x4;
	s20 =	simm.s32 $0x4000;
	v26 =	vor.u32 $0x1400, v7;
	[tilespmem:$0x1FF10] =	vst v14  }
0xc: {  	s21 =	simm.s32 $0x5;
	s22 =	simm.s32 $0xA000;
	s23 =	simm.s32 $0x0;
	v25 =	vor.u32 $0x1800, v7;
	[tilespmem:$0x1FF20] =	vst v26  }
.Ltmp0:
0xd: {  	s4 =	sand.u32 $0x1, s4;
	s5 =	sshll.u32 s0, $0x1;
	v56 =	vor.u32 $0x400, v7;
	[tilespmem:$0x1FF40] =	vst v25;
	(pc) =	sbr.rel .LBB2_1-.Ltmp0, $4  }
0xe: {  	s6 =	ssub.s32 $0x2, s4;
	s4 =	sor.u32 s4, s5;
	s5 =	sadd.s32 $0xA00, s9;
	v60 =	vor.u32 $0x800, v7;
	[tilespmem:$0x1FF80] =	vst v56  }
0xf: {  	s9 =	sadd.s32 $0x7A1A00, s9;
	s7 =	sshrl.u32 s6, $0x1;
	s8 =	sshll.u32 s4, $0x7;
	v62 =	vor.u32 $0xC00, v7;
	[tilespmem:$0x1FFA0] =	vst v60  }
0x10: {  	v3 =	vor.u32 $0x1000, v7;
	p0 =	sne.s32 s4, $0x1F;
	s10 =	ssub.s32 s6, s7;
	s6 =	sadd.s32 s2, s8;
	[tilespmem:$0x1FFD0] =	vst v62  }
0x11: {  	s7 =	sor.u32 $0x40, s4;
	s8 =	sadd.s32 $0xF4200, s2;
	[tilespmem:$0x1FFE0] =	vst v3;
	s10 =	smax.u32 s10, $0x1  }
.LBB2_14:
0x12: {  	s23 =	sadd.s32 $0x1, s23  }
0x13: {  	p1 =	sne.s32 s23, s10  }
.Ltmp1:
0x14: {  	_ = 	snop;
	(pc) =	sbr.rel @!p1 .LBB2_15-.Ltmp1, $1  }
0x15: {  	_ =	sdelay $0x3  }
.LBB2_1:
.Ltmp2:
0x16: {  	(pc) =	sbr.rel .LBB2_2-.Ltmp2, $3  }
0x17: {  	_ =	sdelay $0x1  }
0x18: {  	[tilespmem:s3], [sflag:$0x1] =	stream.strided.gather [hbm4b:s6+s11], $0x2000, s12, s11, $0x38;
	[tilespmem:$0xB000] =	vst v63  }
0x19: {  	s24 =	simm.s32 $0x0  }
.LBB2_9:
0x1a: {  	s24 =	sadd.s32 $0x1, s24  }
0x1b: {  	p1 =	sne.s32 s24, $0x7B  }
.Ltmp3:
0x1c: {  	_ = 	snop;
	(pc) =	sbr.rel @!p1 .LBB2_10-.Ltmp3, $1  }
0x1d: {  	_ =	sdelay $0x3  }
.LBB2_2:
0x1e: {  	s26 =	sshll.u32 s24, $0x6  }
0x1f: {  	s28 =	sor.u32 s4, s26  }
0x20: {  	p1 =	sgt.u32 s28, $0x1E83  }
.Ltmp4:
0x21: {  	_ = 	snop;
	(pc) =	sbr.rel @p1 .LBB2_9-.Ltmp4, $1  }
0x22: {  	_ =	sdelay $0x3  }
0x23: {  	_ =	swait.ge [sflag:s13], $0x2000  }
0x24: {  	s25 =	sor.u32 $0x20, s28;
	s31 =	simm.s32 $0x0;
	s0 =	simm.s32 $0x4  }
0x25: {  	s1 =	simm.s32 $0x7;
	[sflag:s13] =	ssyncset.done $0x0;
	v8 =	vadd.s32 s31, v54;
	s31 =	simm.s32 $0x1  }
0x26: {  	p2 =	sgt.u32 s25, $0x1E83;
	v10 =	vadd.s32 s0, v54;
	v11 =	vadd.s32 s1, v54;
	s1 =	simm.s32 $0x2;
	[sflag:s13] =	ssyncadd.s32 $0xFFFFE000;
	v9 =	vadd.s32 s31, v54  }
0x27: {  	s29 =	sshll.u32 @!p2 s25, $0x7;
	s30 =	simm.s32 @!p2 $0x400;
	s31 =	simm.s32 @!p2 $0x7A1400;
	v21 =	vand.u32 $0x3F, v8;
	v8 =	vadd.s32 s1, v54;
	v32 =	vand.u32 $0x3F, v11  }
0x28: {  	s0 =	simm.s32 @!p2 $0x2000;
	s1 =	simm.s32 $0x6;
	v58 =	vand.u32 $0x3F, v10;
	s29 =	sadd.s32 @!p2 s2, s29;
	v0 =	vor.u32 v14, v21;
	v24 =	vand.u32 $0x3F, v8  }
0x29: {  	v33 =	vshll.u32 v32, $0x7;
	v8 =	vadd.s32 s1, v54;
	[tilespmem:s0], [sflag:$0x2] =	stream.strided.gather @!p2 [hbm4b:s29+s30], $0x2000, s31, s30, $0x38;
	v15 =	vshll.u32 v24, $0x7;
	[tilespmem:$0xB000] =	vst v63  }
0x2a: {  	p1 =	seq.s32 s24, $0x0;
	v41 =	vshll.u32 v58, $0x7;
	v17 =	vand.u32 $0x3F, v9;
	s30 =	simm.s32 $0x5;
	v11 =	vor.u32 v54, v15  }
0x2b: {  	[tilespmem:$0x1FEB0] =	vst v0;
	v35 =	vand.u32 $0x3F, v8;
	s0 =	simm.s32 @!p1 $0x3;
	v8 =	vor.u32 v54, v33;
	v12 =	vadd.s32 s30, v54  }
0x2c: {  	s31 =	simm.s32 $0x3;
	v9 =	vor.u32 v54, v41;
	v20 =	vshll.u32 v35, $0x7;
	_ =	swait.ge @!p1 [sflag:s0], $0x2000;
	v34 =	vand.u32 $0x3F, v12  }
0x2d: {  	v10 =	vor.u32 v54, v20;
	[sflag:s0] =	ssyncset.done @!p1 $0x0;
	v12 =	vadd.s32 s31, v54;
	v37 =	vshll.u32 v34, $0x7  }
0x2e: {  	[sflag:s0] =	ssyncadd.s32 @!p1 $0xFFFFE000;
	v18 =	vand.u32 $0x3F, v12;
	v16 =	vor.u32 v54, v37  }
0x2f: {  	v12 =	vor.u32 v7, v24;
	v36 =	vshll.u32 v18, $0x7;
	v11 =	vld.idx.msk [tilespmem:v11+s3+$0x0], $0xffff  }
0x30: {  	v1 =	vmovc v25;
	v29 =	vshll.u32 v21, $0x7;
	v25 =	vor.u32 v7, v32;
	v23 =	vor.u32 v54, v36;
	v8 =	vld.idx.msk [tilespmem:v8+s3+$0x0], $0xffff  }
0x31: {  	v2 =	vmovc v26;
	v45 =	vor.u32 v7, v58;
	v42 =	vshll.u32 v17, $0x7;
	v38 =	vor.u32 v54, v29;
	v9 =	vld.idx.msk [tilespmem:v9+s3+$0x0], $0xffff  }
0x32: {  	v26 =	vor.u32 v54, v42;
	v27 =	vor.u32 v7, v35;
	v54 =	vor.u32 v55, v29;
	v10 =	vld.idx.msk [tilespmem:v10+s3+$0x0], $0xffff  }
0x33: {  	v28 =	vor.u32 v7, v34;
	v16 =	vld.idx.msk [tilespmem:v16+s3+$0x0], $0xffff;
	[tilespmem:$0x1FEF0] =	vst v54  }
0x34: {  	[tilespmem:v12+s14+$0x0] =	vst.idx.msk $0xffff, v11;
	v11 =	vor.u32 v55, v41  }
0x35: {  	[tilespmem:v25+s14+$0x0] =	vst.idx.msk $0xffff, v8;
	v8 =	vor.u32 v7, v18;
	v12 =	vld.idx.msk [tilespmem:v23+s3+$0x0], $0xffff;
	v23 =	vor.u32 v55, v20  }
0x36: {  	v44 =	vor.u32 v55, v37;
	[tilespmem:v45+s14+$0x0] =	vst.idx.msk $0xffff, v9  }
0x37: {  	v50 =	vor.u32 v56, v58;
	[tilespmem:v27+s14+$0x0] =	vst.idx.msk $0xffff, v10  }
0x38: {  	v48 =	vor.u32 v55, v36;
	v27 =	vld.idx.msk [tilespmem:v26+s3+$0x0], $0xffff;
	[tilespmem:v28+s14+$0x0] =	vst.idx.msk $0xffff, v16;
	v16 =	vor.u32 v7, v17  }
0x39: {  	v5 =	vor.u32 v3, v21;
	v30 =	vor.u32 v55, v33;
	v31 =	vor.u32 v55, v15;
	v11 =	vld.idx.msk [tilespmem:v11+s3+$0x0], $0xffff  }
0x3a: {  	v57 =	vor.u32 v22, v29;
	[tilespmem:v8+s14+$0x0] =	vst.idx.msk $0xffff, v12;
	v8 =	vld.idx.msk [tilespmem:v23+s3+$0x0], $0xffff;
	v12 =	vor.u32 v56, v35  }
0x3b: {  	v46 =	vor.u32 v56, v24;
	v53 =	vor.u32 v63, v20;
	v44 =	vld.idx.msk [tilespmem:v44+s3+$0x0], $0xffff;
	[tilespmem:$0x1FEC0] =	vst v57  }
0x3c: {  	v49 =	vor.u32 v56, v34;
	v9 =	vor.u32 v63, v37;
	v45 =	vor.u32 v55, v42;
	[tilespmem:$0x1FED0] =	vst v5  }
0x3d: {  	v10 =	vor.u32 v56, v32;
	v40 =	vld.idx.msk [tilespmem:v48+s3+$0x0], $0xffff;
	[tilespmem:v16+s14+$0x0] =	vst.idx.msk $0xffff, v27;
	v16 =	vor.u32 v56, v18  }
0x3e: {  	v5 =	vmov v56;
	v27 =	vor.u32 v56, v17;
	v56 =	vld.idx.msk [tilespmem:v31+s3+$0x0], $0xffff;
	[tilespmem:v50+s14+$0x0] =	vst.idx.msk $0xffff, v11  }
0x3f: {  	v4 =	vmov v52;
	v52 =	vor.u32 v63, v41;
	v11 =	vld.idx.msk [tilespmem:v30+s3+$0x0], $0xffff;
	[tilespmem:v12+s14+$0x0] =	vst.idx.msk $0xffff, v8  }
0x40: {  	v6 =	vmov v63;
	v54 =	vor.u32 v63, v33;
	v12 =	vld.idx.msk [tilespmem:v53+s3+$0x0], $0xffff;
	v53 =	vor.u32 v60, v35  }
0x41: {  	v51 =	vor.u32 v60, v24;
	v48 =	vor.u32 v63, v36;
	[tilespmem:v49+s14+$0x0] =	vst.idx.msk $0xffff, v44;
	v45 =	vld.idx.msk [tilespmem:v45+s3+$0x0], $0xffff  }
0x42: {  	v13 =	vmov v59;
	v0 =	vor.u32 v61, v41;
	v57 =	vor.u32 v61, v20;
	[tilespmem:v16+s14+$0x0] =	vst.idx.msk $0xffff, v40  }
0x43: {  	v47 =	vor.u32 v63, v15;
	v50 =	vor.u32 v60, v34;
	v9 =	vld.idx.msk [tilespmem:v9+s3+$0x0], $0xffff;
	[tilespmem:v46+s14+$0x0] =	vst.idx.msk $0xffff, v56  }
0x44: {  	v49 =	vor.u32 v63, v42;
	v8 =	vor.u32 v60, v58;
	v40 =	vld.idx.msk [tilespmem:v52+s3+$0x0], $0xffff;
	[tilespmem:v10+s14+$0x0] =	vst.idx.msk $0xffff, v11  }
0x45: {  	v59 =	vor.u32 v61, v15;
	[tilespmem:v53+s14+$0x0] =	vst.idx.msk $0xffff, v12;
	v53 =	vld.idx.msk [tilespmem:v54+s3+$0x0], $0xffff;
	v54 =	vor.u32 v60, v32  }
0x46: {  	v16 =	vor.u32 v60, v18;
	v56 =	vor.u32 v61, v33;
	[tilespmem:v27+s14+$0x0] =	vst.idx.msk $0xffff, v45;
	v45 =	vld.idx.msk [tilespmem:v48+s3+$0x0], $0xffff  }
0x47: {  	v55 =	vor.u32 v61, v37;
	v28 =	vor.u32 v60, v21;
	v46 =	vor.u32 v62, v35;
	v57 =	vld.idx.msk [tilespmem:v57+s3+$0x0], $0xffff  }
0x48: {  	v23 =	vor.u32 v39, v29;
	v48 =	vor.u32 v39, v20;
	v47 =	vld.idx.msk [tilespmem:v47+s3+$0x0], $0xffff;
	[tilespmem:v50+s14+$0x0] =	vst.idx.msk $0xffff, v9  }
0x49: {  	v44 =	vor.u32 v39, v41;
	v52 =	vor.u32 v60, v17;
	v49 =	vld.idx.msk [tilespmem:v49+s3+$0x0], $0xffff;
	[tilespmem:v8+s14+$0x0] =	vst.idx.msk $0xffff, v40  }
0x4a: {  	v27 =	vor.u32 v62, v58;
	v10 =	vor.u32 v61, v36;
	v63 =	vld.idx.msk [tilespmem:v0+s3+$0x0], $0xffff;
	[tilespmem:v54+s14+$0x0] =	vst.idx.msk $0xffff, v53  }
0x4b: {  	v11 =	vor.u32 v61, v42;
	v0 =	vor.u32 v62, v32;
	[tilespmem:v16+s14+$0x0] =	vst.idx.msk $0xffff, v45;
	v56 =	vld.idx.msk [tilespmem:v56+s3+$0x0], $0xffff  }
0x4c: {  	v12 =	vor.u32 v62, v34;
	v60 =	vor.u32 v39, v15;
	[tilespmem:v46+s14+$0x0] =	vst.idx.msk $0xffff, v57  }
0x4d: {  	v40 =	vor.u32 v39, v37;
	[tilespmem:v51+s14+$0x0] =	vst.idx.msk $0xffff, v47;
	v45 =	vld.idx.msk [tilespmem:v48+s3+$0x0], $0xffff;
	v48 =	vor.u32 v3, v35  }
0x4e: {  	v16 =	vor.u32 v39, v42;
	[tilespmem:v52+s14+$0x0] =	vst.idx.msk $0xffff, v49;
	v52 =	vor.u32 v22, v20  }
0x4f: {  	v49 =	vld.idx.msk [tilespmem:v55+s3+$0x0], $0xffff;
	v55 =	vor.u32 v39, v33;
	v53 =	vor.u32 v62, v17;
	[tilespmem:v27+s14+$0x0] =	vst.idx.msk $0xffff, v63  }
0x50: {  	v11 =	vld.idx.msk [tilespmem:v11+s3+$0x0], $0xffff;
	v46 =	vor.u32 v39, v36;
	v39 =	vor.u32 v14, v35;
	[tilespmem:v0+s14+$0x0] =	vst.idx.msk $0xffff, v56  }
0x51: {  	v9 =	vor.u32 v62, v24;
	v54 =	vld.idx.msk [tilespmem:v59+s3+$0x0], $0xffff;
	[tilespmem:$0x1FEE0] =	vst v39  }
0x52: {  	v50 =	vor.u32 v62, v18;
	v10 =	vld.idx.msk [tilespmem:v10+s3+$0x0], $0xffff;
	[tilespmem:v48+s14+$0x0] =	vst.idx.msk $0xffff, v45;
	v48 =	vor.u32 v22, v15  }
0x53: {  	v43 =	vor.u32 v7, v21;
	v57 =	vld.idx.msk [tilespmem:v38+s3+$0x0], $0xffff;
	[tilespmem:$0x1FF00] =	vst v48  }
0x54: {  	[tilespmem:v12+s14+$0x0] =	vst.idx.msk $0xffff, v49;
	v45 =	vld.idx.msk [tilespmem:v52+s3+$0x0], $0xffff;
	v52 =	vor.u32 v2, v35  }
0x55: {  	v59 =	vor.u32 v3, v32;
	[tilespmem:v53+s14+$0x0] =	vst.idx.msk $0xffff, v11;
	v11 =	vld.idx.msk [tilespmem:v55+s3+$0x0], $0xffff  }
0x56: {  	v51 =	vor.u32 v3, v58;
	[tilespmem:v9+s14+$0x0] =	vst.idx.msk $0xffff, v54;
	v9 =	vld.idx.msk [tilespmem:v44+s3+$0x0], $0xffff  }
0x57: {  	v56 =	vor.u32 v3, v24;
	v39 =	vld.idx.msk [tilespmem:v60+s3+$0x0], $0xffff;
	[tilespmem:v50+s14+$0x0] =	vst.idx.msk $0xffff, v10  }
0x58: {  	v12 =	vor.u32 v3, v17;
	v10 =	vld.idx.msk [tilespmem:v16+s3+$0x0], $0xffff;
	[tilespmem:v43+s14+$0x0] =	vst.idx.msk $0xffff, v57  }
0x59: {  	[tilespmem:v52+s14+$0x0] =	vst.idx.msk $0xffff, v45  }
0x5a: {  	[tilespmem:v59+s14+$0x0] =	vst.idx.msk $0xffff, v11  }
0x5b: {  	v7 =	vor.u32 v3, v34;
	v53 =	vld.idx.msk [tilespmem:v40+s3+$0x0], $0xffff;
	[tilespmem:v51+s14+$0x0] =	vst.idx.msk $0xffff, v9  }
0x5c: {  	v26 =	vor.u32 v62, v21;
	v62 =	vor.u32 v3, v18;
	v11 =	vld.idx.msk [tilespmem:v46+s3+$0x0], $0xffff;
	[tilespmem:v56+s14+$0x0] =	vst.idx.msk $0xffff, v39  }
0x5d: {  	[tilespmem:v12+s14+$0x0] =	vst.idx.msk $0xffff, v10  }
0x5e: {  	v56 =	vld [tilespmem:$0x1FEF0]  }
0x5f: {  	v19 =	vor.u32 v14, v58;
	v25 =	vor.u32 v1, v18;
	v31 =	vor.u32 v13, v37  }
0x60: {  	v30 =	vor.u32 v61, v29;
	v61 =	vor.u32 v22, v41;
	[tilespmem:v7+s14+$0x0] =	vst.idx.msk $0xffff, v53  }
0x61: {  	v8 =	vor.u32 v5, v21;
	v47 =	vor.u32 v22, v37;
	[tilespmem:v62+s14+$0x0] =	vst.idx.msk $0xffff, v11  }
0x62: {  	v50 =	vor.u32 v2, v58;
	v57 =	vor.u32 v22, v33;
	v52 =	vor.u32 v1, v58;
	v58 =	vld [tilespmem:$0x1FF00]  }
0x63: {  	v63 =	vor.u32 v22, v36;
	v27 =	vor.u32 v13, v33;
	v0 =	vor.u32 v22, v42  }
0x64: {  	v38 =	vor.u32 v4, v37;
	v48 =	vor.u32 v2, v34;
	v45 =	vor.u32 v4, v20  }
0x65: {  	v49 =	vor.u32 v13, v42;
	v54 =	vor.u32 v4, v41;
	v55 =	vor.u32 v6, v29;
	v61 =	vld.idx.msk [tilespmem:v61+s3+$0x0], $0xffff  }
0x66: {  	v44 =	vor.u32 v14, v32;
	v42 =	vor.u32 v4, v42;
	v60 =	vor.u32 v2, v18;
	v10 =	vld.idx.msk [tilespmem:v56+s3+$0x0], $0xffff  }
0x67: {  	v16 =	vor.u32 v2, v17;
	v43 =	vor.u32 v2, v24;
	v9 =	vor.u32 v1, v35;
	v35 =	vld.idx.msk [tilespmem:v57+s3+$0x0], $0xffff  }
0x68: {  	v59 =	vor.u32 v4, v36;
	v46 =	vor.u32 v13, v41;
	v57 =	vor.u32 v13, v36;
	v36 =	vld.idx.msk [tilespmem:v0+s3+$0x0], $0xffff  }
0x69: {  	v41 =	vor.u32 v14, v34;
	v39 =	vor.u32 v1, v34;
	v34 =	vor.u32 v4, v33;
	v45 =	vld.idx.msk [tilespmem:v45+s3+$0x0], $0xffff  }
0x6a: {  	v12 =	vor.u32 v4, v15;
	v53 =	vor.u32 v1, v32;
	v62 =	vor.u32 v1, v24;
	v37 =	vld.idx.msk [tilespmem:v58+s3+$0x0], $0xffff  }
0x6b: {  	s29 =	simm.s32 $0x8;
	v11 =	vor.u32 v2, v32;
	[tilespmem:v8+s14+$0x0] =	vst.idx.msk $0xffff, v10;
	v8 =	vor.u32 v1, v17;
	v10 =	vld.idx.msk [tilespmem:v63+s3+$0x0], $0xffff  }
.LBB2_4:
0x6c: {  	v13 =	vld.idx.msk [tilespmem:v55+s3+$0x0], $0xffff  }
0x6d: {  	v1 =	vld [tilespmem:$0x1FF10]  }
0x6e: {  	v58 =	vld [tilespmem:$0x1FF10]  }
0x6f: {  	v6 =	vld [tilespmem:$0x1FF70]  }
0x70: {  	v2 =	vlaneseq.u32;
	s30 =	sadd.s32 $0x7, s29;
	[tilespmem:v43+s14+$0x0] =	vst.idx.msk $0xffff, v37;
	v7 =	vld [tilespmem:$0x1FF40]  }
0x71: {  	v56 =	vor.u32 v14, v17;
	v17 =	vadd.s32 s30, v2;
	v12 =	vld.idx.msk [tilespmem:v12+s3+$0x0], $0xffff  }
0x72: {  	v33 =	vand.u32 $0x3F, v17;
	v17 =	vld [tilespmem:$0x1FF80];
	[tilespmem:v50+s14+$0x0] =	vst.idx.msk $0xffff, v61  }
0x73: {  	[tilespmem:v9+s14+$0x0] =	vst.idx.msk $0xffff, v45;
	v9 =	vld.idx.msk [tilespmem:v47+s3+$0x0], $0xffff  }
0x74: {  	s0 =	sadd.s32 $0x1, s29;
	s1 =	sadd.s32 $0x4, s29;
	v3 =	vor.u32 v14, v18;
	v32 =	vadd.s32 s29, v2;
	v61 =	vmov v20;
	[tilespmem:v11+s14+$0x0] =	vst.idx.msk $0xffff, v35;
	v20 =	vld.idx.msk [tilespmem:v54+s3+$0x0], $0xffff  }
0x75: {  	v14 =	vmovc v15;
	v18 =	vadd.s32 s0, v2;
	s0 =	sadd.s32 $0x2, s29;
	v15 =	vadd.s32 s1, v2;
	v55 =	vand.u32 $0x3F, v32;
	[tilespmem:v16+s14+$0x0] =	vst.idx.msk $0xffff, v36;
	v11 =	vld.idx.msk [tilespmem:v34+s3+$0x0], $0xffff  }
0x76: {  	s1 =	sadd.s32 $0x5, s29;
	v0 =	vmov v19;
	v19 =	vadd.s32 s0, v2;
	[tilespmem:v60+s14+$0x0] =	vst.idx.msk $0xffff, v10;
	v54 =	vor.u32 v1, v55;
	v1 =	vld.idx.msk [tilespmem:v42+s3+$0x0], $0xffff  }
0x77: {  	s30 =	sadd.s32 $0x3, s29;
	v5 =	vadd.s32 s1, v2;
	v40 =	vshll.u32 v33, $0x7;
	v50 =	vand.u32 $0x3F, v19;
	[tilespmem:v28+s14+$0x0] =	vst.idx.msk $0xffff, v13;
	v13 =	vld.idx.msk [tilespmem:v59+s3+$0x0], $0xffff  }
0x78: {  	s31 =	sadd.s32 $0x6, s29;
	v10 =	vadd.s32 s30, v2;
	v34 =	vand.u32 $0x3F, v5;
	v5 =	vld [tilespmem:$0x1FF60];
	v51 =	vshll.u32 v50, $0x7  }
0x79: {  	v19 =	vadd.s32 s31, v2;
	v28 =	vand.u32 $0x3F, v10;
	v10 =	vld.idx.msk [tilespmem:v30+s3+$0x0], $0xffff;
	v16 =	vor.u32 v2, v51  }
0x7a: {  	v22 =	vor.u32 v2, v40;
	v37 =	vand.u32 $0x3F, v19;
	v19 =	vld [tilespmem:$0x1FF50]  }
0x7b: {  	[tilespmem:v52+s14+$0x0] =	vst.idx.msk $0xffff, v20;
	v20 =	vld [tilespmem:$0x1FF90]  }
0x7c: {  	v35 =	vshll.u32 v55, $0x7;
	[tilespmem:v8+s14+$0x0] =	vst.idx.msk $0xffff, v1;
	v47 =	vld.idx.msk [tilespmem:v46+s3+$0x0], $0xffff  }
0x7d: {  	v43 =	vand.u32 $0x3F, v15;
	v15 =	vor.u32 v2, v35;
	v36 =	vshll.u32 v28, $0x7;
	v8 =	vld.idx.msk [tilespmem:v49+s3+$0x0], $0xffff  }
0x7e: {  	v30 =	vor.u32 v2, v36;
	[tilespmem:v26+s14+$0x0] =	vst.idx.msk $0xffff, v10;
	v16 =	vld.idx.msk [tilespmem:v16+s3+$0x0], $0xffff  }
0x7f: {  	[tilespmem:v62+s14+$0x0] =	vst.idx.msk $0xffff, v12;
	v62 =	vld.idx.msk [tilespmem:v22+s3+$0x0], $0xffff  }
0x80: {  	v32 =	vand.u32 $0x3F, v18;
	v45 =	vshll.u32 v34, $0x7;
	v26 =	vld.idx.msk [tilespmem:v23+s3+$0x0], $0xffff  }
0x81: {  	v42 =	vshll.u32 v32, $0x7;
	v18 =	vshll.u32 v37, $0x7;
	[tilespmem:v48+s14+$0x0] =	vst.idx.msk $0xffff, v9;
	v52 =	vmovc v31;
	v31 =	vor.u32 v2, v45;
	v23 =	vld [tilespmem:$0x1FF20]  }
0x82: {  	v59 =	vor.u32 v2, v42;
	v60 =	vor.u32 v2, v18;
	[tilespmem:v25+s14+$0x0] =	vst.idx.msk $0xffff, v13;
	v4 =	vld.idx.msk [tilespmem:v15+s3+$0x0], $0xffff  }
0x83: {  	v46 =	vshll.u32 v43, $0x7;
	v12 =	vor.u32 v5, v50;
	[tilespmem:v53+s14+$0x0] =	vst.idx.msk $0xffff, v11;
	v30 =	vld.idx.msk [tilespmem:v30+s3+$0x0], $0xffff  }
0x84: {  	v1 =	vor.u32 v2, v46;
	v2 =	vor.u32 v58, v43;
	v58 =	vor.u32 v6, v35;
	v10 =	vld.idx.msk [tilespmem:v27+s3+$0x0], $0xffff  }
0x85: {  	v63 =	vor.u32 v5, v33;
	[tilespmem:$0x1FE80] =	vst v58;
	v58 =	vld [tilespmem:$0x1FFF0]  }
0x86: {  	v15 =	vld.idx.msk [tilespmem:v31+s3+$0x0], $0xffff  }
0x87: {  	[tilespmem:v0+s14+$0x0] =	vst.idx.msk $0xffff, v47;
	v47 =	vld.idx.msk [tilespmem:v57+s3+$0x0], $0xffff  }
0x88: {  	[tilespmem:v12+s14+$0x0] =	vst.idx.msk $0xffff, v16;
	v12 =	vld.idx.msk [tilespmem:v60+s3+$0x0], $0xffff  }
0x89: {  	v60 =	vld [tilespmem:$0x1FED0]  }
0x8a: {  	v31 =	vor.u32 v5, v37;
	[tilespmem:v63+s14+$0x0] =	vst.idx.msk $0xffff, v62;
	v62 =	vld [tilespmem:$0x1FEC0]  }
0x8b: {  	v0 =	vor.u32 v5, v34;
	v63 =	vld [tilespmem:$0x1FF30]  }
0x8c: {  	[tilespmem:v44+s14+$0x0] =	vst.idx.msk $0xffff, v10;
	v44 =	vld [tilespmem:$0x1FF10]  }
0x8d: {  	v13 =	vor.u32 v5, v43;
	v25 =	vor.u32 v6, v18;
	[tilespmem:$0x1FE60] =	vst v4;
	v1 =	vld.idx.msk [tilespmem:v1+s3+$0x0], $0xffff  }
0x8e: {  	v49 =	vor.u32 v5, v28;
	v14 =	vor.u32 v19, v14;
	v4 =	vld [tilespmem:$0x1FFB0];
	[tilespmem:v3+s14+$0x0] =	vst.idx.msk $0xffff, v47  }
0x8f: {  	v57 =	vor.u32 v6, v46;
	v22 =	vor.u32 v23, v21;
	v3 =	vld [tilespmem:$0x1FFA0];
	[tilespmem:v31+s14+$0x0] =	vst.idx.msk $0xffff, v12  }
0x90: {  	v10 =	vor.u32 v6, v36;
	v12 =	vor.u32 v7, v21;
	v21 =	vld.idx.msk [tilespmem:v38+s3+$0x0], $0xffff;
	[tilespmem:v0+s14+$0x0] =	vst.idx.msk $0xffff, v15  }
0x91: {  	v31 =	vld.idx.msk [tilespmem:v59+s3+$0x0], $0xffff;
	v15 =	vor.u32 v44, v24;
	v24 =	vor.u32 v5, v32;
	[tilespmem:v60+s14+$0x0] =	vst.idx.msk $0xffff, v26  }
0x92: {  	[tilespmem:$0x1FE90] =	vst v2;
	v26 =	vld.idx.msk [tilespmem:v62+s3+$0x0], $0xffff  }
0x93: {  	v16 =	vor.u32 v6, v45;
	[tilespmem:v13+s14+$0x0] =	vst.idx.msk $0xffff, v1;
	v13 =	vld.idx.msk [tilespmem:v14+s3+$0x0], $0xffff  }
0x94: {  	v2 =	vor.u32 v19, v29;
	[tilespmem:v49+s14+$0x0] =	vst.idx.msk $0xffff, v30;
	v30 =	vld.idx.msk [tilespmem:v57+s3+$0x0], $0xffff;
	v57 =	vor.u32 v58, v35  }
0x95: {  	v29 =	vor.u32 v63, v29;
	v1 =	vor.u32 v17, v43;
	v49 =	vld.idx.msk [tilespmem:v25+s3+$0x0], $0xffff;
	[tilespmem:$0x1FEC0] =	vst v57  }
0x96: {  	v47 =	vor.u32 v20, v46;
	v10 =	vld.idx.msk [tilespmem:v10+s3+$0x0], $0xffff;
	[tilespmem:v24+s14+$0x0] =	vst.idx.msk $0xffff, v31;
	v24 =	vor.u32 v17, v28  }
0x97: {  	v57 =	vor.u32 v19, v61;
	v61 =	vor.u32 v17, v37;
	[tilespmem:v22+s14+$0x0] =	vst.idx.msk $0xffff, v26;
	v26 =	vld [tilespmem:$0x1FFE0]  }
0x98: {  	v16 =	vld.idx.msk [tilespmem:v16+s3+$0x0], $0xffff;
	[tilespmem:v39+s14+$0x0] =	vst.idx.msk $0xffff, v21;
	v21 =	vor.u32 v20, v18  }
0x99: {  	v9 =	vor.u32 v6, v40;
	v11 =	vor.u32 v6, v51;
	v44 =	vor.u32 v6, v42;
	v6 =	vld [tilespmem:$0x1FFD0]  }
0x9a: {  	[tilespmem:v1+s14+$0x0] =	vst.idx.msk $0xffff, v30;
	v29 =	vld.idx.msk [tilespmem:v29+s3+$0x0], $0xffff  }
0x9b: {  	v0 =	vor.u32 v17, v34;
	[tilespmem:v24+s14+$0x0] =	vst.idx.msk $0xffff, v10;
	v24 =	vld.idx.msk [tilespmem:v47+s3+$0x0], $0xffff  }
0x9c: {  	[tilespmem:v61+s14+$0x0] =	vst.idx.msk $0xffff, v49;
	v47 =	vld [tilespmem:$0x1FEB0];
	v59 =	vor.u32 v26, v55  }
0x9d: {  	v53 =	vor.u32 v5, v55;
	[tilespmem:$0x1FED0] =	vst v59;
	v59 =	vld.idx.msk [tilespmem:v21+s3+$0x0], $0xffff  }
0x9e: {  	[tilespmem:$0x1FE70] =	vst v53;
	v21 =	vld [tilespmem:$0x1FEE0]  }
0x9f: {  	v9 =	vld.idx.msk [tilespmem:v9+s3+$0x0], $0xffff;
	v60 =	vor.u32 v17, v33;
	[tilespmem:v12+s14+$0x0] =	vst.idx.msk $0xffff, v29  }
0xa0: {  	v39 =	vor.u32 v6, v55;
	[tilespmem:v0+s14+$0x0] =	vst.idx.msk $0xffff, v16;
	v2 =	vld.idx.msk [tilespmem:v2+s3+$0x0], $0xffff  }
0xa1: {  	[tilespmem:$0x1FE50] =	vst v39;
	v39 =	vor.u32 v20, v36;
	v49 =	vld.idx.msk [tilespmem:v57+s3+$0x0], $0xffff  }
0xa2: {  	[tilespmem:v15+s14+$0x0] =	vst.idx.msk $0xffff, v13;
	v13 =	vld.idx.msk [tilespmem:v44+s3+$0x0], $0xffff;
	v12 =	vor.u32 v3, v37;
	v29 =	vor.u32 v20, v40  }
0xa3: {  	v48 =	vor.u32 v17, v50;
	[tilespmem:v56+s14+$0x0] =	vst.idx.msk $0xffff, v8;
	v8 =	vld.idx.msk [tilespmem:v11+s3+$0x0], $0xffff;
	v11 =	vor.u32 v4, v18  }
0xa4: {  	v0 =	vld.idx.msk [tilespmem:v52+s3+$0x0], $0xffff;
	[tilespmem:v60+s14+$0x0] =	vst.idx.msk $0xffff, v9  }
0xa5: {  	v38 =	vor.u32 v20, v45;
	v16 =	vor.u32 v17, v32;
	[tilespmem:v47+s14+$0x0] =	vst.idx.msk $0xffff, v2  }
0xa6: {  	v15 =	vor.u32 v20, v42;
	v2 =	vld.idx.msk [tilespmem:v39+s3+$0x0], $0xffff;
	[tilespmem:v21+s14+$0x0] =	vst.idx.msk $0xffff, v49  }
0xa7: {  	v53 =	vor.u32 v20, v51;
	v27 =	vor.u32 v3, v33;
	[tilespmem:v12+s14+$0x0] =	vst.idx.msk $0xffff, v59;
	v12 =	vld.idx.msk [tilespmem:v29+s3+$0x0], $0xffff  }
0xa8: {  	[tilespmem:v48+s14+$0x0] =	vst.idx.msk $0xffff, v8;
	v8 =	vor.u32 v6, v37;
	v39 =	vor.u32 v4, v40;
	v11 =	vld.idx.msk [tilespmem:v11+s3+$0x0], $0xffff  }
0xa9: {  	v5 =	vld [tilespmem:$0x1FFC0];
	[tilespmem:v41+s14+$0x0] =	vst.idx.msk $0xffff, v0  }
0xaa: {  	v22 =	vor.u32 v3, v43;
	[tilespmem:v16+s14+$0x0] =	vst.idx.msk $0xffff, v13;
	v48 =	vmov v54;
	v38 =	vld.idx.msk [tilespmem:v38+s3+$0x0], $0xffff  }
0xab: {  	v1 =	vor.u32 v3, v34;
	[tilespmem:$0x1FEB0] =	vst v48;
	v15 =	vld.idx.msk [tilespmem:v15+s3+$0x0], $0xffff  }
0xac: {  	v44 =	vor.u32 v4, v45;
	v41 =	vor.u32 v3, v32;
	v48 =	vld.idx.msk [tilespmem:v53+s3+$0x0], $0xffff;
	[tilespmem:v27+s14+$0x0] =	vst.idx.msk $0xffff, v12  }
0xad: {  	v14 =	vor.u32 v3, v50;
	v57 =	vor.u32 v4, v46;
	[tilespmem:v8+s14+$0x0] =	vst.idx.msk $0xffff, v11;
	v8 =	vld.idx.msk [tilespmem:v39+s3+$0x0], $0xffff  }
0xae: {  	v62 =	vor.u32 v5, v35;
	v9 =	vor.u32 v4, v42;
	v39 =	vld [tilespmem:$0x1FF10]  }
0xaf: {  	v10 =	vor.u32 v3, v28;
	v16 =	vor.u32 v5, v18;
	[tilespmem:v22+s14+$0x0] =	vst.idx.msk $0xffff, v24  }
0xb0: {  	v31 =	vor.u32 v3, v55;
	v0 =	vor.u32 v4, v51;
	[tilespmem:v1+s14+$0x0] =	vst.idx.msk $0xffff, v38  }
0xb1: {  	v30 =	vor.u32 v6, v32;
	v56 =	vor.u32 v4, v36;
	[tilespmem:v41+s14+$0x0] =	vst.idx.msk $0xffff, v15;
	v41 =	vld.idx.msk [tilespmem:v44+s3+$0x0], $0xffff  }
0xb2: {  	[tilespmem:v14+s14+$0x0] =	vst.idx.msk $0xffff, v48;
	v21 =	vmov v55;
	v49 =	vor.u32 v6, v43;
	v55 =	vld.idx.msk [tilespmem:v57+s3+$0x0], $0xffff  }
0xb3: {  	v9 =	vld.idx.msk [tilespmem:v9+s3+$0x0], $0xffff;
	v29 =	vor.u32 v5, v46;
	v3 =	vor.u32 v39, v37;
	v39 =	vor.u32 v6, v33  }
0xb4: {  	v53 =	vor.u32 v26, v37;
	[tilespmem:v10+s14+$0x0] =	vst.idx.msk $0xffff, v2;
	v10 =	vor.u32 v5, v40;
	v16 =	vld.idx.msk [tilespmem:v16+s3+$0x0], $0xffff  }
0xb5: {  	[tilespmem:$0x1FEA0] =	vst v62;
	v62 =	vor.u32 v6, v28;
	v44 =	vor.u32 v58, v18;
	v0 =	vld.idx.msk [tilespmem:v0+s3+$0x0], $0xffff  }
0xb6: {  	v60 =	vor.u32 v6, v34;
	v1 =	vor.u32 v5, v42;
	v57 =	vor.u32 v26, v28;
	v56 =	vld.idx.msk [tilespmem:v56+s3+$0x0], $0xffff  }
0xb7: {  	[tilespmem:v49+s14+$0x0] =	vst.idx.msk $0xffff, v55;
	v55 =	vor.u32 v20, v35;
	v20 =	vmovc v18;
	v18 =	vmov v28;
	v28 =	vmov v31;
	v31 =	vld [tilespmem:$0x1FE70]  }
0xb8: {  	v25 =	vor.u32 v5, v36;
	v13 =	vor.u32 v6, v50;
	v6 =	vld.idx.msk [tilespmem:v29+s3+$0x0], $0xffff;
	[tilespmem:v39+s14+$0x0] =	vst.idx.msk $0xffff, v8  }
0xb9: {  	v59 =	vor.u32 v5, v51;
	[tilespmem:v53+s14+$0x0] =	vst.idx.msk $0xffff, v16;
	v2 =	vld.idx.msk [tilespmem:v10+s3+$0x0], $0xffff  }
0xba: {  	v52 =	vor.u32 v4, v35;
	[tilespmem:v30+s14+$0x0] =	vst.idx.msk $0xffff, v9;
	v29 =	vor.u32 v23, v37;
	v10 =	vld.idx.msk [tilespmem:v44+s3+$0x0], $0xffff  }
0xbb: {  	v61 =	vor.u32 v5, v45;
	v54 =	vor.u32 v63, v46;
	[tilespmem:v60+s14+$0x0] =	vst.idx.msk $0xffff, v41;
	v1 =	vld.idx.msk [tilespmem:v1+s3+$0x0], $0xffff  }
0xbc: {  	v22 =	vor.u32 v26, v34;
	v24 =	vmov v50;
	v50 =	vor.u32 v23, v43;
	v27 =	vld [tilespmem:$0x1FE60];
	[tilespmem:v62+s14+$0x0] =	vst.idx.msk $0xffff, v56  }
0xbd: {  	v15 =	vor.u32 v26, v24;
	v14 =	vor.u32 v58, v51;
	[tilespmem:v13+s14+$0x0] =	vst.idx.msk $0xffff, v0;
	v56 =	vld.idx.msk [tilespmem:v25+s3+$0x0], $0xffff  }
0xbe: {  	v48 =	vor.u32 v23, v34;
	v13 =	vld.idx.msk [tilespmem:v59+s3+$0x0], $0xffff;
	[tilespmem:$0x1FEE0] =	vst v3;
	v3 =	vor.u32 v26, v32  }
0xbf: {  	v47 =	vor.u32 v58, v45;
	v5 =	vor.u32 v58, v42;
	[tilespmem:v29+s14+$0x0] =	vst.idx.msk $0xffff, v10;
	v10 =	vld [tilespmem:$0x1FE80]  }
0xc0: {  	v9 =	vor.u32 v26, v33;
	v41 =	vld.idx.msk [tilespmem:v61+s3+$0x0], $0xffff;
	v49 =	vor.u32 v19, v42;
	v12 =	vor.u32 v26, v43  }
0xc1: {  	v61 =	vor.u32 v63, v20;
	v11 =	vor.u32 v58, v46;
	v26 =	vld [tilespmem:$0x1FE50];
	[tilespmem:v31+s14+$0x0] =	vst.idx.msk $0xffff, v27  }
0xc2: {  	v46 =	vor.u32 v19, v46;
	v16 =	vld [tilespmem:$0x1FF10];
	v31 =	vor.u32 v19, v45;
	[tilespmem:v57+s14+$0x0] =	vst.idx.msk $0xffff, v56  }
0xc3: {  	v27 =	vor.u32 v19, v40;
	v57 =	vor.u32 v19, v36;
	v19 =	vld [tilespmem:$0x1FE90];
	[tilespmem:v3+s14+$0x0] =	vst.idx.msk $0xffff, v1  }
0xc4: {  	v4 =	vor.u32 v58, v36;
	v59 =	vor.u32 v63, v36;
	[tilespmem:v15+s14+$0x0] =	vst.idx.msk $0xffff, v13;
	v36 =	vld.idx.msk [tilespmem:v5+s3+$0x0], $0xffff  }
0xc5: {  	v58 =	vor.u32 v58, v40;
	[tilespmem:v9+s14+$0x0] =	vst.idx.msk $0xffff, v2;
	v9 =	vor.u32 v7, v37;
	v37 =	vld.idx.msk [tilespmem:v14+s3+$0x0], $0xffff  }
0xc6: {  	v38 =	vor.u32 v63, v45;
	v30 =	vmovc v52;
	v52 =	vor.u32 v7, v43;
	v42 =	vor.u32 v63, v42;
	v14 =	vld [tilespmem:$0x1FF10]  }
0xc7: {  	p3 =	slt.u32 s29, $0x38;
	v60 =	vor.u32 v23, v18;
	[tilespmem:v22+s14+$0x0] =	vst.idx.msk $0xffff, v41;
	v8 =	vor.u32 v17, v21;
	v10 =	vld.idx.msk [tilespmem:v10+s3+$0x0], $0xffff  }
.Ltmp5:
0xc8: {  	v43 =	vor.u32 v23, v24;
	v62 =	vor.u32 v7, v24;
	[tilespmem:v12+s14+$0x0] =	vst.idx.msk $0xffff, v6;
	v45 =	vld.idx.msk [tilespmem:v61+s3+$0x0], $0xffff;
	(pc) =	sbr.rel @p3 .LBB2_4-.Ltmp5, $4  }
0xc9: {  	v25 =	vor.u32 v7, v18;
	v53 =	vor.u32 v7, v33;
	v39 =	vor.u32 v7, v34;
	v61 =	vld.idx.msk [tilespmem:v11+s3+$0x0], $0xffff  }
0xca: {  	v15 =	vmovc v51;
	v12 =	vor.u32 v63, v51;
	v44 =	vor.u32 v16, v33;
	v29 =	vmov v35;
	v35 =	vld.idx.msk [tilespmem:v58+s3+$0x0], $0xffff  }
0xcb: {  	v17 =	vmovc v32;
	v16 =	vor.u32 v23, v32;
	v11 =	vor.u32 v23, v33;
	v23 =	vld [tilespmem:$0x1FEA0];
	v41 =	vor.u32 v14, v34  }
0xcc: {  	s29 =	sadd.s32 $0x8, s29;
	v34 =	vor.u32 v63, v40;
	[tilespmem:v8+s14+$0x0] =	vst.idx.msk $0xffff, v10;
	v8 =	vor.u32 v7, v32;
	v10 =	vld.idx.msk [tilespmem:v4+s3+$0x0], $0xffff  }
0xcd: {  	_ =	sdelay $0x3  }
0xce: {  	v0 =	vld.idx.msk [tilespmem:v55+s3+$0x0], $0xffff;
	_ =	sdelay $0x4  }
0xcf: {  	[tilespmem:v28+s14+$0x0] =	vst.idx.msk $0xffff, v0  }
0xd0: {  	[tilespmem:v43+s14+$0x0] =	vst.idx.msk $0xffff, v37;
	v0 =	vld.idx.msk [tilespmem:v30+s3+$0x0], $0xffff  }
0xd1: {  	[tilespmem:v16+s14+$0x0] =	vst.idx.msk $0xffff, v36  }
0xd2: {  	[tilespmem:v50+s14+$0x0] =	vst.idx.msk $0xffff, v61  }
0xd3: {  	[tilespmem:v11+s14+$0x0] =	vst.idx.msk $0xffff, v35  }
0xd4: {  	[tilespmem:v60+s14+$0x0] =	vst.idx.msk $0xffff, v10  }
0xd5: {  	[tilespmem:v26+s14+$0x0] =	vst.idx.msk $0xffff, v0  }
0xd6: {  	v5 =	vld [tilespmem:$0x1FED0];
	_ =	sdelay $0x2  }
0xd7: {  	v0 =	vld.idx.msk [tilespmem:v23+s3+$0x0], $0xffff;
	_ =	sdelay $0x2  }
0xd8: {  	v3 =	vld.idx.msk [tilespmem:v47+s3+$0x0], $0xffff  }
0xd9: {  	v1 =	vld.idx.msk [tilespmem:v54+s3+$0x0], $0xffff;
	[tilespmem:v9+s14+$0x0] =	vst.idx.msk $0xffff, v45  }
0xda: {  	v2 =	vld.idx.msk [tilespmem:v12+s3+$0x0], $0xffff;
	[tilespmem:v5+s14+$0x0] =	vst.idx.msk $0xffff, v0  }
0xdb: {  	v5 =	vld [tilespmem:$0x1FEC0];
	_ =	sdelay $0x1  }
0xdc: {  	v4 =	vld.idx.msk [tilespmem:v34+s3+$0x0], $0xffff  }
0xdd: {  	v26 =	vld [tilespmem:$0x1FF20];
	[tilespmem:v52+s14+$0x0] =	vst.idx.msk $0xffff, v1  }
0xde: {  	v52 =	vld [tilespmem:$0x1FF30];
	[tilespmem:v62+s14+$0x0] =	vst.idx.msk $0xffff, v2  }
0xdf: {  	v6 =	vld.idx.msk [tilespmem:v59+s3+$0x0], $0xffff;
	[tilespmem:v48+s14+$0x0] =	vst.idx.msk $0xffff, v3  }
0xe0: {  	v59 =	vld [tilespmem:$0x1FF50];
	_ =	sdelay $0x1  }
0xe1: {  	v0 =	vor.u32 v26, v21;
	v5 =	vld.idx.msk [tilespmem:v5+s3+$0x0], $0xffff;
	_ =	sdelay $0x1  }
0xe2: {  	v60 =	vld.idx.msk [tilespmem:v42+s3+$0x0], $0xffff  }
0xe3: {  	v2 =	vld.idx.msk [tilespmem:v46+s3+$0x0], $0xffff;
	[tilespmem:v53+s14+$0x0] =	vst.idx.msk $0xffff, v4;
	v3 =	vor.u32 v59, v15  }
0xe4: {  	v4 =	vld.idx.msk [tilespmem:v38+s3+$0x0], $0xffff;
	[tilespmem:v25+s14+$0x0] =	vst.idx.msk $0xffff, v6  }
0xe5: {  	v61 =	vld.idx.msk [tilespmem:v27+s3+$0x0], $0xffff;
	[tilespmem:v0+s14+$0x0] =	vst.idx.msk $0xffff, v5  }
0xe6: {  	v1 =	vor.u32 v52, v29;
	v25 =	vld [tilespmem:$0x1FF40]  }
0xe7: {  	v6 =	vor.u32 v14, v18;
	v62 =	vld.idx.msk [tilespmem:v57+s3+$0x0], $0xffff;
	[tilespmem:v8+s14+$0x0] =	vst.idx.msk $0xffff, v60  }
0xe8: {  	v3 =	vld.idx.msk [tilespmem:v3+s3+$0x0], $0xffff;
	[tilespmem:v19+s14+$0x0] =	vst.idx.msk $0xffff, v2;
	v2 =	vor.u32 v14, v24  }
0xe9: {  	v63 =	vor.u32 v14, v17;
	[tilespmem:v39+s14+$0x0] =	vst.idx.msk $0xffff, v4;
	v12 =	vld.idx.msk [tilespmem:v49+s3+$0x0], $0xffff  }
0xea: {  	v4 =	vld.idx.msk [tilespmem:v31+s3+$0x0], $0xffff  }
0xeb: {  	v1 =	vld.idx.msk [tilespmem:v1+s3+$0x0], $0xffff;
	[tilespmem:v44+s14+$0x0] =	vst.idx.msk $0xffff, v61;
	v0 =	vor.u32 v25, v21  }
0xec: {  	[tilespmem:v6+s14+$0x0] =	vst.idx.msk $0xffff, v62  }
0xed: {  	[tilespmem:v2+s14+$0x0] =	vst.idx.msk $0xffff, v3  }
0xee: {  	[tilespmem:v63+s14+$0x0] =	vst.idx.msk $0xffff, v12  }
0xef: {  	v5 =	vor.u32 v59, v20;
	[tilespmem:v41+s14+$0x0] =	vst.idx.msk $0xffff, v4  }
0xf0: {  	[tilespmem:v0+s14+$0x0] =	vst.idx.msk $0xffff, v1  }
0xf1: {  	v1 =	vld [tilespmem:$0x1FEE0];
	_ =	sdelay $0x2  }
0xf2: {  	v5 =	vld.idx.msk [tilespmem:v5+s3+$0x0], $0xffff;
	_ =	sdelay $0x3  }
0xf3: {  	v8 =	vor.u32 v59, v29  }
0xf4: {  	[tilespmem:v1+s14+$0x0] =	vst.idx.msk $0xffff, v5  }
0xf5: {  	v1 =	vld [tilespmem:$0x1FEB0];
	_ =	sdelay $0x2  }
0xf6: {  	v0 =	vld.idx.msk [tilespmem:v8+s3+$0x0], $0xffff;
	_ =	sdelay $0x4  }
0xf7: {  	[tilespmem:v1+s14+$0x0] =	vst.idx.msk $0xffff, v0  }
0xf8: {  	v7 =	vld [tilespmem:$0x1FF60]  }
0xf9: {  	v55 =	vld [tilespmem:$0x1FF70]  }
0xfa: {  	v56 =	vld [tilespmem:$0x1FF80]  }
0xfb: {  	v63 =	vld [tilespmem:$0x1FF90]  }
0xfc: {  	v60 =	vld [tilespmem:$0x1FFA0]  }
.Ltmp6:
0xfd: {  	v61 =	vld [tilespmem:$0x1FFB0];
	(pc) =	sbr.rel @p2 .LBB2_9-.Ltmp6, $4  }
0xfe: {  	v62 =	vld [tilespmem:$0x1FFD0]  }
0xff: {  	s0 =	sshll.u32 s28, $0xA;
	v39 =	vld [tilespmem:$0x1FFC0]  }
0x100: {  	s0 =	sadd.s32 s5, s0;
	v3 =	vld [tilespmem:$0x1FFE0]  }
0x101: {  	v54 =	vlaneseq.u32;
	[hbm4b:s0+s3] =	stream.linear.scatter [tilespmem:s14], [sflag:$0x3], $0x2000, $0x38;
	v22 =	vld [tilespmem:$0x1FFF0]  }
0x102: {  	s0 =	sadd.s32 s7, s26;
	s1 =	simm.s32 $0x0  }
0x103: {  	s30 =	simm.s32 $0x1;
	s31 =	simm.s32 $0x4;
	s28 =	simm.s32 $0x7;
	v0 =	vadd.s32 s1, v54  }
0x104: {  	_ =	swait.ge [sflag:s15], $0x2000;
	s29 =	simm.s32 $0x2;
	p2 =	sgt.u32 s0, $0x1E83;
	v1 =	vadd.s32 s30, v54;
	v2 =	vadd.s32 s31, v54;
	v44 =	vadd.s32 s28, v54  }
0x105: {  	[sflag:s15] =	ssyncset.done $0x0;
	s30 =	simm.s32 $0x6;
	v45 =	vadd.s32 s29, v54;
	s29 =	simm.s32 $0x5;
	v40 =	vand.u32 $0x3F, v0;
	v32 =	vand.u32 $0x3F, v44  }
0x106: {  	s0 =	sshll.u32 @!p2 s0, $0x7;
	[sflag:s15] =	ssyncadd.s32 $0xFFFFE000;
	s1 =	simm.s32 @!p2 $0x400;
	v58 =	vand.u32 $0x3F, v45;
	v47 =	vadd.s32 s30, v54;
	v4 =	vadd.s32 s29, v54  }
0x107: {  	s26 =	simm.s32 @!p2 $0x7A1400;
	s28 =	simm.s32 @!p2 $0x0;
	v20 =	vmovc v39;
	v39 =	vand.u32 $0x3F, v2;
	s0 =	sadd.s32 @!p2 s2, s0;
	v46 =	vor.u32 v14, v40;
	v17 =	vshll.u32 v58, $0x7  }
0x108: {  	v33 =	vshll.u32 v32, $0x7;
	v35 =	vand.u32 $0x3F, v47;
	[tilespmem:s28], [sflag:$0x1] =	stream.strided.gather @!p2 [hbm4b:s0+s1], $0x2000, s26, s1, $0x38;
	v48 =	vor.u32 v54, v17;
	[tilespmem:$0xB000] =	vst v63  }
0x109: {  	s31 =	simm.s32 $0x3;
	v34 =	vand.u32 $0x3F, v4;
	[tilespmem:$0x1FDD0] =	vst v46;
	s0 =	simm.s32 @!p1 $0x4;
	v49 =	vor.u32 v54, v33;
	v18 =	vshll.u32 v35, $0x7  }
0x10a: {  	v51 =	vadd.s32 s31, v54;
	v37 =	vshll.u32 v34, $0x7;
	_ =	swait.ge @!p1 [sflag:s0], $0x2000;
	v50 =	vor.u32 v54, v18  }
0x10b: {  	v57 =	vshll.u32 v39, $0x7;
	v41 =	vand.u32 $0x3F, v51;
	v5 =	vor.u32 v54, v37;
	[sflag:s0] =	ssyncset.done @!p1 $0x0  }
0x10c: {  	v23 =	vmov v3;
	v53 =	vor.u32 v54, v57;
	v36 =	vshll.u32 v41, $0x7;
	[sflag:s0] =	ssyncadd.s32 @!p1 $0xFFFFE000  }
0x10d: {  	v45 =	vor.u32 v7, v58;
	v11 =	vor.u32 v14, v39;
	v8 =	vor.u32 v54, v36;
	v3 =	vld.idx.msk [tilespmem:v48+s16+$0x0], $0xffff  }
0x10e: {  	v19 =	vand.u32 $0x3F, v1;
	v9 =	vor.u32 v7, v32;
	v0 =	vld.idx.msk [tilespmem:v49+s16+$0x0], $0xffff;
	[tilespmem:$0x1FDE0] =	vst v11  }
0x10f: {  	v42 =	vshll.u32 v19, $0x7;
	v11 =	vor.u32 v7, v35;
	v2 =	vld.idx.msk [tilespmem:v50+s16+$0x0], $0xffff  }
0x110: {  	v10 =	vor.u32 v54, v42;
	v13 =	vor.u32 v7, v34;
	v5 =	vld.idx.msk [tilespmem:v5+s16+$0x0], $0xffff  }
0x111: {  	v16 =	vor.u32 v7, v39;
	v15 =	vor.u32 v55, v37;
	v1 =	vld.idx.msk [tilespmem:v53+s16+$0x0], $0xffff  }
0x112: {  	v46 =	vor.u32 v55, v57;
	v47 =	vor.u32 v7, v41;
	v48 =	vld.idx.msk [tilespmem:v8+s16+$0x0], $0xffff;
	[tilespmem:v45+s17+$0x0] =	vst.idx.msk $0xffff, v3  }
0x113: {  	v8 =	vor.u32 v55, v18;
	[tilespmem:v9+s17+$0x0] =	vst.idx.msk $0xffff, v0  }
0x114: {  	[tilespmem:v11+s17+$0x0] =	vst.idx.msk $0xffff, v2  }
0x115: {  	v29 =	vshll.u32 v40, $0x7;
	v10 =	vld.idx.msk [tilespmem:v10+s16+$0x0], $0xffff;
	[tilespmem:v13+s17+$0x0] =	vst.idx.msk $0xffff, v5  }
0x116: {  	v30 =	vor.u32 v56, v39;
	v49 =	vor.u32 v7, v19;
	[tilespmem:v16+s17+$0x0] =	vst.idx.msk $0xffff, v1;
	v15 =	vld.idx.msk [tilespmem:v15+s16+$0x0], $0xffff  }
0x117: {  	v38 =	vor.u32 v60, v58;
	v28 =	vor.u32 v22, v29;
	[tilespmem:v47+s17+$0x0] =	vst.idx.msk $0xffff, v48;
	v3 =	vld.idx.msk [tilespmem:v46+s16+$0x0], $0xffff  }
0x118: {  	v11 =	vor.u32 v55, v36;
	v50 =	vld.idx.msk [tilespmem:v8+s16+$0x0], $0xffff;
	[tilespmem:$0x1FDF0] =	vst v28;
	v28 =	vor.u32 v23, v40  }
0x119: {  	v6 =	vor.u32 v54, v29;
	v14 =	vor.u32 v55, v33;
	[tilespmem:$0x1FE00] =	vst v28;
	v28 =	vor.u32 v20, v29  }
0x11a: {  	v12 =	vor.u32 v55, v17;
	v51 =	vor.u32 v56, v35;
	v13 =	vor.u32 v56, v34;
	[tilespmem:$0x1FE10] =	vst v28  }
0x11b: {  	v53 =	vor.u32 v62, v40;
	v16 =	vor.u32 v55, v42;
	[tilespmem:v49+s17+$0x0] =	vst.idx.msk $0xffff, v10  }
0x11c: {  	v43 =	vor.u32 v55, v29;
	v27 =	vor.u32 v63, v17;
	v31 =	vor.u32 v63, v18;
	[tilespmem:$0x1FE20] =	vst v53  }
0x11d: {  	v44 =	vor.u32 v60, v35;
	v54 =	vor.u32 v56, v41;
	v8 =	vor.u32 v63, v57;
	v11 =	vld.idx.msk [tilespmem:v11+s16+$0x0], $0xffff  }
0x11e: {  	v9 =	vor.u32 v56, v58;
	v2 =	vor.u32 v56, v32;
	v1 =	vor.u32 v63, v37;
	v55 =	vld.idx.msk [tilespmem:v14+s16+$0x0], $0xffff  }
0x11f: {  	v0 =	vor.u32 v60, v39;
	v45 =	vor.u32 v63, v33;
	[tilespmem:v13+s17+$0x0] =	vst.idx.msk $0xffff, v15;
	v12 =	vld.idx.msk [tilespmem:v12+s16+$0x0], $0xffff  }
0x120: {  	v10 =	vor.u32 v56, v19;
	v13 =	vor.u32 v63, v36;
	[tilespmem:v51+s17+$0x0] =	vst.idx.msk $0xffff, v50;
	v16 =	vld.idx.msk [tilespmem:v16+s16+$0x0], $0xffff  }
0x121: {  	v47 =	vor.u32 v61, v18;
	[tilespmem:v30+s17+$0x0] =	vst.idx.msk $0xffff, v3;
	v14 =	vor.u32 v63, v42;
	v4 =	vld.idx.msk [tilespmem:v31+s16+$0x0], $0xffff  }
0x122: {  	v48 =	vor.u32 v61, v57;
	v53 =	vor.u32 v60, v41;
	v8 =	vld.idx.msk [tilespmem:v8+s16+$0x0], $0xffff;
	[tilespmem:v54+s17+$0x0] =	vst.idx.msk $0xffff, v11  }
0x123: {  	v15 =	vor.u32 v60, v34;
	v31 =	vor.u32 v60, v40;
	v1 =	vld.idx.msk [tilespmem:v1+s16+$0x0], $0xffff;
	[tilespmem:v2+s17+$0x0] =	vst.idx.msk $0xffff, v55  }
0x124: {  	v11 =	vor.u32 v60, v19;
	v60 =	vor.u32 v60, v32;
	[tilespmem:v9+s17+$0x0] =	vst.idx.msk $0xffff, v12;
	v55 =	vld.idx.msk [tilespmem:v45+s16+$0x0], $0xffff  }
0x125: {  	v12 =	vor.u32 v61, v33;
	[tilespmem:v10+s17+$0x0] =	vst.idx.msk $0xffff, v16;
	v13 =	vld.idx.msk [tilespmem:v13+s16+$0x0], $0xffff  }
0x126: {  	[tilespmem:v44+s17+$0x0] =	vst.idx.msk $0xffff, v4;
	v14 =	vld.idx.msk [tilespmem:v14+s16+$0x0], $0xffff  }
0x127: {  	[tilespmem:v0+s17+$0x0] =	vst.idx.msk $0xffff, v8;
	v27 =	vld.idx.msk [tilespmem:v27+s16+$0x0], $0xffff  }
0x128: {  	v9 =	vor.u32 v62, v35;
	[tilespmem:v15+s17+$0x0] =	vst.idx.msk $0xffff, v1;
	v47 =	vld.idx.msk [tilespmem:v47+s16+$0x0], $0xffff  }
0x129: {  	v10 =	vor.u32 v62, v39;
	v48 =	vld.idx.msk [tilespmem:v48+s16+$0x0], $0xffff;
	[tilespmem:v60+s17+$0x0] =	vst.idx.msk $0xffff, v55  }
0x12a: {  	v50 =	vor.u32 v62, v32;
	[tilespmem:v53+s17+$0x0] =	vst.idx.msk $0xffff, v13;
	v12 =	vld.idx.msk [tilespmem:v12+s16+$0x0], $0xffff  }
0x12b: {  	[tilespmem:v11+s17+$0x0] =	vst.idx.msk $0xffff, v14  }
0x12c: {  	[tilespmem:v38+s17+$0x0] =	vst.idx.msk $0xffff, v27  }
0x12d: {  	[tilespmem:v9+s17+$0x0] =	vst.idx.msk $0xffff, v47  }
0x12e: {  	v16 =	vor.u32 v20, v18;
	[tilespmem:v10+s17+$0x0] =	vst.idx.msk $0xffff, v48  }
0x12f: {  	v46 =	vor.u32 v61, v37;
	[tilespmem:v50+s17+$0x0] =	vst.idx.msk $0xffff, v12  }
0x130: {  	v54 =	vor.u32 v61, v42;
	v12 =	vld [tilespmem:$0x1FF10]  }
0x131: {  	v49 =	vor.u32 v61, v17  }
0x132: {  	v30 =	vor.u32 v61, v29;
	v2 =	vor.u32 v61, v36  }
0x133: {  	v61 =	vor.u32 v62, v19;
	v4 =	vor.u32 v62, v34;
	v13 =	vld.idx.msk [tilespmem:v16+s16+$0x0], $0xffff;
	v16 =	vor.u32 v23, v35  }
0x134: {  	v1 =	vor.u32 v62, v58;
	v44 =	vor.u32 v62, v41;
	v62 =	vor.u32 v22, v18;
	v14 =	vld.idx.msk [tilespmem:v46+s16+$0x0], $0xffff  }
0x135: {  	v47 =	vor.u32 v20, v33;
	v3 =	vld.idx.msk [tilespmem:v54+s16+$0x0], $0xffff;
	v12 =	vor.u32 v12, v35  }
0x136: {  	v60 =	vld.idx.msk [tilespmem:v49+s16+$0x0], $0xffff;
	[tilespmem:$0x1FE30] =	vst v12  }
0x137: {  	v21 =	vor.u32 v7, v40;
	v24 =	vor.u32 v22, v37;
	v2 =	vld.idx.msk [tilespmem:v2+s16+$0x0], $0xffff  }
0x138: {  	v5 =	vor.u32 v20, v42;
	v8 =	vor.u32 v20, v57;
	v6 =	vld.idx.msk [tilespmem:v6+s16+$0x0], $0xffff;
	[tilespmem:v16+s17+$0x0] =	vst.idx.msk $0xffff, v13  }
0x139: {  	v51 =	vor.u32 v23, v39;
	[tilespmem:v4+s17+$0x0] =	vst.idx.msk $0xffff, v14;
	v16 =	vor.u32 v26, v35;
	v14 =	vld.idx.msk [tilespmem:v62+s16+$0x0], $0xffff  }
0x13a: {  	v15 =	vor.u32 v20, v17;
	[tilespmem:v61+s17+$0x0] =	vst.idx.msk $0xffff, v3;
	v61 =	vld.idx.msk [tilespmem:v47+s16+$0x0], $0xffff;
	v62 =	vor.u32 v23, v32  }
0x13b: {  	v0 =	vor.u32 v20, v37;
	v11 =	vor.u32 v23, v34;
	[tilespmem:v1+s17+$0x0] =	vst.idx.msk $0xffff, v60  }
0x13c: {  	v53 =	vor.u32 v23, v41;
	v27 =	vor.u32 v26, v34;
	[tilespmem:v44+s17+$0x0] =	vst.idx.msk $0xffff, v2  }
0x13d: {  	v38 =	vor.u32 v52, v37;
	v55 =	vor.u32 v63, v29;
	v8 =	vld.idx.msk [tilespmem:v8+s16+$0x0], $0xffff;
	[tilespmem:v21+s17+$0x0] =	vst.idx.msk $0xffff, v6  }
0x13e: {  	v9 =	vor.u32 v20, v36;
	v4 =	vor.u32 v23, v19;
	v2 =	vld.idx.msk [tilespmem:v5+s16+$0x0], $0xffff;
	[tilespmem:v16+s17+$0x0] =	vst.idx.msk $0xffff, v14  }
0x13f: {  	v10 =	vor.u32 v22, v57;
	v12 =	vor.u32 v23, v58;
	v6 =	vld.idx.msk [tilespmem:v15+s16+$0x0], $0xffff;
	[tilespmem:v62+s17+$0x0] =	vst.idx.msk $0xffff, v61  }
0x140: {  	v49 =	vor.u32 v59, v42;
	v54 =	vor.u32 v52, v57;
	v50 =	vor.u32 v26, v39;
	v15 =	vld [tilespmem:$0x1FF10]  }
0x141: {  	v13 =	vor.u32 v22, v17;
	v3 =	vor.u32 v22, v36;
	v14 =	vor.u32 v52, v18  }
0x142: {  	v1 =	vor.u32 v22, v42;
	v60 =	vor.u32 v26, v41;
	[tilespmem:v51+s17+$0x0] =	vst.idx.msk $0xffff, v8  }
0x143: {  	v0 =	vld.idx.msk [tilespmem:v0+s16+$0x0], $0xffff;
	v5 =	vor.u32 v56, v40;
	[tilespmem:v4+s17+$0x0] =	vst.idx.msk $0xffff, v2;
	v4 =	vmov v59  }
0x144: {  	v8 =	vor.u32 v22, v33;
	[tilespmem:v12+s17+$0x0] =	vst.idx.msk $0xffff, v6;
	v2 =	vld.idx.msk [tilespmem:v43+s16+$0x0], $0xffff;
	v7 =	vor.u32 v4, v37  }
0x145: {  	v21 =	vmov v40;
	v40 =	vor.u32 v25, v34;
	v44 =	vor.u32 v15, v32;
	v15 =	vld.idx.msk [tilespmem:v9+s16+$0x0], $0xffff;
	[tilespmem:$0x1FE40] =	vst v7  }
0x146: {  	v16 =	vor.u32 v26, v19;
	v62 =	vor.u32 v25, v58;
	v59 =	vor.u32 v52, v36;
	v45 =	vld.idx.msk [tilespmem:v14+s16+$0x0], $0xffff  }
0x147: {  	v6 =	vmovc v52;
	v52 =	vor.u32 v25, v39;
	v43 =	vor.u32 v26, v58;
	v39 =	vmov v58;
	v14 =	vld [tilespmem:$0x1FF10]  }
0x148: {  	v58 =	vor.u32 v25, v41;
	v42 =	vor.u32 v6, v42;
	v46 =	vor.u32 v4, v57;
	v61 =	vld.idx.msk [tilespmem:v10+s16+$0x0], $0xffff  }
0x149: {  	v51 =	vor.u32 v4, v33;
	v20 =	vor.u32 v4, v36;
	v9 =	vor.u32 v25, v35;
	v35 =	vld.idx.msk [tilespmem:v8+s16+$0x0], $0xffff  }
0x14a: {  	v12 =	vor.u32 v6, v17;
	[tilespmem:v11+s17+$0x0] =	vst.idx.msk $0xffff, v0;
	v37 =	vld.idx.msk [tilespmem:v13+s16+$0x0], $0xffff;
	v11 =	vor.u32 v26, v32  }
0x14b: {  	v36 =	vld.idx.msk [tilespmem:v1+s16+$0x0], $0xffff;
	v10 =	vor.u32 v6, v33;
	v8 =	vor.u32 v25, v19;
	[tilespmem:v53+s17+$0x0] =	vst.idx.msk $0xffff, v15  }
0x14c: {  	s26 =	simm.s32 $0x8;
	[tilespmem:v5+s17+$0x0] =	vst.idx.msk $0xffff, v2;
	v53 =	vor.u32 v25, v32;
	v13 =	vor.u32 v14, v34;
	v34 =	vld.idx.msk [tilespmem:v3+s16+$0x0], $0xffff  }
.LBB2_7:
0x14d: {  	v22 =	vlaneseq.u32;
	s0 =	sadd.s32 $0x1, s26;
	v3 =	vor.u32 v14, v19  }
0x14e: {  	[tilespmem:$0x1FDA0] =	vst v13;
	s1 =	sadd.s32 $0x4, s26;
	s28 =	sadd.s32 $0x7, s26;
	v56 =	vor.u32 v14, v41;
	s31 =	sadd.s32 $0x2, s26;
	v0 =	vadd.s32 s26, v22;
	v47 =	vadd.s32 s0, v22  }
0x14f: {  	s30 =	sadd.s32 $0x5, s26;
	[tilespmem:v50+s17+$0x0] =	vst.idx.msk $0xffff, v61;
	v13 =	vld [tilespmem:$0x1FDE0];
	v4 =	vadd.s32 s1, v22;
	v5 =	vadd.s32 s28, v22;
	v50 =	vadd.s32 s31, v22  }
0x150: {  	v1 =	vld.idx.msk [tilespmem:v55+s16+$0x0], $0xffff;
	v15 =	vadd.s32 s30, v22;
	v55 =	vand.u32 $0x3F, v0;
	v32 =	vand.u32 $0x3F, v5;
	[tilespmem:v11+s17+$0x0] =	vst.idx.msk $0xffff, v35  }
0x151: {  	s31 =	sadd.s32 $0x3, s26;
	v57 =	vld.idx.msk [tilespmem:v54+s16+$0x0], $0xffff;
	v50 =	vand.u32 $0x3F, v50;
	v19 =	vand.u32 $0x3F, v47;
	v54 =	vor.u32 v14, v55;
	[tilespmem:v43+s17+$0x0] =	vst.idx.msk $0xffff, v37  }
0x152: {  	v33 =	vshll.u32 v32, $0x7;
	v28 =	vshll.u32 v50, $0x7;
	v14 =	vadd.s32 s31, v22;
	[tilespmem:v16+s17+$0x0] =	vst.idx.msk $0xffff, v36  }
0x153: {  	v35 =	vshll.u32 v55, $0x7;
	v63 =	vor.u32 v22, v28;
	[tilespmem:v60+s17+$0x0] =	vst.idx.msk $0xffff, v34;
	v7 =	vand.u32 $0x3F, v14;
	v0 =	vld.idx.msk [tilespmem:v10+s16+$0x0], $0xffff  }
0x154: {  	s29 =	sadd.s32 $0x6, s26;
	v43 =	vand.u32 $0x3F, v4;
	v34 =	vand.u32 $0x3F, v15;
	v6 =	vmovc v13;
	v10 =	vor.u32 v22, v33;
	v13 =	vld.idx.msk [tilespmem:v42+s16+$0x0], $0xffff  }
0x155: {  	[tilespmem:v9+s17+$0x0] =	vst.idx.msk $0xffff, v45;
	v11 =	vld.idx.msk [tilespmem:v12+s16+$0x0], $0xffff;
	v12 =	vadd.s32 s29, v22;
	v42 =	vshll.u32 v19, $0x7;
	v36 =	vshll.u32 v7, $0x7  }
0x156: {  	[tilespmem:v31+s17+$0x0] =	vst.idx.msk $0xffff, v1;
	v45 =	vshll.u32 v34, $0x7;
	v9 =	vor.u32 v22, v35;
	v37 =	vand.u32 $0x3F, v12  }
0x157: {  	v48 =	vld.idx.msk [tilespmem:v30+s16+$0x0], $0xffff;
	[tilespmem:v52+s17+$0x0] =	vst.idx.msk $0xffff, v57;
	v12 =	vor.u32 v22, v36;
	v14 =	vor.u32 v22, v45  }
0x158: {  	v61 =	vmovc v18;
	v16 =	vor.u32 v22, v42;
	v15 =	vld.idx.msk [tilespmem:v46+s16+$0x0], $0xffff;
	v46 =	vshll.u32 v43, $0x7;
	v18 =	vshll.u32 v37, $0x7  }
0x159: {  	v30 =	vor.u32 v22, v18;
	[tilespmem:v8+s17+$0x0] =	vst.idx.msk $0xffff, v13;
	v8 =	vor.u32 v22, v46;
	v22 =	vld [tilespmem:$0x1FE20];
	_ =	sdelay $0x5  }
0x15a: {  	v41 =	vld.idx.msk [tilespmem:v24+s16+$0x0], $0xffff  }
0x15b: {  	v25 =	vld [tilespmem:$0x1FE00]  }
0x15c: {  	[tilespmem:v22+s17+$0x0] =	vst.idx.msk $0xffff, v48;
	v22 =	vld [tilespmem:$0x1FE10]  }
0x15d: {  	v2 =	vmov v17;
	v17 =	vld [tilespmem:$0x1FF40]  }
0x15e: {  	v47 =	vld [tilespmem:$0x1FF30]  }
0x15f: {  	v60 =	vld [tilespmem:$0x1FF70]  }
0x160: {  	v1 =	vld.idx.msk [tilespmem:v59+s16+$0x0], $0xffff  }
0x161: {  	v59 =	vld [tilespmem:$0x1FF60]  }
0x162: {  	[tilespmem:v27+s17+$0x0] =	vst.idx.msk $0xffff, v41;
	v41 =	vld [tilespmem:$0x1FF80]  }
0x163: {  	v57 =	vld [tilespmem:$0x1FF20]  }
0x164: {  	v26 =	vld.idx.msk [tilespmem:v22+s16+$0x0], $0xffff  }
0x165: {  	[tilespmem:$0x1FD90] =	vst v3;
	v3 =	vld.idx.msk [tilespmem:v63+s16+$0x0], $0xffff  }
0x166: {  	v10 =	vld.idx.msk [tilespmem:v10+s16+$0x0], $0xffff;
	[tilespmem:v53+s17+$0x0] =	vst.idx.msk $0xffff, v0  }
0x167: {  	v4 =	vld.idx.msk [tilespmem:v51+s16+$0x0], $0xffff  }
0x168: {  	v51 =	vld.idx.msk [tilespmem:v9+s16+$0x0], $0xffff  }
0x169: {  	[tilespmem:v25+s17+$0x0] =	vst.idx.msk $0xffff, v26;
	v26 =	vld [tilespmem:$0x1FDF0]  }
0x16a: {  	v63 =	vld [tilespmem:$0x1FF90]  }
0x16b: {  	v13 =	vld [tilespmem:$0x1FF10];
	[tilespmem:v58+s17+$0x0] =	vst.idx.msk $0xffff, v1  }
0x16c: {  	[tilespmem:v62+s17+$0x0] =	vst.idx.msk $0xffff, v11;
	v11 =	vor.u32 v59, v50;
	v12 =	vld.idx.msk [tilespmem:v12+s16+$0x0], $0xffff  }
0x16d: {  	v31 =	vor.u32 v59, v32;
	v16 =	vld.idx.msk [tilespmem:v16+s16+$0x0], $0xffff;
	[tilespmem:v6+s17+$0x0] =	vst.idx.msk $0xffff, v15;
	v6 =	vor.u32 v60, v35  }
0x16e: {  	[tilespmem:$0x1FDC0] =	vst v6;
	v6 =	vld.idx.msk [tilespmem:v30+s16+$0x0], $0xffff  }
0x16f: {  	v8 =	vld.idx.msk [tilespmem:v8+s16+$0x0], $0xffff  }
0x170: {  	v5 =	vor.u32 v60, v33;
	v58 =	vor.u32 v59, v43;
	v48 =	vld [tilespmem:$0x1FF50]  }
0x171: {  	v62 =	vor.u32 v57, v21;
	v13 =	vor.u32 v13, v43;
	[tilespmem:v11+s17+$0x0] =	vst.idx.msk $0xffff, v3;
	v26 =	vld.idx.msk [tilespmem:v26+s16+$0x0], $0xffff  }
0x172: {  	[tilespmem:v31+s17+$0x0] =	vst.idx.msk $0xffff, v10;
	v10 =	vor.u32 v47, v29;
	v9 =	vld.idx.msk [tilespmem:v14+s16+$0x0], $0xffff;
	v14 =	vor.u32 v59, v37  }
0x173: {  	v15 =	vld.idx.msk [tilespmem:v20+s16+$0x0], $0xffff;
	[tilespmem:$0x1FDE0] =	vst v13  }
0x174: {  	v52 =	vor.u32 v59, v34;
	v13 =	vld.idx.msk [tilespmem:v49+s16+$0x0], $0xffff;
	[tilespmem:v44+s17+$0x0] =	vst.idx.msk $0xffff, v4  }
0x175: {  	v5 =	vld.idx.msk [tilespmem:v5+s16+$0x0], $0xffff;
	[tilespmem:v58+s17+$0x0] =	vst.idx.msk $0xffff, v8  }
0x176: {  	v11 =	vor.u32 v60, v45;
	v58 =	vld [tilespmem:$0x1FFA0];
	[tilespmem:v62+s17+$0x0] =	vst.idx.msk $0xffff, v26  }
0x177: {  	v2 =	vor.u32 v48, v2;
	[tilespmem:v14+s17+$0x0] =	vst.idx.msk $0xffff, v6;
	v6 =	vor.u32 v17, v21;
	v10 =	vld.idx.msk [tilespmem:v10+s16+$0x0], $0xffff  }
0x178: {  	v23 =	vor.u32 v48, v29;
	v14 =	vld.idx.msk [tilespmem:v38+s16+$0x0], $0xffff  }
0x179: {  	v30 =	vor.u32 v59, v7;
	[tilespmem:v52+s17+$0x0] =	vst.idx.msk $0xffff, v9;
	v9 =	vld [tilespmem:$0x1FF10]  }
0x17a: {  	v53 =	vor.u32 v59, v55;
	v31 =	vor.u32 v60, v46;
	v21 =	vor.u32 v59, v19;
	v59 =	vld [tilespmem:$0x1FFD0]  }
0x17b: {  	v52 =	vor.u32 v41, v34;
	v11 =	vld.idx.msk [tilespmem:v11+s16+$0x0], $0xffff  }
0x17c: {  	v2 =	vld.idx.msk [tilespmem:v2+s16+$0x0], $0xffff;
	[tilespmem:v6+s17+$0x0] =	vst.idx.msk $0xffff, v10  }
0x17d: {  	v4 =	vor.u32 v60, v36;
	[tilespmem:v56+s17+$0x0] =	vst.idx.msk $0xffff, v15;
	v44 =	vld.idx.msk [tilespmem:v23+s16+$0x0], $0xffff  }
0x17e: {  	v15 =	vor.u32 v60, v42;
	[tilespmem:v30+s17+$0x0] =	vst.idx.msk $0xffff, v12;
	v9 =	vor.u32 v9, v39;
	v23 =	vld [tilespmem:$0x1FD90]  }
0x17f: {  	v0 =	vor.u32 v60, v28;
	v12 =	vld.idx.msk [tilespmem:v31+s16+$0x0], $0xffff;
	[tilespmem:v40+s17+$0x0] =	vst.idx.msk $0xffff, v14  }
0x180: {  	v1 =	vor.u32 v41, v43;
	[tilespmem:v52+s17+$0x0] =	vst.idx.msk $0xffff, v11;
	v52 =	vld [tilespmem:$0x1FE40];
	v25 =	vor.u32 v60, v18  }
0x181: {  	[tilespmem:v21+s17+$0x0] =	vst.idx.msk $0xffff, v16;
	v16 =	vor.u32 v59, v55;
	v60 =	vld [tilespmem:$0x1FFE0]  }
0x182: {  	v4 =	vld.idx.msk [tilespmem:v4+s16+$0x0], $0xffff;
	[tilespmem:$0x1FE20] =	vst v16  }
0x183: {  	v38 =	vor.u32 v63, v46;
	v16 =	vor.u32 v41, v7;
	[tilespmem:v9+s17+$0x0] =	vst.idx.msk $0xffff, v2;
	v2 =	vld.idx.msk [tilespmem:v15+s16+$0x0], $0xffff  }
0x184: {  	v49 =	vor.u32 v41, v32;
	v0 =	vld.idx.msk [tilespmem:v0+s16+$0x0], $0xffff  }
0x185: {  	[tilespmem:v1+s17+$0x0] =	vst.idx.msk $0xffff, v12;
	v30 =	vld.idx.msk [tilespmem:v25+s16+$0x0], $0xffff  }
0x186: {  	v29 =	vor.u32 v41, v50;
	v25 =	vor.u32 v60, v55;
	[tilespmem:v23+s17+$0x0] =	vst.idx.msk $0xffff, v13;
	v23 =	vld [tilespmem:$0x1FDA0]  }
0x187: {  	v11 =	vor.u32 v41, v19;
	[tilespmem:$0x1FE00] =	vst v25;
	v25 =	vld [tilespmem:$0x1FFC0]  }
0x188: {  	v9 =	vor.u32 v63, v42;
	[tilespmem:v16+s17+$0x0] =	vst.idx.msk $0xffff, v4;
	v16 =	vld.idx.msk [tilespmem:v38+s16+$0x0], $0xffff  }
0x189: {  	[tilespmem:v49+s17+$0x0] =	vst.idx.msk $0xffff, v5;
	v3 =	vld.idx.msk [tilespmem:v52+s16+$0x0], $0xffff  }
0x18a: {  	[tilespmem:$0x1FDB0] =	vst v51;
	v22 =	vor.u32 v63, v28;
	v12 =	vor.u32 v58, v43;
	v26 =	vld [tilespmem:$0x1FFB0]  }
0x18b: {  	v20 =	vld [tilespmem:$0x1FFF0];
	v51 =	vor.u32 v41, v37;
	[tilespmem:v29+s17+$0x0] =	vst.idx.msk $0xffff, v0  }
0x18c: {  	v31 =	vor.u32 v48, v61;
	v14 =	vor.u32 v25, v35;
	[tilespmem:v11+s17+$0x0] =	vst.idx.msk $0xffff, v2  }
0x18d: {  	[tilespmem:$0x1FE10] =	vst v14;
	v9 =	vld.idx.msk [tilespmem:v9+s16+$0x0], $0xffff  }
0x18e: {  	v14 =	vor.u32 v63, v18;
	v62 =	vor.u32 v58, v19;
	[tilespmem:v23+s17+$0x0] =	vst.idx.msk $0xffff, v3;
	v23 =	vld [tilespmem:$0x1FE30]  }
0x18f: {  	v24 =	vor.u32 v63, v45;
	[tilespmem:v12+s17+$0x0] =	vst.idx.msk $0xffff, v16;
	v16 =	vld.idx.msk [tilespmem:v22+s16+$0x0], $0xffff;
	v5 =	vor.u32 v26, v42  }
0x190: {  	v27 =	vor.u32 v20, v35;
	v8 =	vor.u32 v58, v50;
	[tilespmem:v51+s17+$0x0] =	vst.idx.msk $0xffff, v30;
	v22 =	vld [tilespmem:$0x1FF10]  }
0x191: {  	v1 =	vor.u32 v58, v34;
	v39 =	vor.u32 v63, v36;
	v56 =	vor.u32 v59, v34;
	v21 =	vld.idx.msk [tilespmem:v31+s16+$0x0], $0xffff  }
0x192: {  	v49 =	vor.u32 v59, v43;
	[tilespmem:$0x1FDF0] =	vst v27;
	v27 =	vor.u32 v59, v37;
	v4 =	vor.u32 v58, v7  }
0x193: {  	v14 =	vld.idx.msk [tilespmem:v14+s16+$0x0], $0xffff;
	v6 =	vor.u32 v58, v37;
	v10 =	vor.u32 v63, v33;
	[tilespmem:v62+s17+$0x0] =	vst.idx.msk $0xffff, v9  }
0x194: {  	v52 =	vor.u32 v58, v55;
	v12 =	vor.u32 v59, v19;
	v13 =	vor.u32 v26, v18;
	v5 =	vld.idx.msk [tilespmem:v5+s16+$0x0], $0xffff  }
0x195: {  	v31 =	vor.u32 v25, v45;
	v61 =	vor.u32 v25, v36;
	[tilespmem:v8+s17+$0x0] =	vst.idx.msk $0xffff, v16;
	v24 =	vld.idx.msk [tilespmem:v24+s16+$0x0], $0xffff  }
0x196: {  	v22 =	vor.u32 v22, v37;
	v40 =	vor.u32 v26, v46;
	[tilespmem:v23+s17+$0x0] =	vst.idx.msk $0xffff, v21;
	v23 =	vld [tilespmem:$0x1FDD0]  }
0x197: {  	v15 =	vor.u32 v26, v45;
	v3 =	vor.u32 v26, v28;
	v21 =	vmov v55;
	v55 =	vld.idx.msk [tilespmem:v39+s16+$0x0], $0xffff  }
0x198: {  	v30 =	vor.u32 v26, v36;
	[tilespmem:v6+s17+$0x0] =	vst.idx.msk $0xffff, v14;
	v6 =	vld.idx.msk [tilespmem:v10+s16+$0x0], $0xffff;
	v14 =	vor.u32 v58, v32  }
0x199: {  	v29 =	vor.u32 v26, v33;
	v2 =	vor.u32 v59, v50;
	[tilespmem:$0x1FE30] =	vst v22;
	v13 =	vld.idx.msk [tilespmem:v13+s16+$0x0], $0xffff  }
0x19a: {  	v38 =	vmov v50;
	v11 =	vor.u32 v25, v18;
	v62 =	vor.u32 v60, v19;
	[tilespmem:v12+s17+$0x0] =	vst.idx.msk $0xffff, v5  }
0x19b: {  	v40 =	vld.idx.msk [tilespmem:v40+s16+$0x0], $0xffff;
	v22 =	vor.u32 v60, v38;
	v12 =	vor.u32 v60, v32;
	[tilespmem:v1+s17+$0x0] =	vst.idx.msk $0xffff, v24  }
0x19c: {  	v3 =	vld.idx.msk [tilespmem:v3+s16+$0x0], $0xffff;
	v1 =	vor.u32 v25, v42;
	v10 =	vor.u32 v25, v46;
	[tilespmem:v4+s17+$0x0] =	vst.idx.msk $0xffff, v55  }
0x19d: {  	v9 =	vld.idx.msk [tilespmem:v15+s16+$0x0], $0xffff;
	v58 =	vor.u32 v59, v7;
	v4 =	vor.u32 v41, v21;
	[tilespmem:v14+s17+$0x0] =	vst.idx.msk $0xffff, v6  }
0x19e: {  	v41 =	vmov v7;
	v6 =	vor.u32 v60, v43;
	[tilespmem:v27+s17+$0x0] =	vst.idx.msk $0xffff, v13;
	v13 =	vld.idx.msk [tilespmem:v29+s16+$0x0], $0xffff  }
0x19f: {  	v29 =	vor.u32 v59, v32;
	[tilespmem:v23+s17+$0x0] =	vst.idx.msk $0xffff, v44;
	v23 =	vmov v54;
	v44 =	vor.u32 v60, v34  }
0x1a0: {  	v54 =	vor.u32 v60, v37;
	[tilespmem:$0x1FDD0] =	vst v23;
	v23 =	vor.u32 v60, v7;
	v60 =	vor.u32 v57, v7;
	v7 =	vld [tilespmem:$0x1FDB0]  }
0x1a1: {  	v8 =	vor.u32 v20, v28;
	v16 =	vor.u32 v57, v19;
	[tilespmem:v49+s17+$0x0] =	vst.idx.msk $0xffff, v40;
	v1 =	vld.idx.msk [tilespmem:v1+s16+$0x0], $0xffff  }
0x1a2: {  	v51 =	vor.u32 v26, v35;
	v49 =	vor.u32 v48, v42;
	[tilespmem:v2+s17+$0x0] =	vst.idx.msk $0xffff, v3;
	v10 =	vld.idx.msk [tilespmem:v10+s16+$0x0], $0xffff  }
0x1a3: {  	v40 =	vor.u32 v17, v34;
	v39 =	vor.u32 v25, v28;
	[tilespmem:v56+s17+$0x0] =	vst.idx.msk $0xffff, v9;
	v59 =	vld.idx.msk [tilespmem:v30+s16+$0x0], $0xffff  }
0x1a4: {  	v50 =	vor.u32 v57, v43;
	v55 =	vor.u32 v25, v33;
	v11 =	vld.idx.msk [tilespmem:v11+s16+$0x0], $0xffff;
	[tilespmem:v29+s17+$0x0] =	vst.idx.msk $0xffff, v13  }
0x1a5: {  	v15 =	vor.u32 v20, v18;
	v13 =	vld [tilespmem:$0x1FF10];
	[tilespmem:v53+s17+$0x0] =	vst.idx.msk $0xffff, v7;
	v7 =	vor.u32 v48, v45  }
0x1a6: {  	v26 =	vor.u32 v20, v42;
	v24 =	vor.u32 v20, v45;
	v42 =	vor.u32 v47, v42;
	[tilespmem:$0x1FE40] =	vst v7;
	v7 =	vld [tilespmem:$0x1FDC0]  }
0x1a7: {  	v2 =	vor.u32 v47, v18;
	v9 =	vor.u32 v57, v37;
	v5 =	vld.idx.msk [tilespmem:v31+s16+$0x0], $0xffff;
	v14 =	vor.u32 v20, v46  }
0x1a8: {  	v25 =	vor.u32 v20, v36;
	v31 =	vmov v52;
	v3 =	vld.idx.msk [tilespmem:v39+s16+$0x0], $0xffff;
	[tilespmem:v6+s17+$0x0] =	vst.idx.msk $0xffff, v10  }
0x1a9: {  	v52 =	vor.u32 v17, v43;
	v43 =	vor.u32 v57, v38;
	[tilespmem:v54+s17+$0x0] =	vst.idx.msk $0xffff, v11;
	v0 =	vld.idx.msk [tilespmem:v55+s16+$0x0], $0xffff  }
0x1aa: {  	v39 =	vmov v38;
	v30 =	vmov v51;
	v27 =	vor.u32 v57, v34;
	[tilespmem:v58+s17+$0x0] =	vst.idx.msk $0xffff, v59;
	v11 =	vld.idx.msk [tilespmem:v15+s16+$0x0], $0xffff  }
0x1ab: {  	v55 =	vor.u32 v63, v35;
	v15 =	vor.u32 v20, v33;
	v63 =	vor.u32 v13, v32;
	v13 =	vld.idx.msk [tilespmem:v61+s16+$0x0], $0xffff  }
0x1ac: {  	v51 =	vor.u32 v47, v45;
	[tilespmem:v62+s17+$0x0] =	vst.idx.msk $0xffff, v1;
	v62 =	vor.u32 v17, v38;
	v61 =	vld.idx.msk [tilespmem:v14+s16+$0x0], $0xffff  }
0x1ad: {  	v38 =	vmov v51;
	v51 =	vor.u32 v48, v33;
	[tilespmem:v22+s17+$0x0] =	vst.idx.msk $0xffff, v3;
	v10 =	vor.u32 v47, v33;
	v14 =	vld [tilespmem:$0x1FF10]  }
0x1ae: {  	p1 =	slt.u32 s26, $0x38;
	v59 =	vor.u32 v47, v36;
	v29 =	vmov v35;
	v58 =	vor.u32 v17, v41;
	v56 =	vld.idx.msk [tilespmem:v7+s16+$0x0], $0xffff  }
.Ltmp7:
0x1af: {  	v54 =	vor.u32 v47, v46;
	v20 =	vor.u32 v48, v36;
	v36 =	vld.idx.msk [tilespmem:v26+s16+$0x0], $0xffff;
	[tilespmem:v12+s17+$0x0] =	vst.idx.msk $0xffff, v0;
	(pc) =	sbr.rel @p1 .LBB2_7-.Ltmp7, $4  }
0x1b0: {  	v46 =	vor.u32 v48, v46;
	[tilespmem:v44+s17+$0x0] =	vst.idx.msk $0xffff, v5;
	v53 =	vor.u32 v17, v32;
	v35 =	vld.idx.msk [tilespmem:v15+s16+$0x0], $0xffff  }
0x1b1: {  	v12 =	vor.u32 v47, v28;
	[tilespmem:v9+s17+$0x0] =	vst.idx.msk $0xffff, v11;
	v9 =	vor.u32 v17, v37;
	v37 =	vld.idx.msk [tilespmem:v8+s16+$0x0], $0xffff  }
0x1b2: {  	v11 =	vor.u32 v57, v32;
	v8 =	vor.u32 v17, v19;
	v45 =	vld.idx.msk [tilespmem:v2+s16+$0x0], $0xffff;
	[tilespmem:v23+s17+$0x0] =	vst.idx.msk $0xffff, v13  }
0x1b3: {  	s26 =	sadd.s32 $0x8, s26;
	v44 =	vmov v63;
	v17 =	vmov v28;
	v13 =	vor.u32 v14, v34;
	v34 =	vld.idx.msk [tilespmem:v25+s16+$0x0], $0xffff;
	[tilespmem:v4+s17+$0x0] =	vst.idx.msk $0xffff, v56  }
0x1b4: {  	_ =	sdelay $0x3  }
0x1b5: {  	v0 =	vld.idx.msk [tilespmem:v55+s16+$0x0], $0xffff;
	_ =	sdelay $0x4  }
0x1b6: {  	[tilespmem:v31+s17+$0x0] =	vst.idx.msk $0xffff, v0  }
0x1b7: {  	v1 =	vld [tilespmem:$0x1FE20];
	_ =	sdelay $0x2  }
0x1b8: {  	v0 =	vld.idx.msk [tilespmem:v30+s16+$0x0], $0xffff;
	_ =	sdelay $0x3  }
0x1b9: {  	[tilespmem:v50+s17+$0x0] =	vst.idx.msk $0xffff, v61  }
0x1ba: {  	[tilespmem:v1+s17+$0x0] =	vst.idx.msk $0xffff, v0  }
0x1bb: {  	v0 =	vld [tilespmem:$0x1FE10]  }
0x1bc: {  	[tilespmem:v11+s17+$0x0] =	vst.idx.msk $0xffff, v35  }
0x1bd: {  	[tilespmem:v43+s17+$0x0] =	vst.idx.msk $0xffff, v37  }
0x1be: {  	[tilespmem:v16+s17+$0x0] =	vst.idx.msk $0xffff, v36  }
0x1bf: {  	[tilespmem:v60+s17+$0x0] =	vst.idx.msk $0xffff, v34  }
0x1c0: {  	v5 =	vld [tilespmem:$0x1FE00];
	_ =	sdelay $0x2  }
0x1c1: {  	v0 =	vld.idx.msk [tilespmem:v0+s16+$0x0], $0xffff;
	_ =	sdelay $0x3  }
0x1c2: {  	[tilespmem:v9+s17+$0x0] =	vst.idx.msk $0xffff, v45  }
0x1c3: {  	[tilespmem:v5+s17+$0x0] =	vst.idx.msk $0xffff, v0  }
0x1c4: {  	v5 =	vld [tilespmem:$0x1FDF0]  }
0x1c5: {  	v3 =	vld.idx.msk [tilespmem:v24+s16+$0x0], $0xffff  }
0x1c6: {  	v1 =	vld.idx.msk [tilespmem:v54+s16+$0x0], $0xffff  }
0x1c7: {  	v26 =	vld [tilespmem:$0x1FF20]  }
0x1c8: {  	v2 =	vld.idx.msk [tilespmem:v12+s16+$0x0], $0xffff  }
0x1c9: {  	v4 =	vld.idx.msk [tilespmem:v10+s16+$0x0], $0xffff  }
0x1ca: {  	v6 =	vld.idx.msk [tilespmem:v59+s16+$0x0], $0xffff  }
0x1cb: {  	v60 =	vld.idx.msk [tilespmem:v42+s16+$0x0], $0xffff  }
0x1cc: {  	[tilespmem:v52+s17+$0x0] =	vst.idx.msk $0xffff, v1;
	v0 =	vor.u32 v26, v21;
	v5 =	vld.idx.msk [tilespmem:v5+s16+$0x0], $0xffff  }
0x1cd: {  	v52 =	vld [tilespmem:$0x1FF30];
	[tilespmem:v62+s17+$0x0] =	vst.idx.msk $0xffff, v2  }
0x1ce: {  	[tilespmem:v27+s17+$0x0] =	vst.idx.msk $0xffff, v3  }
0x1cf: {  	v59 =	vld [tilespmem:$0x1FF50];
	[tilespmem:v53+s17+$0x0] =	vst.idx.msk $0xffff, v4  }
0x1d0: {  	[tilespmem:v58+s17+$0x0] =	vst.idx.msk $0xffff, v6  }
0x1d1: {  	[tilespmem:v0+s17+$0x0] =	vst.idx.msk $0xffff, v5  }
0x1d2: {  	v25 =	vld [tilespmem:$0x1FF40];
	[tilespmem:v8+s17+$0x0] =	vst.idx.msk $0xffff, v60  }
0x1d3: {  	v7 =	vld [tilespmem:$0x1FDE0]  }
0x1d4: {  	v4 =	vld.idx.msk [tilespmem:v38+s16+$0x0], $0xffff  }
0x1d5: {  	v61 =	vld.idx.msk [tilespmem:v51+s16+$0x0], $0xffff  }
0x1d6: {  	v2 =	vld.idx.msk [tilespmem:v46+s16+$0x0], $0xffff;
	_ =	sdelay $0x2  }
0x1d7: {  	[tilespmem:v40+s17+$0x0] =	vst.idx.msk $0xffff, v4  }
0x1d8: {  	[tilespmem:v44+s17+$0x0] =	vst.idx.msk $0xffff, v61  }
0x1d9: {  	v1 =	vor.u32 v52, v29;
	[tilespmem:v7+s17+$0x0] =	vst.idx.msk $0xffff, v2  }
0x1da: {  	v4 =	vld [tilespmem:$0x1FE40];
	_ =	sdelay $0x1  }
0x1db: {  	v3 =	vor.u32 v59, v17;
	_ =	sdelay $0x1  }
0x1dc: {  	v1 =	vld.idx.msk [tilespmem:v1+s16+$0x0], $0xffff;
	v0 =	vor.u32 v25, v21  }
0x1dd: {  	v6 =	vor.u32 v14, v41;
	v62 =	vld.idx.msk [tilespmem:v20+s16+$0x0], $0xffff  }
0x1de: {  	v63 =	vor.u32 v14, v19;
	v12 =	vld.idx.msk [tilespmem:v49+s16+$0x0], $0xffff  }
0x1df: {  	v3 =	vld.idx.msk [tilespmem:v3+s16+$0x0], $0xffff;
	v2 =	vor.u32 v14, v39  }
0x1e0: {  	v4 =	vld.idx.msk [tilespmem:v4+s16+$0x0], $0xffff  }
0x1e1: {  	[tilespmem:v0+s17+$0x0] =	vst.idx.msk $0xffff, v1  }
0x1e2: {  	[tilespmem:v6+s17+$0x0] =	vst.idx.msk $0xffff, v62  }
0x1e3: {  	[tilespmem:v63+s17+$0x0] =	vst.idx.msk $0xffff, v12  }
0x1e4: {  	v5 =	vor.u32 v59, v18;
	[tilespmem:v2+s17+$0x0] =	vst.idx.msk $0xffff, v3  }
0x1e5: {  	[tilespmem:v13+s17+$0x0] =	vst.idx.msk $0xffff, v4  }
0x1e6: {  	v1 =	vld [tilespmem:$0x1FE30];
	_ =	sdelay $0x2  }
0x1e7: {  	v5 =	vld.idx.msk [tilespmem:v5+s16+$0x0], $0xffff;
	_ =	sdelay $0x3  }
0x1e8: {  	v8 =	vor.u32 v59, v29  }
0x1e9: {  	[tilespmem:v1+s17+$0x0] =	vst.idx.msk $0xffff, v5  }
0x1ea: {  	v1 =	vld [tilespmem:$0x1FDD0];
	_ =	sdelay $0x2  }
0x1eb: {  	v0 =	vld.idx.msk [tilespmem:v8+s16+$0x0], $0xffff;
	_ =	sdelay $0x4  }
0x1ec: {  	[tilespmem:v1+s17+$0x0] =	vst.idx.msk $0xffff, v0  }
0x1ed: {  	v7 =	vld [tilespmem:$0x1FF60]  }
0x1ee: {  	v55 =	vld [tilespmem:$0x1FF70]  }
0x1ef: {  	v56 =	vld [tilespmem:$0x1FF80]  }
0x1f0: {  	v63 =	vld [tilespmem:$0x1FF90]  }
0x1f1: {  	v60 =	vld [tilespmem:$0x1FFA0]  }
.Ltmp8:
0x1f2: {  	v61 =	vld [tilespmem:$0x1FFB0];
	(pc) =	sbr.rel .LBB2_9-.Ltmp8, $4  }
0x1f3: {  	v62 =	vld [tilespmem:$0x1FFD0]  }
0x1f4: {  	s0 =	sshll.u32 s25, $0xA;
	v39 =	vld [tilespmem:$0x1FFC0]  }
0x1f5: {  	s0 =	sadd.s32 s5, s0;
	v3 =	vld [tilespmem:$0x1FFE0]  }
0x1f6: {  	v54 =	vlaneseq.u32;
	[hbm4b:s0+s3] =	stream.linear.scatter [tilespmem:s17], [sflag:$0x4], $0x2000, $0x38;
	v22 =	vld [tilespmem:$0x1FFF0]  }
.LBB2_10:
0x1f7: {  	_ =	swait.ge [sflag:s18], $0x2000  }
.Ltmp9:
0x1f8: {  	[sflag:s18] =	ssyncset.done $0x0;
	(pc) =	sbr.rel @p0 .LBB2_14-.Ltmp9, $4  }
0x1f9: {  	[sflag:s18] =	ssyncadd.s32 $0xFFFFE000  }
0x1fa: {  	_ =	swait.ge [sflag:s19], $0x2000  }
0x1fb: {  	[sflag:s19] =	ssyncset.done $0x0  }
0x1fc: {  	[sflag:s19] =	ssyncadd.s32 $0xFFFFE000  }
0x1fd: {  	s0 =	simm.s32 $0x0  }
0x1fe: {  	s1 =	simm.s32 $0x7;
	s30 =	simm.s32 $0x4;
	s24 =	simm.s32 $0x5;
	v0 =	vadd.s32 s0, v54  }
0x1ff: {  	s31 =	simm.s32 $0x1;
	s25 =	simm.s32 $0x2;
	s26 =	simm.s32 $0x3;
	v1 =	vadd.s32 s1, v54;
	v2 =	vadd.s32 s30, v54;
	v51 =	vadd.s32 s24, v54  }
0x200: {  	v4 =	vadd.s32 s31, v54;
	v5 =	vadd.s32 s25, v54;
	v10 =	vadd.s32 s26, v54  }
0x201: {  	s30 =	simm.s32 $0x6;
	v0 =	vand.u32 $0x3F, v0;
	v4 =	vand.u32 $0x3F, v4;
	v5 =	vand.u32 $0x3F, v5  }
0x202: {  	v58 =	vmovc v3;
	v13 =	vand.u32 $0x3F, v10;
	v3 =	vand.u32 $0x3F, v51;
	v10 =	vadd.s32 s30, v54  }
0x203: {  	v2 =	vand.u32 $0x3F, v2;
	v1 =	vand.u32 $0x3F, v1;
	v16 =	vor.u32 v62, v0  }
0x204: {  	v17 =	vor.u32 v60, v0;
	v6 =	vor.u32 v56, v0;
	v8 =	vshll.u32 v4, $0x7  }
0x205: {  	v9 =	vshll.u32 v5, $0x7;
	v11 =	vor.u32 v7, v4;
	v14 =	vshll.u32 v0, $0x7  }
0x206: {  	v24 =	vshll.u32 v13, $0x7;
	v27 =	vshll.u32 v3, $0x7;
	v15 =	vor.u32 v54, v8  }
0x207: {  	[tilespmem:s20], [sflag:$0x5] =	stream.strided.gather [hbm4b:s8+s11], $0x2000, s12, s11, $0x38;
	v28 =	vshll.u32 v2, $0x7;
	v10 =	vand.u32 $0x3F, v10;
	v20 =	vor.u32 v54, v27;
	[tilespmem:$0xB000] =	vst v63  }
0x208: {  	v59 =	vmovc v22;
	_ =	swait.ge [sflag:s21], $0x2000;
	v18 =	vor.u32 v62, v2;
	v0 =	vor.u32 v7, v0;
	v22 =	vor.u32 v54, v14  }
0x209: {  	[sflag:s21] =	ssyncset.done $0x0;
	v25 =	vor.u32 v7, v5;
	v32 =	vshll.u32 v1, $0x7;
	v12 =	vor.u32 v54, v9  }
0x20a: {  	[sflag:s21] =	ssyncadd.s32 $0xFFFFE000;
	v30 =	vor.u32 v7, v3;
	v37 =	vor.u32 v7, v13;
	v29 =	vor.u32 v54, v32  }
0x20b: {  	v57 =	vmovc v39;
	v41 =	vor.u32 v7, v1;
	v21 =	vor.u32 v54, v24;
	v33 =	vshll.u32 v10, $0x7;
	v15 =	vld.idx.msk [tilespmem:v15+s20+$0x0], $0xffff  }
0x20c: {  	v42 =	vor.u32 v56, v4;
	v43 =	vor.u32 v56, v5;
	v35 =	vor.u32 v54, v33;
	v34 =	vld.idx.msk [tilespmem:v20+s20+$0x0], $0xffff  }
0x20d: {  	v46 =	vor.u32 v56, v3;
	v48 =	vor.u32 v56, v13;
	v23 =	vor.u32 v55, v8;
	v52 =	vld.idx.msk [tilespmem:v22+s20+$0x0], $0xffff  }
0x20e: {  	v49 =	vor.u32 v7, v2;
	v51 =	vor.u32 v60, v4;
	v36 =	vor.u32 v55, v27;
	v12 =	vld.idx.msk [tilespmem:v12+s20+$0x0], $0xffff  }
0x20f: {  	v39 =	vor.u32 v60, v5;
	v19 =	vor.u32 v62, v10;
	v40 =	vor.u32 v55, v14;
	v29 =	vld.idx.msk [tilespmem:v29+s20+$0x0], $0xffff  }
0x210: {  	v26 =	vor.u32 v55, v9;
	v31 =	vor.u32 v54, v28;
	v44 =	vld.idx.msk [tilespmem:v21+s20+$0x0], $0xffff;
	[tilespmem:v11+s22+$0x0] =	vst.idx.msk $0xffff, v15  }
0x211: {  	v38 =	vor.u32 v55, v24;
	v47 =	vor.u32 v7, v10;
	v35 =	vld.idx.msk [tilespmem:v35+s20+$0x0], $0xffff;
	[tilespmem:v30+s22+$0x0] =	vst.idx.msk $0xffff, v34  }
0x212: {  	v50 =	vor.u32 v63, v14;
	v30 =	vor.u32 v55, v32;
	[tilespmem:v0+s22+$0x0] =	vst.idx.msk $0xffff, v52;
	v45 =	vld.idx.msk [tilespmem:v23+s20+$0x0], $0xffff  }
0x213: {  	v53 =	vor.u32 v61, v27;
	[tilespmem:v25+s22+$0x0] =	vst.idx.msk $0xffff, v12;
	v12 =	vor.u32 v55, v33;
	v34 =	vld.idx.msk [tilespmem:v36+s20+$0x0], $0xffff  }
0x214: {  	v20 =	vor.u32 v62, v1;
	v22 =	vor.u32 v60, v2;
	[tilespmem:v41+s22+$0x0] =	vst.idx.msk $0xffff, v29;
	v40 =	vld.idx.msk [tilespmem:v40+s20+$0x0], $0xffff  }
0x215: {  	v11 =	vor.u32 v63, v8;
	v15 =	vor.u32 v63, v9;
	v0 =	vld.idx.msk [tilespmem:v31+s20+$0x0], $0xffff;
	[tilespmem:v37+s22+$0x0] =	vst.idx.msk $0xffff, v44  }
0x216: {  	v31 =	vor.u32 v63, v27;
	v41 =	vor.u32 v61, v8;
	v52 =	vld.idx.msk [tilespmem:v26+s20+$0x0], $0xffff;
	[tilespmem:v47+s22+$0x0] =	vst.idx.msk $0xffff, v35  }
0x217: {  	v23 =	vor.u32 v60, v10;
	v26 =	vor.u32 v61, v9;
	v8 =	vld.idx.msk [tilespmem:v30+s20+$0x0], $0xffff;
	[tilespmem:v42+s22+$0x0] =	vst.idx.msk $0xffff, v45  }
0x218: {  	v10 =	vor.u32 v56, v10;
	v9 =	vor.u32 v56, v2;
	v2 =	vld.idx.msk [tilespmem:v12+s20+$0x0], $0xffff;
	[tilespmem:v46+s22+$0x0] =	vst.idx.msk $0xffff, v34  }
0x219: {  	v21 =	vor.u32 v61, v28;
	v34 =	vor.u32 v55, v28;
	[tilespmem:v6+s22+$0x0] =	vst.idx.msk $0xffff, v40;
	v6 =	vld.idx.msk [tilespmem:v38+s20+$0x0], $0xffff  }
0x21a: {  	v25 =	vor.u32 v61, v33;
	v29 =	vor.u32 v61, v24;
	v33 =	vor.u32 v63, v33;
	v11 =	vld.idx.msk [tilespmem:v11+s20+$0x0], $0xffff  }
0x21b: {  	v44 =	vor.u32 v62, v4;
	[tilespmem:v49+s22+$0x0] =	vst.idx.msk $0xffff, v0;
	v45 =	vor.u32 v60, v3;
	v42 =	vld.idx.msk [tilespmem:v31+s20+$0x0], $0xffff  }
0x21c: {  	v37 =	vor.u32 v60, v1;
	v27 =	vor.u32 v61, v32;
	[tilespmem:v43+s22+$0x0] =	vst.idx.msk $0xffff, v52;
	v31 =	vld.idx.msk [tilespmem:v50+s20+$0x0], $0xffff  }
0x21d: {  	v36 =	vor.u32 v63, v24;
	v47 =	vor.u32 v56, v1;
	v35 =	vld.idx.msk [tilespmem:v15+s20+$0x0], $0xffff;
	[tilespmem:v10+s22+$0x0] =	vst.idx.msk $0xffff, v2  }
0x21e: {  	v24 =	vor.u32 v62, v5;
	v30 =	vor.u32 v60, v13;
	v40 =	vld.idx.msk [tilespmem:v34+s20+$0x0], $0xffff;
	[tilespmem:v48+s22+$0x0] =	vst.idx.msk $0xffff, v6  }
0x21f: {  	s31 =	simm.s32 $0xF;
	v38 =	vor.u32 v61, v14;
	v46 =	vor.u32 v63, v28;
	v48 =	vld.idx.msk [tilespmem:v33+s20+$0x0], $0xffff;
	[tilespmem:v51+s22+$0x0] =	vst.idx.msk $0xffff, v11  }
0x220: {  	s28 =	simm.s32 $0xC;
	s24 =	simm.s32 $0x8;
	v43 =	vadd.s32 s31, v54;
	[tilespmem:v45+s22+$0x0] =	vst.idx.msk $0xffff, v42;
	v45 =	vor.u32 v63, v32;
	v41 =	vld.idx.msk [tilespmem:v41+s20+$0x0], $0xffff  }
0x221: {  	s29 =	simm.s32 $0xD;
	s25 =	simm.s32 $0x10;
	s26 =	simm.s32 $0xE;
	v10 =	vadd.s32 s24, v54;
	v34 =	vor.u32 v62, v3;
	v32 =	vor.u32 v62, v13;
	v42 =	vld.idx.msk [tilespmem:v53+s20+$0x0], $0xffff  }
.LBB2_12:
0x222: {  	v0 =	vand.u32 $0x3F, v10;
	s0 =	sadd.s32 $0x1, s24;
	v1 =	vadd.s32 s28, v54;
	v2 =	vadd.s32 s29, v54  }
0x223: {  	s1 =	sadd.s32 $0x2, s24;
	s30 =	sadd.s32 $0x3, s24;
	v3 =	vld.idx.msk [tilespmem:v36+s20+$0x0], $0xffff;
	[tilespmem:v47+s22+$0x0] =	vst.idx.msk $0xffff, v8;
	v4 =	vmovc v16;
	v5 =	vmov v18;
	v6 =	vmov v19;
	v8 =	vmov v20;
	s24 =	smov.u32 s25  }
0x224: {  	p1 =	slt.u32 s25, $0x38;
	s25 =	sadd.s32 $0x8, s25;
	v16 =	vor.u32 v62, v0;
	v10 =	vadd.s32 s0, v54;
	v11 =	vadd.s32 s1, v54;
	[tilespmem:v39+s22+$0x0] =	vst.idx.msk $0xffff, v35  }
0x225: {  	v12 =	vor.u32 v60, v0;
	v35 =	vand.u32 $0x3F, v10;
	v33 =	vand.u32 $0x3F, v11;
	[tilespmem:v9+s22+$0x0] =	vst.idx.msk $0xffff, v40;
	v9 =	vld.idx.msk [tilespmem:v45+s20+$0x0], $0xffff  }
0x226: {  	v40 =	vor.u32 v56, v0;
	v10 =	vshll.u32 v35, $0x7;
	v11 =	vshll.u32 v33, $0x7;
	[tilespmem:v44+s22+$0x0] =	vst.idx.msk $0xffff, v41;
	v13 =	vld.idx.msk [tilespmem:v46+s20+$0x0], $0xffff  }
0x227: {  	v18 =	vadd.s32 s30, v54;
	v14 =	vor.u32 v7, v35;
	v15 =	vor.u32 v54, v11;
	[tilespmem:v34+s22+$0x0] =	vst.idx.msk $0xffff, v42  }
0x228: {  	v28 =	vand.u32 $0x3F, v18;
	v34 =	vand.u32 $0x3F, v2;
	v2 =	vadd.s32 s26, v54;
	v20 =	vld.idx.msk [tilespmem:v26+s20+$0x0], $0xffff;
	[tilespmem:v23+s22+$0x0] =	vst.idx.msk $0xffff, v48  }
0x229: {  	v41 =	vshll.u32 v0, $0x7;
	v44 =	vshll.u32 v28, $0x7;
	v23 =	vor.u32 v54, v10;
	[tilespmem:v30+s22+$0x0] =	vst.idx.msk $0xffff, v3;
	v3 =	vld.idx.msk [tilespmem:v25+s20+$0x0], $0xffff  }
0x22a: {  	v1 =	vand.u32 $0x3F, v1;
	v45 =	vshll.u32 v34, $0x7;
	v25 =	vor.u32 v54, v44;
	[tilespmem:v17+s22+$0x0] =	vst.idx.msk $0xffff, v31;
	v17 =	vld.idx.msk [tilespmem:v29+s20+$0x0], $0xffff  }
0x22b: {  	v42 =	vshll.u32 v1, $0x7;
	v2 =	vand.u32 $0x3F, v2;
	v26 =	vor.u32 v54, v45;
	v29 =	vld.idx.msk [tilespmem:v38+s20+$0x0], $0xffff;
	[tilespmem:v37+s22+$0x0] =	vst.idx.msk $0xffff, v9  }
0x22c: {  	v18 =	vor.u32 v62, v1;
	v9 =	vor.u32 v54, v41;
	v37 =	vand.u32 $0x3F, v43;
	[tilespmem:v22+s22+$0x0] =	vst.idx.msk $0xffff, v13  }
0x22d: {  	v0 =	vor.u32 v7, v0;
	v19 =	vor.u32 v62, v2;
	v13 =	vor.u32 v7, v33;
	v21 =	vld.idx.msk [tilespmem:v21+s20+$0x0], $0xffff  }
0x22e: {  	v30 =	vor.u32 v55, v11;
	v22 =	vor.u32 v55, v10;
	[tilespmem:v24+s22+$0x0] =	vst.idx.msk $0xffff, v20;
	v24 =	vld.idx.msk [tilespmem:v27+s20+$0x0], $0xffff  }
0x22f: {  	v38 =	vshll.u32 v2, $0x7;
	v43 =	vshll.u32 v37, $0x7;
	v27 =	vor.u32 v7, v34;
	v23 =	vld.idx.msk [tilespmem:v23+s20+$0x0], $0xffff;
	[tilespmem:v6+s22+$0x0] =	vst.idx.msk $0xffff, v3  }
0x230: {  	v31 =	vor.u32 v54, v43;
	v3 =	vor.u32 v54, v42;
	v6 =	vld.idx.msk [tilespmem:v26+s20+$0x0], $0xffff;
	v26 =	vor.u32 v54, v38  }
0x231: {  	v46 =	vor.u32 v7, v28;
	v20 =	vor.u32 v62, v37;
	[tilespmem:v32+s22+$0x0] =	vst.idx.msk $0xffff, v17;
	v17 =	vmov v12  }
0x232: {  	v32 =	vor.u32 v55, v45;
	v12 =	vld.idx.msk [tilespmem:v15+s20+$0x0], $0xffff;
	v15 =	vor.u32 v55, v44;
	[tilespmem:v4+s22+$0x0] =	vst.idx.msk $0xffff, v29  }
0x233: {  	v29 =	vor.u32 v7, v37;
	v4 =	vld.idx.msk [tilespmem:v9+s20+$0x0], $0xffff;
	v9 =	vor.u32 v55, v41;
	[tilespmem:v5+s22+$0x0] =	vst.idx.msk $0xffff, v21  }
0x234: {  	v47 =	vor.u32 v56, v33;
	v5 =	vor.u32 v56, v35;
	v48 =	vld.idx.msk [tilespmem:v25+s20+$0x0], $0xffff;
	[tilespmem:v8+s22+$0x0] =	vst.idx.msk $0xffff, v24  }
0x235: {  	v24 =	vor.u32 v63, v11;
	[tilespmem:v14+s22+$0x0] =	vst.idx.msk $0xffff, v23;
	v14 =	vor.u32 v63, v10;
	v8 =	vld.idx.msk [tilespmem:v31+s20+$0x0], $0xffff  }
0x236: {  	v23 =	vor.u32 v60, v2;
	v25 =	vld.idx.msk [tilespmem:v22+s20+$0x0], $0xffff;
	[tilespmem:v27+s22+$0x0] =	vst.idx.msk $0xffff, v6;
	v6 =	vor.u32 v55, v43  }
0x237: {  	v21 =	vor.u32 v61, v42;
	v31 =	vor.u32 v56, v34;
	v27 =	vld.idx.msk [tilespmem:v32+s20+$0x0], $0xffff;
	v32 =	vor.u32 v7, v2  }
0x238: {  	v50 =	vor.u32 v7, v1;
	v49 =	vor.u32 v56, v28;
	v22 =	vor.u32 v60, v1;
	v51 =	vld.idx.msk [tilespmem:v26+s20+$0x0], $0xffff  }
0x239: {  	v36 =	vor.u32 v63, v44;
	[tilespmem:v0+s22+$0x0] =	vst.idx.msk $0xffff, v4;
	v0 =	vld.idx.msk [tilespmem:v3+s20+$0x0], $0xffff;
	v3 =	vor.u32 v63, v45  }
0x23a: {  	v52 =	vor.u32 v63, v41;
	v4 =	vld.idx.msk [tilespmem:v9+s20+$0x0], $0xffff;
	[tilespmem:v13+s22+$0x0] =	vst.idx.msk $0xffff, v12;
	v12 =	vor.u32 v55, v38  }
0x23b: {  	v39 =	vor.u32 v60, v33;
	v13 =	vor.u32 v60, v35;
	v53 =	vld.idx.msk [tilespmem:v30+s20+$0x0], $0xffff;
	[tilespmem:v29+s22+$0x0] =	vst.idx.msk $0xffff, v8  }
0x23c: {  	v26 =	vor.u32 v61, v11;
	[tilespmem:v5+s22+$0x0] =	vst.idx.msk $0xffff, v25;
	v5 =	vor.u32 v61, v10;
	v8 =	vld.idx.msk [tilespmem:v6+s20+$0x0], $0xffff  }
0x23d: {  	v2 =	vor.u32 v56, v2;
	v25 =	vor.u32 v61, v38;
	v6 =	vld.idx.msk [tilespmem:v14+s20+$0x0], $0xffff;
	[tilespmem:v31+s22+$0x0] =	vst.idx.msk $0xffff, v27  }
0x23e: {  	v11 =	vor.u32 v60, v34;
	v10 =	vor.u32 v55, v42;
	v3 =	vld.idx.msk [tilespmem:v3+s20+$0x0], $0xffff;
	[tilespmem:v32+s22+$0x0] =	vst.idx.msk $0xffff, v51  }
0x23f: {  	v9 =	vor.u32 v56, v1;
	v30 =	vor.u32 v60, v28;
	[tilespmem:v46+s22+$0x0] =	vst.idx.msk $0xffff, v48;
	v1 =	vld.idx.msk [tilespmem:v12+s20+$0x0], $0xffff  }
0x240: {  	v29 =	vor.u32 v61, v44;
	v12 =	vor.u32 v61, v45;
	[tilespmem:v40+s22+$0x0] =	vst.idx.msk $0xffff, v4;
	v4 =	vld.idx.msk [tilespmem:v15+s20+$0x0], $0xffff  }
0x241: {  	v14 =	vor.u32 v63, v38;
	v31 =	vld.idx.msk [tilespmem:v52+s20+$0x0], $0xffff;
	[tilespmem:v47+s22+$0x0] =	vst.idx.msk $0xffff, v53;
	v47 =	vor.u32 v56, v37  }
.Ltmp10:
0x242: {  	v44 =	vor.u32 v62, v35;
	v35 =	vld.idx.msk [tilespmem:v24+s20+$0x0], $0xffff;
	v24 =	vor.u32 v62, v33;
	[tilespmem:v50+s22+$0x0] =	vst.idx.msk $0xffff, v0;
	(pc) =	sbr.rel @p1 .LBB2_12-.Ltmp10, $4  }
0x243: {  	v38 =	vor.u32 v61, v41;
	v37 =	vor.u32 v60, v37;
	[tilespmem:v13+s22+$0x0] =	vst.idx.msk $0xffff, v6;
	v40 =	vld.idx.msk [tilespmem:v10+s20+$0x0], $0xffff  }
0x244: {  	v27 =	vor.u32 v61, v43;
	v45 =	vor.u32 v63, v43;
	v41 =	vld.idx.msk [tilespmem:v5+s20+$0x0], $0xffff;
	[tilespmem:v11+s22+$0x0] =	vst.idx.msk $0xffff, v3  }
0x245: {  	s0 =	sadd.s32 $0x7, s24;
	v34 =	vor.u32 v62, v34;
	v46 =	vor.u32 v63, v42;
	v42 =	vld.idx.msk [tilespmem:v12+s20+$0x0], $0xffff;
	[tilespmem:v2+s22+$0x0] =	vst.idx.msk $0xffff, v1  }
0x246: {  	s28 =	sadd.s32 $0x4, s24;
	s29 =	sadd.s32 $0x5, s24;
	s26 =	sadd.s32 $0x6, s24;
	v32 =	vor.u32 v62, v28;
	v43 =	vadd.s32 s0, v54;
	v10 =	vadd.s32 s24, v54;
	[tilespmem:v49+s22+$0x0] =	vst.idx.msk $0xffff, v4;
	v48 =	vld.idx.msk [tilespmem:v14+s20+$0x0], $0xffff  }
0x247: {  	_ =	sdelay $0x3  }
0x248: {  	[tilespmem:v47+s22+$0x0] =	vst.idx.msk $0xffff, v8  }
0x249: {  	s0 =	sadd.s32 $0x1, s24;
	v0 =	vld.idx.msk [tilespmem:v36+s20+$0x0], $0xffff;
	v28 =	vand.u32 $0x3F, v10;
	[tilespmem:v17+s22+$0x0] =	vst.idx.msk $0xffff, v31  }
0x24a: {  	s1 =	sadd.s32 $0x2, s24;
	v2 =	vadd.s32 s29, v54;
	v17 =	vand.u32 $0x3F, v43;
	v1 =	vadd.s32 s0, v54;
	[tilespmem:v9+s22+$0x0] =	vst.idx.msk $0xffff, v40;
	v5 =	vld.idx.msk [tilespmem:v45+s20+$0x0], $0xffff  }
0x24b: {  	[tilespmem:v39+s22+$0x0] =	vst.idx.msk $0xffff, v35;
	v3 =	vadd.s32 s1, v54;
	v2 =	vand.u32 $0x3F, v2;
	v1 =	vand.u32 $0x3F, v1;
	v4 =	vld.idx.msk [tilespmem:v46+s20+$0x0], $0xffff  }
0x24c: {  	v45 =	vor.u32 v7, v28;
	v49 =	vor.u32 v7, v17;
	[tilespmem:v44+s22+$0x0] =	vst.idx.msk $0xffff, v41;
	v6 =	vshll.u32 v1, $0x7  }
0x24d: {  	v33 =	vand.u32 $0x3F, v3;
	v3 =	vld.idx.msk [tilespmem:v26+s20+$0x0], $0xffff;
	v10 =	vshll.u32 v2, $0x7;
	[tilespmem:v34+s22+$0x0] =	vst.idx.msk $0xffff, v42;
	v39 =	vor.u32 v54, v6  }
0x24e: {  	s31 =	sadd.s32 $0x3, s24;
	v26 =	vld.idx.msk [tilespmem:v38+s20+$0x0], $0xffff;
	v43 =	vor.u32 v7, v2;
	v8 =	vor.u32 v7, v1;
	[tilespmem:v23+s22+$0x0] =	vst.idx.msk $0xffff, v48  }
0x24f: {  	v12 =	vadd.s32 s31, v54;
	v11 =	vshll.u32 v33, $0x7;
	v13 =	vor.u32 v54, v10;
	[tilespmem:v30+s22+$0x0] =	vst.idx.msk $0xffff, v0;
	v0 =	vld.idx.msk [tilespmem:v25+s20+$0x0], $0xffff  }
0x250: {  	v14 =	vor.u32 v54, v11;
	v23 =	vand.u32 $0x3F, v12;
	v12 =	vshll.u32 v28, $0x7;
	v15 =	vld.idx.msk [tilespmem:v29+s20+$0x0], $0xffff;
	[tilespmem:v22+s22+$0x0] =	vst.idx.msk $0xffff, v4  }
0x251: {  	v40 =	vor.u32 v54, v12;
	[tilespmem:v37+s22+$0x0] =	vst.idx.msk $0xffff, v5;
	v4 =	vadd.s32 s26, v54;
	v5 =	vld.idx.msk [tilespmem:v21+s20+$0x0], $0xffff;
	v21 =	vshll.u32 v17, $0x7  }
0x252: {  	[tilespmem:v24+s22+$0x0] =	vst.idx.msk $0xffff, v3;
	v4 =	vand.u32 $0x3F, v4;
	v3 =	vld.idx.msk [tilespmem:v39+s20+$0x0], $0xffff;
	v42 =	vor.u32 v54, v21  }
0x253: {  	v24 =	vor.u32 v55, v6;
	v44 =	vld.idx.msk [tilespmem:v27+s20+$0x0], $0xffff;
	[tilespmem:v16+s22+$0x0] =	vst.idx.msk $0xffff, v26;
	v27 =	vshll.u32 v4, $0x7  }
0x254: {  	v48 =	vor.u32 v7, v33;
	[tilespmem:v19+s22+$0x0] =	vst.idx.msk $0xffff, v0;
	v0 =	vld.idx.msk [tilespmem:v13+s20+$0x0], $0xffff;
	v46 =	vor.u32 v54, v27  }
0x255: {  	v41 =	vadd.s32 s28, v54;
	v25 =	vshll.u32 v23, $0x7;
	v14 =	vld.idx.msk [tilespmem:v14+s20+$0x0], $0xffff;
	[tilespmem:v32+s22+$0x0] =	vst.idx.msk $0xffff, v15;
	v15 =	vor.u32 v55, v10  }
0x256: {  	v50 =	vor.u32 v56, v1;
	v22 =	vor.u32 v54, v25;
	v47 =	vld.idx.msk [tilespmem:v40+s20+$0x0], $0xffff;
	[tilespmem:v18+s22+$0x0] =	vst.idx.msk $0xffff, v5  }
0x257: {  	v13 =	vand.u32 $0x3F, v41;
	v5 =	vor.u32 v55, v12;
	[tilespmem:v8+s22+$0x0] =	vst.idx.msk $0xffff, v3;
	v3 =	vld.idx.msk [tilespmem:v42+s20+$0x0], $0xffff  }
0x258: {  	v26 =	vshll.u32 v13, $0x7;
	[tilespmem:v20+s22+$0x0] =	vst.idx.msk $0xffff, v44;
	v8 =	vor.u32 v55, v11;
	v24 =	vld.idx.msk [tilespmem:v24+s20+$0x0], $0xffff  }
0x259: {  	v52 =	vor.u32 v7, v4;
	[tilespmem:v43+s22+$0x0] =	vst.idx.msk $0xffff, v0;
	v0 =	vor.u32 v54, v26;
	v32 =	vld.idx.msk [tilespmem:v46+s20+$0x0], $0xffff  }
0x25a: {  	v51 =	vor.u32 v56, v2;
	v20 =	vor.u32 v63, v6;
	[tilespmem:v48+s22+$0x0] =	vst.idx.msk $0xffff, v14;
	v15 =	vld.idx.msk [tilespmem:v15+s20+$0x0], $0xffff  }
0x25b: {  	v53 =	vor.u32 v7, v23;
	v36 =	vor.u32 v55, v27;
	v22 =	vld.idx.msk [tilespmem:v22+s20+$0x0], $0xffff;
	[tilespmem:v45+s22+$0x0] =	vst.idx.msk $0xffff, v47  }
0x25c: {  	v35 =	vor.u32 v63, v10;
	v14 =	vor.u32 v56, v28;
	v5 =	vld.idx.msk [tilespmem:v5+s20+$0x0], $0xffff;
	[tilespmem:v49+s22+$0x0] =	vst.idx.msk $0xffff, v3  }
0x25d: {  	v37 =	vor.u32 v56, v33;
	v3 =	vor.u32 v55, v25;
	v8 =	vld.idx.msk [tilespmem:v8+s20+$0x0], $0xffff;
	[tilespmem:v50+s22+$0x0] =	vst.idx.msk $0xffff, v24  }
0x25e: {  	v38 =	vor.u32 v55, v21;
	v24 =	vor.u32 v7, v13;
	v0 =	vld.idx.msk [tilespmem:v0+s20+$0x0], $0xffff;
	[tilespmem:v52+s22+$0x0] =	vst.idx.msk $0xffff, v32  }
0x25f: {  	v39 =	vor.u32 v60, v1;
	[tilespmem:v51+s22+$0x0] =	vst.idx.msk $0xffff, v15;
	v15 =	vor.u32 v63, v11;
	v20 =	vld.idx.msk [tilespmem:v20+s20+$0x0], $0xffff  }
0x260: {  	v40 =	vor.u32 v55, v26;
	v42 =	vor.u32 v56, v4;
	[tilespmem:v53+s22+$0x0] =	vst.idx.msk $0xffff, v22;
	v22 =	vld.idx.msk [tilespmem:v36+s20+$0x0], $0xffff  }
0x261: {  	v41 =	vor.u32 v60, v2;
	v6 =	vor.u32 v61, v6;
	v30 =	vld.idx.msk [tilespmem:v35+s20+$0x0], $0xffff;
	[tilespmem:v14+s22+$0x0] =	vst.idx.msk $0xffff, v5  }
0x262: {  	v10 =	vor.u32 v61, v10;
	v5 =	vor.u32 v56, v23;
	v3 =	vld.idx.msk [tilespmem:v3+s20+$0x0], $0xffff;
	[tilespmem:v37+s22+$0x0] =	vst.idx.msk $0xffff, v8  }
0x263: {  	v43 =	vor.u32 v63, v27;
	v14 =	vor.u32 v56, v17;
	v8 =	vld.idx.msk [tilespmem:v38+s20+$0x0], $0xffff;
	[tilespmem:v24+s22+$0x0] =	vst.idx.msk $0xffff, v0  }
0x264: {  	v44 =	vor.u32 v60, v33;
	v45 =	vor.u32 v63, v12;
	v15 =	vld.idx.msk [tilespmem:v15+s20+$0x0], $0xffff;
	[tilespmem:v39+s22+$0x0] =	vst.idx.msk $0xffff, v20  }
0x265: {  	v0 =	vor.u32 v63, v25;
	v20 =	vor.u32 v56, v13;
	v24 =	vld.idx.msk [tilespmem:v40+s20+$0x0], $0xffff;
	[tilespmem:v42+s22+$0x0] =	vst.idx.msk $0xffff, v22  }
0x266: {  	v1 =	vor.u32 v62, v1;
	[tilespmem:v41+s22+$0x0] =	vst.idx.msk $0xffff, v30;
	v6 =	vld.idx.msk [tilespmem:v6+s20+$0x0], $0xffff  }
0x267: {  	v2 =	vor.u32 v62, v2;
	v46 =	vor.u32 v63, v26;
	v10 =	vld.idx.msk [tilespmem:v10+s20+$0x0], $0xffff;
	[tilespmem:v5+s22+$0x0] =	vst.idx.msk $0xffff, v3  }
0x268: {  	v47 =	vor.u32 v63, v21;
	v9 =	vld.idx.msk [tilespmem:v43+s20+$0x0], $0xffff;
	v3 =	vor.u32 v60, v4;
	[tilespmem:v14+s22+$0x0] =	vst.idx.msk $0xffff, v8  }
0x269: {  	v49 =	vld.idx.msk [tilespmem:v45+s20+$0x0], $0xffff;
	v5 =	vor.u32 v61, v11;
	v14 =	vor.u32 v60, v28;
	[tilespmem:v44+s22+$0x0] =	vst.idx.msk $0xffff, v15  }
0x26a: {  	v48 =	vor.u32 v60, v23;
	v8 =	vor.u32 v61, v27;
	v0 =	vld.idx.msk [tilespmem:v0+s20+$0x0], $0xffff;
	[tilespmem:v20+s22+$0x0] =	vst.idx.msk $0xffff, v24  }
0x26b: {  	v12 =	vor.u32 v61, v12;
	[tilespmem:v1+s22+$0x0] =	vst.idx.msk $0xffff, v6  }
0x26c: {  	v50 =	vor.u32 v60, v13;
	v15 =	vor.u32 v61, v25;
	v1 =	vld.idx.msk [tilespmem:v46+s20+$0x0], $0xffff;
	[tilespmem:v2+s22+$0x0] =	vst.idx.msk $0xffff, v10  }
0x26d: {  	v16 =	vld.idx.msk [tilespmem:v47+s20+$0x0], $0xffff;
	v20 =	vor.u32 v60, v17;
	v6 =	vor.u32 v61, v26;
	[tilespmem:v3+s22+$0x0] =	vst.idx.msk $0xffff, v9  }
0x26e: {  	v51 =	vor.u32 v61, v21;
	v2 =	vor.u32 v62, v33;
	v5 =	vld.idx.msk [tilespmem:v5+s20+$0x0], $0xffff;
	[tilespmem:v14+s22+$0x0] =	vst.idx.msk $0xffff, v49  }
0x26f: {  	v3 =	vor.u32 v62, v4;
	[tilespmem:v48+s22+$0x0] =	vst.idx.msk $0xffff, v0;
	v0 =	vld.idx.msk [tilespmem:v8+s20+$0x0], $0xffff  }
0x270: {  	v52 =	vor.u32 v62, v28;
	v53 =	vld.idx.msk [tilespmem:v12+s20+$0x0], $0xffff  }
0x271: {  	v4 =	vor.u32 v62, v23;
	v8 =	vld.idx.msk [tilespmem:v15+s20+$0x0], $0xffff;
	[tilespmem:v50+s22+$0x0] =	vst.idx.msk $0xffff, v1  }
0x272: {  	[tilespmem:v20+s22+$0x0] =	vst.idx.msk $0xffff, v16;
	v1 =	vor.u32 v62, v13;
	v6 =	vld.idx.msk [tilespmem:v6+s20+$0x0], $0xffff  }
0x273: {  	v12 =	vor.u32 v62, v17;
	[tilespmem:v2+s22+$0x0] =	vst.idx.msk $0xffff, v5;
	v2 =	vld.idx.msk [tilespmem:v51+s20+$0x0], $0xffff  }
0x274: {  	[tilespmem:v3+s22+$0x0] =	vst.idx.msk $0xffff, v0  }
0x275: {  	[tilespmem:v52+s22+$0x0] =	vst.idx.msk $0xffff, v53  }
0x276: {  	[tilespmem:v4+s22+$0x0] =	vst.idx.msk $0xffff, v8  }
0x277: {  	[tilespmem:v1+s22+$0x0] =	vst.idx.msk $0xffff, v6  }
0x278: {  	[tilespmem:v12+s22+$0x0] =	vst.idx.msk $0xffff, v2  }
0x279: {  	[hbm4b:s9+s3] =	stream.linear.scatter [tilespmem:s22], [sflag:$0x5], $0x1000, $0x38;
	[tilespmem:$0xB000] =	vst v63  }
0x27a: {  	_ =	swait.ge [sflag:s21], $0x1000  }
.Ltmp11:
0x27b: {  	v26 =	vld [tilespmem:$0x1FF20];
	(pc) =	sbr.rel .LBB2_14-.Ltmp11, $4  }
0x27c: {  	v52 =	vld [tilespmem:$0x1FF30]  }
0x27d: {  	v25 =	vld [tilespmem:$0x1FF40]  }
0x27e: {  	v22 =	vmov v59;
	[sflag:s21] =	ssyncset.done $0x0;
	v59 =	vld [tilespmem:$0x1FF50]  }
0x27f: {  	v39 =	vmov v57;
	v3 =	vmov v58;
	v14 =	vld [tilespmem:$0x1FF10];
	[sflag:s21] =	ssyncadd.s32 $0xFFFFF000  }
.LBB2_15:
0x280: {  	_ =	sfence.sel $0x180000  }
0x281: {  	[bflag:$0x0] =	sbarrier.arrive $0xFFFF  }
0x282: {  	_ =	strace $0x90000047  }
0x283: {  	s0 =	stileid.u32;
	[bflag:$0x2] =	sbarrier.arrive $0xFFFF  }
0x284: {  	p0 =	sne.s32 s0, $0x0;
	s0 =	rddreg [dreg:$0x2]  }
0x285: {  	s0 =	sadd.s32 @!p0 $0x100000, s0  }
0x286: {  	[sflag:s0] =	ssyncadd.tile.s32 @!p0 $0x1;
	_ =	shalt  }
.Lfunc_end2:
_tile_overlayer_lowered:
.L_overlay_start_2:
0x287: {  	(tag) =	ssettag $0x2  }
0x288: {  	s0 =	rddreg [dreg:$0x0];
	s2 =	stileid.u32  }
0x289: {  	s1 =	rddreg [dreg:$0x1];
	p0 =	sne.s32 s2, $0x0  }
0x28a: {  	s3 =	rddreg [dreg:$0x2];
	[bflag:$0x3] =	sbarrier.arrive $0xFFFF;
	s2 =	simm.s32 @!p0 $0x1C05  }
0x28b: {  	[timem:s3], [sflag:s2] =	dma.local @!p0 [hbm:s0], s1  }
0x28c: {  	s0 =	simm.s32 @!p0 $0x5  }
0x28d: {  	_ =	swait.ge @!p0 [sflag:s0], s1  }
0x28e: {  	s1 =	ssub.s32 @!p0 $0x0, s1;
	[sflag:s0] =	ssyncset.done @!p0 $0x0  }
0x28f: {  	[sflag:s0] =	ssyncadd.s32 @!p0 s1  }
0x290: {  	[bflag:$0x3] =	sbarrier.arrive $0xFFFF  }
0x291: {  	_ =	shalt  }

// kernel: kernel.7.cloned.1.call-start
scs
__scs_entry_jumppad:
0x0: {  	(pc) =	sbr.rel $0x88, $3  }
0x1: {  	(tag) =	ssettag $0x0;
	lr =	simm.s32 $0x1  }
0x2: {  	[smem:$0x3F9F] =	sst lr;
	_ =	strace $0xD0000000  }
0x3: {  	_ = 	snop  }
0x4: {  	_ = 	snop  }
0x5: {  	_ = 	snop  }
0x6: {  	_ = 	snop  }
0x7: {  	_ = 	snop  }
__scs_overlays_trampoline_lowered:
0x8: {  	[smem:$0x3FAE] =	sst s0  }
0x9: {  	[smem:$0x3FAF] =	sst s1  }
0xa: {  	[smem:$0x3FB0] =	sst s2  }
0xb: {  	[smem:$0x3FB1] =	sst s3  }
0xc: {  	[smem:$0x3FB2] =	sst s4  }
0xd: {  	[smem:$0x3FB3] =	sst s5  }
0xe: {  	[smem:$0x3FB4] =	sst s6  }
0xf: {  	[smem:$0x3FB5] =	sst s7  }
0x10: {  	[smem:$0x3FB6] =	sst s8  }
0x11: {  	[smem:$0x3FB7] =	sst s9;
	s0 =	simm.s32 @!p0 $0x0  }
0x12: {  	s1 =	sld [smem:$0x3F9D];
	s0 =	simm.s32 @p0 $0x1  }
0x13: {  	[smem:$0x3FB8] =	sst s0;
	s0 =	simm.s32 @!p1 $0x0  }
0x14: {  	s2 =	sld [smem:$0x3F9C];
	s0 =	simm.s32 @p1 $0x1  }
0x15: {  	[smem:$0x3FB9] =	sst s0;
	s0 =	simm.s32 @!p2 $0x0  }
0x16: {  	s3 =	sld [smem:$0x3FDB];
	s0 =	simm.s32 @p2 $0x1  }
0x17: {  	s4 =	simm.s32 $0x1BF5;
	[smem:$0x3FBB] =	sst s0  }
0x18: {  	s0 =	sld [smem:$0x3F9E];
	_ =	swait.ge [sflag:s4], $0x0  }
0x19: {  	s7 =	sld [smem:$0x3F9F]  }
0x1a: {  	s8 =	sadd.s32 $0xFFFFE003, lr  }
0x1b: {  	s9 =	sadd.s32 $0xFFFFFEF7, lr;
	s5 =	simm.s32 $0xFFFFFFFF;
	p2 =	slt.u32 s8, $0xFFFFF086  }
0x1c: {  	p1 =	slt.u32 s9, $0xF7A;
	s5 =	simm.s32 @!p2 $0x0  }
0x1d: {  	s5 =	simm.s32 @p1 $0x1;
	p0 =	seq.s32 s7, s2  }
0x1e: {  	s7 =	smul.u32 @!p0 $0xF7A, s2;
	p2 =	seq.s32 @!p0 s5, $0x0  }
0x1f: {  	s9 =	smul.u32 $0xF7A, s1;
	s8 =	simm.s32 @!p0 $0x1BF5;
	p2 =	por !p2, p0  }
0x20: {  	[sflag:s8] =	ssyncset.s32 @!p0 $0xFFFFF086;
	s6 =	sadd.s32 @!p0 s3, s7;
	s7 =	simm.s32 @!p0 $0x108  }
0x21: {  	s3 =	sadd.s32 s3, s9;
	s6 =	sadd.s32 @!p0 $0x88, s6;
	s7 =	simm.s32 @p2 $0x1082  }
0x22: {  	[simem:s7], [sflag:s8] =	dma.local @!p0 [hbm:s6], $0xF7A  }
0x23: {  	s9 =	sor.u32 $0xD0000000, s2;
	s6 =	simm.s32 $0x108;
	_ =	swait.ge @!p0 [sflag:s8], $0x0  }
0x24: {  	s3 =	sadd.s32 $0x88, s3;
	s6 =	simm.s32 @!p1 $0x1082;
	[sflag:s4] =	ssyncset.s32 $0xFFFFF086  }
0x25: {  	[simem:s6], [sflag:s4] =	dma.local [hbm:s3], $0xF7A  }
0x26: {  	[smem:$0x3F9F] =	sst s1;
	(tag) =	ssettag s2;
	_ =	strace s9  }
0x27: {  	s1 =	sld [smem:$0x3FAF]  }
0x28: {  	s2 =	sld [smem:$0x3FB0]  }
0x29: {  	s4 =	sld [smem:$0x3FB2]  }
0x2a: {  	p0 =	seq.s32 s5, $0x0;
	s5 =	sld [smem:$0x3FB3]  }
0x2b: {  	s6 =	sld [smem:$0x3FB4]  }
0x2c: {  	s7 =	sld [smem:$0x3FB5]  }
0x2d: {  	s3 =	simm.s32 $0x108;
	s8 =	sld [smem:$0x3FB6]  }
0x2e: {  	s3 =	simm.s32 @!p0 $0x1082;
	s9 =	sld [smem:$0x3FB7]  }
0x2f: {  	lr =	sadd.s32 s0, s3;
	s0 =	sld [smem:$0x3FAE]  }
0x30: {  	s3 =	sld [smem:$0x3FB1]  }
0x31: {  	[smem:$0x3FBA] =	sst s10  }
0x32: {  	s10 =	sld [smem:$0x3FB8];
	_ =	sdelay $0x3  }
0x33: {  	p0 =	seq.s32 s10, $0x1;
	s10 =	sld [smem:$0x3FBA];
	_ =	sdelay $0x3  }
0x34: {  	[smem:$0x3FBA] =	sst s10  }
0x35: {  	s10 =	sld [smem:$0x3FB9];
	_ =	sdelay $0x3  }
0x36: {  	p1 =	seq.s32 s10, $0x1;
	s10 =	sld [smem:$0x3FBA];
	_ =	sdelay $0x3  }
0x37: {  	[smem:$0x3FBA] =	sst s10  }
0x38: {  	s10 =	sld [smem:$0x3FBB]  }
0x39: {  	_ = 	snop;
	(pc) =	sbr.ind lr, $3  }
0x3a: {  	_ = 	snop  }
0x3b: {  	_ = 	snop  }
0x3c: {  	p2 =	seq.s32 s10, $0x1;
	s10 =	sld [smem:$0x3FBA]  }
0x3d: {  	_ =	shalt  }
0x3e: {  	_ =	shalt  }
0x3f: {  	_ =	shalt  }
0x40: {  	_ =	shalt  }
0x41: {  	_ =	shalt  }
0x42: {  	_ =	shalt  }
0x43: {  	_ =	shalt  }
0x44: {  	_ =	shalt  }
0x45: {  	_ =	shalt  }
0x46: {  	_ =	shalt  }
0x47: {  	_ =	shalt  }
0x48: {  	_ =	shalt  }
0x49: {  	_ =	shalt  }
0x4a: {  	_ =	shalt  }
0x4b: {  	_ =	shalt  }
0x4c: {  	_ =	shalt  }
0x4d: {  	_ =	shalt  }
0x4e: {  	_ =	shalt  }
0x4f: {  	_ =	shalt  }
0x50: {  	_ =	shalt  }
0x51: {  	_ =	shalt  }
0x52: {  	_ =	shalt  }
0x53: {  	_ =	shalt  }
0x54: {  	_ =	shalt  }
0x55: {  	_ =	shalt  }
0x56: {  	_ =	shalt  }
0x57: {  	_ =	shalt  }
0x58: {  	_ =	shalt  }
0x59: {  	_ =	shalt  }
0x5a: {  	_ =	shalt  }
0x5b: {  	_ =	shalt  }
0x5c: {  	_ =	shalt  }
0x5d: {  	_ =	shalt  }
0x5e: {  	_ =	shalt  }
0x5f: {  	_ =	shalt  }
0x60: {  	_ =	shalt  }
0x61: {  	_ =	shalt  }
0x62: {  	_ =	shalt  }
0x63: {  	_ =	shalt  }
0x64: {  	_ =	shalt  }
0x65: {  	_ =	shalt  }
0x66: {  	_ =	shalt  }
0x67: {  	_ =	shalt  }
0x68: {  	_ =	shalt  }
0x69: {  	_ =	shalt  }
0x6a: {  	_ =	shalt  }
0x6b: {  	_ =	shalt  }
0x6c: {  	_ =	shalt  }
0x6d: {  	_ =	shalt  }
0x6e: {  	_ =	shalt  }
0x6f: {  	_ =	shalt  }
0x70: {  	_ =	shalt  }
0x71: {  	_ =	shalt  }
0x72: {  	_ =	shalt  }
0x73: {  	_ =	shalt  }
0x74: {  	_ =	shalt  }
0x75: {  	_ =	shalt  }
0x76: {  	_ =	shalt  }
0x77: {  	_ =	shalt  }
0x78: {  	_ =	shalt  }
0x79: {  	_ =	shalt  }
0x7a: {  	_ =	shalt  }
0x7b: {  	_ =	shalt  }
0x7c: {  	_ =	shalt  }
0x7d: {  	_ =	shalt  }
0x7e: {  	_ =	shalt  }
0x7f: {  	_ =	shalt  }
0x80: {  	_ =	shalt  }
0x81: {  	_ =	shalt  }
0x82: {  	_ =	shalt  }
0x83: {  	_ =	shalt  }
0x84: {  	_ =	shalt  }
0x85: {  	_ =	shalt  }
0x86: {  	_ =	shalt  }
0x87: {  	_ =	shalt  }
.Lfunc_end0:
.L_simem_size_0:
called_computation.1_lowered:
.L_overlay_start_0:
0x88: {  	s2 =	sld [smem:$0x3FD9]  }
0x89: {  	s3 =	sld [smem:$0x3FFE];
	_ =	sdelay $0x1  }
0x8a: {  	s1 =	srdreg.scid  }
0x8b: {  	s0 =	sand.u32 $0x1, s1  }
0x8c: {  	s17 =	sshll.u32 s0, $0xA;
	s2 =	sadd.s32 s3, s2  }
0x8d: {  	s2 =	sadd.s32 s2, s17  }
0x8e: {  	[smem:$0x3FC6] =	sst s2  }
0x8f: {  	_ = 	snop  }
0x90: {  	s2 =	sld [smem:$0x3FD0];
	(tm) =	ssettm $0x1  }
0x91: {  	s18 =	sld [smem:$0x3FFB];
	_ =	sdelay $0x3  }
0x92: {  	_ =	strace s18  }
0x93: {  	s3 =	sld [smem:$0x3FFC];
	_ =	sdelay $0x3  }
0x94: {  	_ =	strace s3  }
0x95: {  	s3 =	sld [smem:$0x3FFD];
	_ =	sdelay $0x3  }
0x96: {  	_ =	strace s3  }
0x97: {  	_ =	strace $0x8FFFFFFF  }
0x98: {  	s19 =	sld [smem:$0x3FDB];
	_ =	sdelay $0x1  }
0x99: {  	s4 =	simm.s32 $_scs_section_size  }
0x9a: {  	s5 =	simm.s32 $_size__tile_overlayer_lowered;
	s6 =	simm.s32 $_tile_overlayer_lowered  }
0x9b: {  	s22 =	simm.s32 $0x1BFF;
	s21 =	sshll.u32 s6, $0x1;
	s3 =	sadd.s32 s4, s19  }
0x9c: {  	s7 =	simm.s32 $0x0;
	s20 =	sshll.u32 s5, $0x1;
	s5 =	sadd.s32 s21, s3  }
0x9d: {  	[timem:s7], [sflag:s22] =	dma.local [hbm:s5], s20  }
0x9e: {  	_ =	swait.ge [sflag:s22], s20  }
0x9f: {  	s4 =	ssub.s32 $0x0, s20;
	[sflag:s22] =	ssyncset.done $0x0  }
0xa0: {  	[sflag:s22] =	ssyncadd.s32 s4;
	_ =	sdelay $0x1  }
0xa1: {  	s23 =	simm.s32 $0x1B8B  }
0xa2: {  	_ =	swait.ge [sflag:s23], $0x1  }
0xa3: {  	[sflag:s23] =	ssyncset.done $0x0  }
0xa4: {  	s25 =	simm.s32 $0x1B8E;
	s24 =	sld [smem:$0x3FFE];
	[sflag:s23] =	ssyncadd.s32 $0xFFFFFFFF  }
0xa5: {  	s26 =	simm.s32 $execute0_lowered;
	[smem:$0x3FD2] =	sst s25  }
0xa6: {  	s5 =	sshll.u32 s26, $0x1;
	_ =	strace $0x80000049;
	[dreg:$0x1] =	wrdreg $0xFFFFFFFF  }
0xa7: {  	s28 =	simm.s32 $_size_execute0_lowered;
	s3 =	sadd.s32 s3, s5;
	[dreg:$0x0] =	wrdreg $0x0  }
0xa8: {  	s5 =	sshll.u32 s28, $0x1;
	[dreg:$0x2] =	wrdreg s3  }
0xa9: {  	[dreg:$0x3] =	wrdreg s5  }
0xaa: {  	[dreg:$0x4] =	wrdreg $0xC0  }
0xab: {  	_ =	task [dreg:s7], $0x5FFFF  }
0xac: {  	[dreg:$0x1] =	wrdreg $0xFFFFFFFF  }
0xad: {  	[dreg:$0x0] =	wrdreg $0x60  }
0xae: {  	[dreg:$0x2] =	wrdreg s24  }
0xaf: {  	[dreg:$0x3] =	wrdreg s2  }
0xb0: {  	[dreg:$0x4] =	wrdreg $0x9  }
0xb1: {  	_ =	task.clear_ibuf [dreg:s7], $0x5FFFF;
	_ =	strace $0x90000049  }
0xb2: {  	s29 =	simm.s32 $0x9;
	_ =	strace $0x8000004B  }
0xb3: {  	_ =	swait.ge [sflag:s29], $0x1  }
0xb4: {  	[sflag:s29] =	ssyncadd.s32 $0xFFFFFFFF  }
0xb5: {  	_ =	strace $0x9000004B  }
0xb6: {  	_ =	sfence  }
0xb7: {  	s30 =	sld [smem:$0x0];
	_ =	sdelay $0x2  }
0xb8: {  	s31 =	sshll.u32 s1, $0xD;
	s1 =	sshrl.u32 s1, $0x2  }
0xb9: {  	s3 =	sand.u32 $0x4000, s31;
	s1 =	sadd.s32 s1, s30  }
0xba: {  	s0 =	sor.u32 s3, s0;
	s1 =	sshll.u32 s1, $0x11  }
0xbb: {  	s0 =	sor.u32 s1, s0  }
0xbc: {  	s0 =	sadd.s32 $0x8F2B, s0  }
0xbd: {  	[sflag:s0] =	ssyncadd.remote.s32 $0x1  }
0xbe: {  	_ =	sfence.sel $0xFFFF  }
0xbf: {  	[dreg:$0x0] =	wrdreg $0xFFFFFFFF;
	(pc) =	sbr.abs _section_cstart, $3  }
0xc0: {  	[dreg:$0x1] =	wrdreg $0xFFFFFFFF  }
0xc1: {  	_ =	task.clear_ibuf [dreg:s7], $0x2FFFF;
	_ =	strace $0x9FFFFFFF  }
0xc2: {  	(tm) =	ssettm $0x7FFFFFFF  }
0xc3: {  	_ =	shalt  }
tec
execute0_lowered:
.L_overlay_start_1:
0x0: {  	(tag) =	ssettag $0x1  }
0x1: {  	v0 =	vimm.s32 $0xC3824100  }
0x2: {  	v0 =	vunpack.c.0.s8.s32 v0;
	_ =	sdelay $0x1  }
0x3: {  	vm0 =	vcmask $0xF00;
	v0 =	vand.u32 $0xFF, v0  }
0x4: {  	vm10 =	vcmask $0x1310;
	v0 =	vnsel vm0, $0x3C7, v0  }
0x5: {  	vm9 =	vcmask $0x1714;
	v0 =	vsel vm10, $0x104, v0  }
0x6: {  	vm8 =	vcmask $0x1B18;
	v0 =	vsel vm9, $0x145, v0  }
0x7: {  	vm7 =	vcmask $0x1F1C;
	v0 =	vsel vm8, $0x186, v0  }
0x8: {  	vm6 =	vcmask $0x2320;
	v0 =	vsel vm7, $0x1C7, v0  }
0x9: {  	vm5 =	vcmask $0x2724;
	v0 =	vsel vm6, $0x200, v0  }
0xa: {  	vm4 =	vcmask $0x2B28;
	vm3 =	vcmask $0x2F2C;
	v0 =	vsel vm5, $0x241, v0  }
0xb: {  	vm2 =	vcmask $0x3330;
	vm1 =	vcmask $0x3734;
	v0 =	vsel vm4, $0x282, v0  }
0xc: {  	v2 =	vimm.s32 $0x38F;
	vm12 =	vcmask $0x300;
	v0 =	vsel vm3, $0x2C3, v0  }
0xd: {  	vm13 =	vcmask $0x704;
	vm11 =	vcmask $0xB08;
	v1 =	vsel vm2, $0x304, v0  }
0xe: {  	v3 =	vimm.s32 $0x39F;
	vm0 =	vcmask $0x3B38;
	v1 =	vsel vm1, $0x345, v1  }
0xf: {  	v18 =	vsel vm0, $0x386, v1;
	v1 =	vsel vm12, $0x0, v2;
	v2 =	vimm.s32 $0x7C7  }
0x10: {  	vm14 =	vcmask $0xF0C;
	v1 =	vsel vm13, $0x81, v1;
	v2 =	vsel vm12, $0x400, v2  }
0x11: {  	v3 =	vsel vm12, $0x10, v3;
	v1 =	vsel vm11, $0x102, v1;
	v2 =	vsel vm13, $0x441, v2  }
0x12: {  	v3 =	vsel vm13, $0x91, v3;
	v1 =	vsel vm14, $0x183, v1;
	v2 =	vsel vm11, $0x482, v2  }
0x13: {  	v3 =	vsel vm11, $0x112, v3;
	v1 =	vsel vm10, $0x204, v1;
	v2 =	vsel vm14, $0x4C3, v2  }
0x14: {  	v3 =	vsel vm14, $0x193, v3;
	v1 =	vsel vm9, $0x285, v1;
	v2 =	vsel vm10, $0x504, v2  }
0x15: {  	v3 =	vsel vm10, $0x214, v3;
	v1 =	vsel vm8, $0x306, v1;
	v2 =	vsel vm9, $0x545, v2  }
0x16: {  	v3 =	vsel vm9, $0x295, v3;
	v1 =	vsel vm7, $0x387, v1;
	v2 =	vsel vm8, $0x586, v2  }
0x17: {  	v3 =	vsel vm8, $0x316, v3;
	v1 =	vsel vm6, $0x8, v1;
	v2 =	vsel vm7, $0x5C7, v2  }
0x18: {  	v3 =	vsel vm7, $0x397, v3;
	v1 =	vsel vm5, $0x89, v1;
	v2 =	vsel vm6, $0x600, v2  }
0x19: {  	v3 =	vsel vm6, $0x18, v3;
	v1 =	vsel vm4, $0x10A, v1;
	v2 =	vsel vm5, $0x641, v2  }
0x1a: {  	v3 =	vsel vm5, $0x99, v3;
	v1 =	vsel vm3, $0x18B, v1;
	v2 =	vsel vm4, $0x682, v2  }
0x1b: {  	v3 =	vsel vm4, $0x11A, v3;
	v1 =	vsel vm2, $0x20C, v1;
	v2 =	vsel vm3, $0x6C3, v2  }
0x1c: {  	v3 =	vsel vm3, $0x19B, v3;
	v1 =	vsel vm1, $0x28D, v1;
	v2 =	vsel vm2, $0x704, v2  }
0x1d: {  	v19 =	vsel vm0, $0x30E, v1;
	v1 =	vsel vm1, $0x745, v2;
	v2 =	vsel vm2, $0x21C, v3  }
0x1e: {  	v20 =	vsel vm0, $0x786, v1;
	v1 =	vsel vm1, $0x29D, v2;
	v2 =	vimm.s32 $0xBC7  }
0x1f: {  	v14 =	vsel vm0, $0x31E, v1;
	v1 =	vsel vm12, $0x800, v2;
	v2 =	vimm.s32 $0x3AF  }
0x20: {  	v3 =	vimm.s32 $0xFC7;
	v1 =	vsel vm13, $0x841, v1;
	v2 =	vsel vm12, $0x20, v2  }
0x21: {  	v3 =	vsel vm12, $0xC00, v3;
	v1 =	vsel vm11, $0x882, v1;
	v2 =	vsel vm13, $0xA1, v2  }
0x22: {  	v3 =	vsel vm13, $0xC41, v3;
	v1 =	vsel vm14, $0x8C3, v1;
	v2 =	vsel vm11, $0x122, v2  }
0x23: {  	v3 =	vsel vm11, $0xC82, v3;
	v1 =	vsel vm10, $0x904, v1;
	v2 =	vsel vm14, $0x1A3, v2  }
0x24: {  	v3 =	vsel vm14, $0xCC3, v3;
	v1 =	vsel vm9, $0x945, v1;
	v2 =	vsel vm10, $0x224, v2  }
0x25: {  	v3 =	vsel vm10, $0xD04, v3;
	v1 =	vsel vm8, $0x986, v1;
	v2 =	vsel vm9, $0x2A5, v2  }
0x26: {  	v3 =	vsel vm9, $0xD45, v3;
	v1 =	vsel vm7, $0x9C7, v1;
	v2 =	vsel vm8, $0x326, v2  }
0x27: {  	v3 =	vsel vm8, $0xD86, v3;
	v1 =	vsel vm6, $0xA00, v1;
	v2 =	vsel vm7, $0x3A7, v2  }
0x28: {  	v3 =	vsel vm7, $0xDC7, v3;
	v1 =	vsel vm5, $0xA41, v1;
	v2 =	vsel vm6, $0x28, v2  }
0x29: {  	v3 =	vsel vm6, $0xE00, v3;
	v1 =	vsel vm4, $0xA82, v1;
	v2 =	vsel vm5, $0xA9, v2  }
0x2a: {  	v3 =	vsel vm5, $0xE41, v3;
	v1 =	vsel vm3, $0xAC3, v1;
	v2 =	vsel vm4, $0x12A, v2  }
0x2b: {  	v3 =	vsel vm4, $0xE82, v3;
	v1 =	vsel vm2, $0xB04, v1;
	v2 =	vsel vm3, $0x1AB, v2  }
0x2c: {  	v3 =	vsel vm3, $0xEC3, v3;
	v1 =	vsel vm1, $0xB45, v1;
	v2 =	vsel vm2, $0x22C, v2  }
0x2d: {  	v21 =	vsel vm0, $0xB86, v1;
	v1 =	vsel vm1, $0x2AD, v2;
	v2 =	vsel vm2, $0xF04, v3  }
0x2e: {  	v27 =	vsel vm0, $0x32E, v1;
	v1 =	vsel vm1, $0xF45, v2;
	v2 =	vimm.s32 $0x3BF  }
0x2f: {  	v32 =	vsel vm0, $0xF86, v1;
	v1 =	vsel vm12, $0x30, v2;
	v2 =	vimm.s32 $0x13C7  }
0x30: {  	v1 =	vsel vm13, $0xB1, v1;
	v2 =	vsel vm12, $0x1000, v2  }
0x31: {  	v3 =	vimm.s32 $0x3CF;
	v1 =	vsel vm11, $0x132, v1;
	v2 =	vsel vm13, $0x1041, v2  }
0x32: {  	v3 =	vsel vm12, $0x40, v3;
	v1 =	vsel vm14, $0x1B3, v1;
	v2 =	vsel vm11, $0x1082, v2  }
0x33: {  	v3 =	vsel vm13, $0xC1, v3;
	v1 =	vsel vm10, $0x234, v1;
	v2 =	vsel vm14, $0x10C3, v2  }
0x34: {  	v3 =	vsel vm11, $0x142, v3;
	v1 =	vsel vm9, $0x2B5, v1;
	v2 =	vsel vm10, $0x1104, v2  }
0x35: {  	v3 =	vsel vm14, $0x1C3, v3;
	v1 =	vsel vm8, $0x336, v1;
	v2 =	vsel vm9, $0x1145, v2  }
0x36: {  	v3 =	vsel vm10, $0x244, v3;
	v1 =	vsel vm7, $0x3B7, v1;
	v2 =	vsel vm8, $0x1186, v2  }
0x37: {  	v3 =	vsel vm9, $0x2C5, v3;
	v1 =	vsel vm6, $0x38, v1;
	v2 =	vsel vm7, $0x11C7, v2  }
0x38: {  	v3 =	vsel vm8, $0x346, v3;
	v1 =	vsel vm5, $0xB9, v1;
	v2 =	vsel vm6, $0x1200, v2  }
0x39: {  	v3 =	vsel vm7, $0x3C7, v3;
	v1 =	vsel vm4, $0x13A, v1;
	v2 =	vsel vm5, $0x1241, v2  }
0x3a: {  	v3 =	vsel vm6, $0x48, v3;
	v1 =	vsel vm3, $0x1BB, v1;
	v2 =	vsel vm4, $0x1282, v2  }
0x3b: {  	v3 =	vsel vm5, $0xC9, v3;
	v1 =	vsel vm2, $0x23C, v1;
	v2 =	vsel vm3, $0x12C3, v2  }
0x3c: {  	v3 =	vsel vm4, $0x14A, v3;
	v1 =	vsel vm1, $0x2BD, v1;
	v2 =	vsel vm2, $0x1304, v2  }
0x3d: {  	v3 =	vsel vm3, $0x1CB, v3;
	v33 =	vsel vm0, $0x33E, v1;
	v1 =	vsel vm1, $0x1345, v2  }
0x3e: {  	v2 =	vsel vm2, $0x24C, v3;
	v1 =	vsel vm0, $0x1386, v1  }
0x3f: {  	[tilespmem:$0x1FE10] =	vst v1;
	v1 =	vsel vm1, $0x2CD, v2  }
0x40: {  	v2 =	vimm.s32 $0x17C7;
	v1 =	vsel vm0, $0x34E, v1  }
0x41: {  	[tilespmem:$0x1FE20] =	vst v1;
	v1 =	vsel vm12, $0x1400, v2  }
0x42: {  	v2 =	vimm.s32 $0x3DF;
	v1 =	vsel vm13, $0x1441, v1  }
0x43: {  	v2 =	vsel vm12, $0x50, v2;
	v1 =	vsel vm11, $0x1482, v1  }
0x44: {  	v2 =	vsel vm13, $0xD1, v2;
	v1 =	vsel vm14, $0x14C3, v1  }
0x45: {  	v2 =	vsel vm11, $0x152, v2;
	v1 =	vsel vm10, $0x1504, v1  }
0x46: {  	v0 =	vlaneseq.u32;
	v2 =	vsel vm14, $0x1D3, v2;
	v1 =	vsel vm9, $0x1545, v1  }
0x47: {  	v3 =	vimm.s32 $0x1BC7;
	v2 =	vsel vm10, $0x254, v2;
	v1 =	vsel vm8, $0x1586, v1  }
0x48: {  	v3 =	vsel vm12, $0x1800, v3;
	v2 =	vsel vm9, $0x2D5, v2;
	v1 =	vsel vm7, $0x15C7, v1  }
0x49: {  	v3 =	vsel vm13, $0x1841, v3;
	v2 =	vsel vm8, $0x356, v2;
	v1 =	vsel vm6, $0x1600, v1  }
0x4a: {  	v3 =	vsel vm11, $0x1882, v3;
	v2 =	vsel vm7, $0x3D7, v2;
	v1 =	vsel vm5, $0x1641, v1  }
0x4b: {  	v3 =	vsel vm14, $0x18C3, v3;
	v2 =	vsel vm6, $0x58, v2;
	v1 =	vsel vm4, $0x1682, v1  }
0x4c: {  	v3 =	vsel vm10, $0x1904, v3;
	v2 =	vsel vm5, $0xD9, v2;
	v1 =	vsel vm3, $0x16C3, v1  }
0x4d: {  	v3 =	vsel vm9, $0x1945, v3;
	v2 =	vsel vm4, $0x15A, v2;
	v1 =	vsel vm2, $0x1704, v1  }
0x4e: {  	v3 =	vsel vm8, $0x1986, v3;
	v2 =	vsel vm3, $0x1DB, v2;
	v1 =	vsel vm1, $0x1745, v1  }
0x4f: {  	v3 =	vsel vm7, $0x19C7, v3;
	v2 =	vsel vm2, $0x25C, v2;
	v1 =	vsel vm0, $0x1786, v1  }
0x50: {  	s5 =	rddreg [dreg:$0x0];
	v26 =	vmul.u32 $0x40, v0;
	v3 =	vsel vm6, $0x1A00, v3;
	[tilespmem:$0x1FE30] =	vst v1;
	v1 =	vsel vm1, $0x2DD, v2  }
0x51: {  	s1 =	rddreg [dreg:$0x1];
	s3 =	simm.s32 $0x0;
	v29 =	vor.u32 $0x10, v0;
	v3 =	vsel vm5, $0x1A41, v3;
	v1 =	vsel vm0, $0x35E, v1  }
0x52: {  	[smem:$0x7FF] =	sst s3;
	v38 =	vor.u32 $0x60, v0;
	v25 =	vor.u32 $0x70, v0;
	v3 =	vsel vm4, $0x1A82, v3;
	[tilespmem:$0x1FE40] =	vst v1  }
0x53: {  	s0 =	rddreg [dreg:$0x2];
	v23 =	vor.u32 $0x400, v26;
	v31 =	vor.u32 $0x800, v26;
	v3 =	vsel vm3, $0x1AC3, v3;
	_ =	strace $0x8000004A;
	[tilespmem:$0x1FED0] =	vst v18  }
0x54: {  	v30 =	vor.u32 $0x1000, v26;
	v22 =	vor.u32 $0x1400, v26;
	v2 =	vsel vm2, $0x1B04, v3;
	[tilespmem:$0x1FEE0] =	vst v19  }
0x55: {  	v36 =	vor.u32 $0x1C00, v26;
	v1 =	vsel vm1, $0x1B45, v2;
	v2 =	vimm.s32 $0x3EF;
	[tilespmem:$0x1FEF0] =	vst v33  }
0x56: {  	v24 =	vsel vm0, $0x1B86, v1;
	v1 =	vsel vm12, $0x60, v2;
	v2 =	vimm.s32 $0x1FC7;
	[tilespmem:$0x1FF00] =	vst v38  }
0x57: {  	v28 =	vor.u32 $0x1800, v26;
	[tilespmem:$0x1FF10] =	vst v36;
	v1 =	vsel vm13, $0xE1, v1;
	v2 =	vsel vm12, $0x1C00, v2  }
0x58: {  	v3 =	vimm.s32 $0x3FF;
	[tilespmem:$0x1FF20] =	vst v26;
	v1 =	vsel vm11, $0x162, v1;
	v2 =	vsel vm13, $0x1C41, v2  }
0x59: {  	v3 =	vsel vm12, $0x70, v3;
	[tilespmem:$0x1FF30] =	vst v23;
	v1 =	vsel vm14, $0x1E3, v1;
	v2 =	vsel vm11, $0x1C82, v2  }
0x5a: {  	v3 =	vsel vm13, $0xF1, v3;
	[tilespmem:$0x1FF40] =	vst v20;
	v1 =	vsel vm10, $0x264, v1;
	v2 =	vsel vm14, $0x1CC3, v2  }
0x5b: {  	v3 =	vsel vm11, $0x172, v3;
	[tilespmem:$0x1FF50] =	vst v29;
	v1 =	vsel vm9, $0x2E5, v1;
	v2 =	vsel vm10, $0x1D04, v2  }
0x5c: {  	[tilespmem:$0x1FF60] =	vst v31;
	v3 =	vsel vm14, $0x1F3, v3;
	v1 =	vsel vm8, $0x366, v1;
	v2 =	vsel vm9, $0x1D45, v2  }
0x5d: {  	[tilespmem:$0x1FF70] =	vst v28;
	v3 =	vsel vm10, $0x274, v3;
	v1 =	vsel vm7, $0x3E7, v1;
	v2 =	vsel vm8, $0x1D86, v2  }
0x5e: {  	[tilespmem:$0x1FF80] =	vst v22;
	v3 =	vsel vm9, $0x2F5, v3;
	v1 =	vsel vm6, $0x68, v1;
	v2 =	vsel vm7, $0x1DC7, v2  }
0x5f: {  	[tilespmem:$0x1FFA0] =	vst v14;
	v3 =	vsel vm8, $0x376, v3;
	v1 =	vsel vm5, $0xE9, v1;
	v2 =	vsel vm6, $0x1E00, v2  }
0x60: {  	[tilespmem:$0x1FFB0] =	vst v21;
	v3 =	vsel vm7, $0x3F7, v3;
	v1 =	vsel vm4, $0x16A, v1;
	v2 =	vsel vm5, $0x1E41, v2  }
0x61: {  	[tilespmem:$0x1FFC0] =	vst v30;
	v3 =	vsel vm6, $0x78, v3;
	v1 =	vsel vm3, $0x1EB, v1;
	v2 =	vsel vm4, $0x1E82, v2  }
0x62: {  	[tilespmem:$0x1FFD0] =	vst v25;
	v3 =	vsel vm5, $0xF9, v3;
	v1 =	vsel vm2, $0x26C, v1;
	v2 =	vsel vm3, $0x1EC3, v2  }
0x63: {  	[tilespmem:$0x1FFE0] =	vst v27;
	v3 =	vsel vm4, $0x17A, v3;
	v1 =	vsel vm1, $0x2ED, v1;
	v2 =	vsel vm2, $0x1F04, v2  }
0x64: {  	s4 =	srdreg.scid;
	[tilespmem:$0x1FFF0] =	vst v32;
	v3 =	vsel vm3, $0x1FB, v3;
	v2 =	vsel vm1, $0x1F45, v2;
	v1 =	vsel vm0, $0x36E, v1  }
0x65: {  	s2 =	stileid.u32;
	s9 =	simm.s32 $0x1000;
	s10 =	simm.s32 $0x5;
	v3 =	vsel vm2, $0x27C, v3;
	[tilespmem:$0x1FE50] =	vst v1;
	v1 =	vsel vm0, $0x1F86, v2  }
0x66: {  	s11 =	simm.s32 $0x6400;
	s12 =	simm.s32 $0x1;
	s13 =	simm.s32 $0x8400;
	[tilespmem:$0x1FE60] =	vst v1;
	v1 =	vsel vm1, $0x2FD, v3  }
0x67: {  	s14 =	simm.s32 $0xA400;
	s15 =	simm.s32 $0x400;
	s16 =	simm.s32 $0x8000;
	[tilespmem:$0x1FF90] =	vst v24;
	v1 =	vsel vm0, $0x37E, v1  }
0x68: {  	s17 =	simm.s32 $0x2;
	s18 =	simm.s32 $0xC400;
	s19 =	simm.s32 $0x3;
	[tilespmem:$0x1FE70] =	vst v1;
	v1 =	vor.u32 $0x20, v0  }
0x69: {  	s20 =	simm.s32 $0x4;
	s4 =	sand.u32 $0x1, s4;
	s6 =	sshll.u32 s2, $0x1;
	[tilespmem:$0x1FE80] =	vst v1;
	v1 =	vor.u32 $0xC00, v26  }
0x6a: {  	s21 =	simm.s32 $0x0;
	s6 =	sor.u32 s4, s6;
	s8 =	ssub.s32 $0x2, s4;
	[tilespmem:$0x1FE90] =	vst v1;
	v1 =	vor.u32 $0x30, v0  }
0x6b: {  	s4 =	sadd.s32 $0xA00, s5;
	s7 =	sshll.u32 s6, $0x4;
	s31 =	sshrl.u32 s8, $0x1;
	[tilespmem:$0x1FEA0] =	vst v1;
	v1 =	vor.u32 $0x40, v0  }
0x6c: {  	s6 =	sshll.u32 s6, $0xA;
	s5 =	sadd.s32 s7, s5;
	s7 =	ssub.s32 s8, s31;
	[tilespmem:$0x1FEB0] =	vst v1;
	v1 =	vor.u32 $0x50, v0  }
0x6d: {  	s8 =	simm.s32 $0x80;
	s5 =	sadd.s32 $0x7A1C00, s5;
	s7 =	smax.u32 s7, $0x1;
	[tilespmem:$0x1FEC0] =	vst v1  }
.LBB2_1:
0x6e: {  	[tilespmem:s3], [sflag:$0x5] =	stream.strided.gather [hbm4b:s5+s8], $0x6400, s9, s8, $0x38;
	[tilespmem:$0xE400] =	vst v63  }
0x6f: {  	_ =	swait.ge [sflag:s10], $0x6400  }
0x70: {  	[sflag:s10] =	ssyncset.done $0x0  }
0x71: {  	s22 =	simm.s32 $0x0;
	[sflag:s10] =	ssyncadd.s32 $0xFFFF9C00  }
0x72: {  	[tilespmem:s11], [sflag:$0x1] =	stream.indirect.gather [hbm4b:s4+s8], $0x40, s3, s8, $0xb8;
	[tilespmem:$0xE400] =	vst v63  }
.LBB2_2:
0x73: {  	s23 =	simm.s32 $0x0;
	s31 =	simm.s32 $0x1  }
0x74: {  	s24 =	simm.s32 $0x3;
	s25 =	simm.s32 $0x2;
	s26 =	simm.s32 $0x5;
	v1 =	vadd.s32 s23, v0;
	v4 =	vadd.s32 s31, v0  }
0x75: {  	s28 =	simm.s32 $0x7;
	s30 =	simm.s32 $0x6;
	v5 =	vadd.s32 s24, v0;
	v3 =	vadd.s32 s25, v0;
	v6 =	vadd.s32 s26, v0  }
0x76: {  	v7 =	vadd.s32 s28, v0;
	v11 =	vadd.s32 s30, v0;
	v45 =	vand.u32 $0x3F, v3  }
0x77: {  	v2 =	vshll.u32 v1, $0x7;
	v63 =	vand.u32 $0x3F, v4;
	v8 =	vor.u32 v36, v45  }
0x78: {  	v46 =	vand.u32 $0x3F, v6;
	v53 =	vand.u32 $0x3F, v5;
	v15 =	vshll.u32 v11, $0x7;
	[tilespmem:$0x1FDB0] =	vst v8  }
0x79: {  	s29 =	simm.s32 $0x4;
	s23 =	sshllo.u32 s22, $0x1;
	v3 =	vshll.u32 v3, $0x7;
	v48 =	vand.u32 $0x3F, v7;
	v4 =	vshll.u32 v4, $0x7;
	_ =	swait.ge [sflag:s12], $0x2000  }
0x7a: {  	s31 =	sshll.u32 s23, $0x7;
	v5 =	vshll.u32 v5, $0x7;
	v12 =	vor.u32 v26, v63;
	v8 =	vadd.s32 s29, v0;
	[sflag:s12] =	ssyncset.done $0x0  }
0x7b: {  	p0 =	seq.s32 s22, $0x0;
	s24 =	sand.u32 $0x3FFFFF80, s31;
	v16 =	vor.u32 v26, v46;
	v51 =	vand.u32 $0x1F80, v3;
	v49 =	vand.u32 $0x3F, v8;
	[sflag:s12] =	ssyncadd.s32 $0xFFFFE000  }
0x7c: {  	v47 =	vand.u32 $0x1C00, v2;
	v34 =	vor.u32 v26, v53;
	v13 =	vor.u32 v26, v49;
	[tilespmem:s13], [sflag:$0x2] =	stream.indirect.gather [hbm4b:s4+s8], $0x40, s24, s8, $0xb8;
	[tilespmem:$0xE400] =	vst v63  }
0x7d: {  	v37 =	vand.u32 $0x1F80, v4;
	v39 =	vand.u32 $0x1F80, v15;
	v2 =	vor.u32 v0, v51;
	s24 =	simm.s32 @!p0 $0x3  }
0x7e: {  	v3 =	vor.u32 v38, v51;
	v42 =	vor.u32 v0, v37;
	v43 =	vor.u32 v0, v39;
	_ =	swait.ge @!p0 [sflag:s24], $0x2000  }
0x7f: {  	v10 =	vshll.u32 v8, $0x7;
	v8 =	vand.u32 $0x38, v1;
	v1 =	vshll.u32 v7, $0x7;
	[sflag:s24] =	ssyncset.done @!p0 $0x0  }
0x80: {  	v10 =	vand.u32 $0x1F80, v10;
	v44 =	vand.u32 $0x1F80, v1;
	v1 =	vshll.u32 v6, $0x7;
	[tilespmem:$0x1FDC0] =	vst v3;
	[sflag:s24] =	ssyncadd.s32 @!p0 $0xFFFFE000  }
0x81: {  	v7 =	vor.u32 v18, v8;
	v54 =	vand.u32 $0x1F80, v1;
	v62 =	vor.u32 v0, v10;
	v13 =	vld.idx.msk [tilespmem:v13+s11+$0x0], $0xffff  }
0x82: {  	v1 =	vor.u32 v0, v44;
	v41 =	vor.u32 v0, v54;
	v0 =	vor.u32 v25, v39  }
0x83: {  	v58 =	vand.u32 $0x1F80, v5;
	v15 =	vld.idx.msk [tilespmem:v16+s11+$0x0], $0xffff;
	[tilespmem:$0x1FDD0] =	vst v0;
	v0 =	vlaneseq.u32  }
0x84: {  	v61 =	vor.u32 v26, v48;
	v12 =	vld.idx.msk [tilespmem:v12+s11+$0x0], $0xffff;
	v50 =	vor.u32 v0, v58;
	v0 =	vor.u32 v25, v58  }
0x85: {  	v4 =	vor.u32 v23, v49;
	v52 =	vld.idx.msk [tilespmem:v34+s11+$0x0], $0xffff;
	[tilespmem:$0x1FDE0] =	vst v0  }
0x86: {  	v56 =	vand.u32 $0x3F, v11;
	v16 =	vor.u32 v23, v46;
	v7 =	vld.idx.msk [tilespmem:v7+s11+$0x0], $0xffff;
	[tilespmem:v62+s14+$0x0] =	vst.idx.msk $0xffff, v13  }
0x87: {  	v11 =	vor.u32 v26, v56;
	v38 =	vld [tilespmem:$0x1FF00]  }
0x88: {  	v40 =	vor.u32 v19, v47;
	v36 =	vld [tilespmem:$0x1FF10];
	[tilespmem:v41+s14+$0x0] =	vst.idx.msk $0xffff, v15  }
0x89: {  	v55 =	vor.u32 v23, v53;
	v13 =	vld.idx.msk [tilespmem:v61+s11+$0x0], $0xffff;
	[tilespmem:v42+s14+$0x0] =	vst.idx.msk $0xffff, v12  }
0x8a: {  	v59 =	vor.u32 v29, v10;
	v0 =	vor.u32 v22, v45;
	v4 =	vld.idx.msk [tilespmem:v4+s11+$0x0], $0xffff;
	[tilespmem:v50+s14+$0x0] =	vst.idx.msk $0xffff, v52  }
0x8b: {  	v41 =	vor.u32 v29, v54;
	v12 =	vld.idx.msk [tilespmem:v16+s11+$0x0], $0xffff;
	[tilespmem:$0x1FDF0] =	vst v0;
	v0 =	vor.u32 v24, v8  }
0x8c: {  	v11 =	vld.idx.msk [tilespmem:v11+s11+$0x0], $0xffff;
	[tilespmem:$0x1FE00] =	vst v0  }
0x8d: {  	v60 =	vor.u32 v23, v63;
	[tilespmem:v40+s14+$0x0] =	vst.idx.msk $0xffff, v7  }
0x8e: {  	v15 =	vor.u32 v23, v48;
	[tilespmem:v1+s14+$0x0] =	vst.idx.msk $0xffff, v13  }
0x8f: {  	v9 =	vor.u32 v26, v45;
	[tilespmem:v59+s14+$0x0] =	vst.idx.msk $0xffff, v4  }
0x90: {  	v17 =	vor.u32 v20, v8;
	v13 =	vld.idx.msk [tilespmem:v55+s11+$0x0], $0xffff;
	[tilespmem:v41+s14+$0x0] =	vst.idx.msk $0xffff, v12  }
0x91: {  	v16 =	vor.u32 v31, v46;
	v1 =	vor.u32 v29, v58;
	v0 =	vld [tilespmem:$0x1FE80]  }
0x92: {  	v62 =	vld.idx.msk [tilespmem:v60+s11+$0x0], $0xffff;
	v4 =	vor.u32 v29, v37  }
0x93: {  	v24 =	vor.u32 v29, v44;
	v15 =	vld.idx.msk [tilespmem:v15+s11+$0x0], $0xffff  }
0x94: {  	v9 =	vld.idx.msk [tilespmem:v9+s11+$0x0], $0xffff  }
0x95: {  	v34 =	vor.u32 v14, v47;
	v7 =	vor.u32 v23, v56;
	v12 =	vld.idx.msk [tilespmem:v17+s11+$0x0], $0xffff;
	[tilespmem:v43+s14+$0x0] =	vst.idx.msk $0xffff, v11  }
0x96: {  	v35 =	vor.u32 v31, v53;
	v16 =	vld.idx.msk [tilespmem:v16+s11+$0x0], $0xffff;
	[tilespmem:v1+s14+$0x0] =	vst.idx.msk $0xffff, v13;
	v17 =	vor.u32 v0, v54  }
0x97: {  	v3 =	vld [tilespmem:$0x1FE90];
	[tilespmem:v4+s14+$0x0] =	vst.idx.msk $0xffff, v62  }
0x98: {  	v61 =	vor.u32 v31, v49;
	[tilespmem:v24+s14+$0x0] =	vst.idx.msk $0xffff, v15  }
0x99: {  	v6 =	vor.u32 v23, v45;
	[tilespmem:v2+s14+$0x0] =	vst.idx.msk $0xffff, v9  }
0x9a: {  	v7 =	vld.idx.msk [tilespmem:v7+s11+$0x0], $0xffff;
	v1 =	vor.u32 v31, v63;
	[tilespmem:v34+s14+$0x0] =	vst.idx.msk $0xffff, v12  }
0x9b: {  	v11 =	vor.u32 v31, v48;
	v42 =	vld.idx.msk [tilespmem:v35+s11+$0x0], $0xffff;
	v4 =	vor.u32 v0, v58;
	[tilespmem:v17+s14+$0x0] =	vst.idx.msk $0xffff, v16  }
0x9c: {  	v15 =	vor.u32 v29, v39;
	v13 =	vor.u32 v3, v46;
	v24 =	vld [tilespmem:$0x1FEA0]  }
0x9d: {  	v60 =	vld.idx.msk [tilespmem:v61+s11+$0x0], $0xffff;
	v35 =	vor.u32 v0, v10  }
0x9e: {  	v5 =	vor.u32 v29, v51;
	v6 =	vld.idx.msk [tilespmem:v6+s11+$0x0], $0xffff  }
0x9f: {  	v2 =	vor.u32 v0, v37;
	v1 =	vld.idx.msk [tilespmem:v1+s11+$0x0], $0xffff  }
0xa0: {  	v61 =	vor.u32 v31, v56;
	v11 =	vld.idx.msk [tilespmem:v11+s11+$0x0], $0xffff;
	v16 =	vor.u32 v0, v44;
	[tilespmem:v4+s14+$0x0] =	vst.idx.msk $0xffff, v42  }
0xa1: {  	v12 =	vor.u32 v3, v53;
	[tilespmem:v15+s14+$0x0] =	vst.idx.msk $0xffff, v7;
	v13 =	vld.idx.msk [tilespmem:v13+s11+$0x0], $0xffff;
	v9 =	vor.u32 v24, v54  }
0xa2: {  	[tilespmem:v35+s14+$0x0] =	vst.idx.msk $0xffff, v60  }
0xa3: {  	v17 =	vor.u32 v3, v49;
	[tilespmem:v5+s14+$0x0] =	vst.idx.msk $0xffff, v6  }
0xa4: {  	v7 =	vor.u32 v3, v63;
	[tilespmem:v2+s14+$0x0] =	vst.idx.msk $0xffff, v1  }
0xa5: {  	v57 =	vor.u32 v31, v45;
	v52 =	vld.idx.msk [tilespmem:v61+s11+$0x0], $0xffff;
	[tilespmem:v16+s14+$0x0] =	vst.idx.msk $0xffff, v11  }
0xa6: {  	v4 =	vor.u32 v3, v48;
	v12 =	vld.idx.msk [tilespmem:v12+s11+$0x0], $0xffff;
	v62 =	vor.u32 v24, v58;
	[tilespmem:v9+s14+$0x0] =	vst.idx.msk $0xffff, v13  }
0xa7: {  	v15 =	vor.u32 v30, v46;
	v11 =	vor.u32 v0, v39;
	v31 =	vld [tilespmem:$0x1FEB0]  }
0xa8: {  	v1 =	vor.u32 v30, v53;
	v2 =	vld.idx.msk [tilespmem:v17+s11+$0x0], $0xffff;
	v16 =	vor.u32 v24, v10  }
0xa9: {  	v5 =	vor.u32 v24, v37;
	v6 =	vld.idx.msk [tilespmem:v7+s11+$0x0], $0xffff  }
0xaa: {  	v34 =	vor.u32 v0, v51;
	v35 =	vld.idx.msk [tilespmem:v57+s11+$0x0], $0xffff  }
0xab: {  	v17 =	vor.u32 v3, v56;
	v4 =	vld.idx.msk [tilespmem:v4+s11+$0x0], $0xffff;
	v9 =	vor.u32 v24, v44;
	[tilespmem:v62+s14+$0x0] =	vst.idx.msk $0xffff, v12  }
0xac: {  	v13 =	vor.u32 v30, v49;
	v15 =	vld.idx.msk [tilespmem:v15+s11+$0x0], $0xffff;
	[tilespmem:v11+s14+$0x0] =	vst.idx.msk $0xffff, v52;
	v7 =	vor.u32 v31, v54  }
0xad: {  	v12 =	vor.u32 v30, v48;
	[tilespmem:v16+s14+$0x0] =	vst.idx.msk $0xffff, v2;
	v1 =	vld.idx.msk [tilespmem:v1+s11+$0x0], $0xffff;
	v2 =	vor.u32 v31, v58  }
0xae: {  	[tilespmem:v5+s14+$0x0] =	vst.idx.msk $0xffff, v6  }
0xaf: {  	[tilespmem:v34+s14+$0x0] =	vst.idx.msk $0xffff, v35  }
0xb0: {  	v59 =	vor.u32 v21, v8;
	v17 =	vld.idx.msk [tilespmem:v17+s11+$0x0], $0xffff;
	[tilespmem:v9+s14+$0x0] =	vst.idx.msk $0xffff, v4;
	v4 =	vor.u32 v24, v39  }
0xb1: {  	v11 =	vor.u32 v30, v63;
	v6 =	vld.idx.msk [tilespmem:v13+s11+$0x0], $0xffff;
	v9 =	vor.u32 v31, v10;
	[tilespmem:v7+s14+$0x0] =	vst.idx.msk $0xffff, v15  }
0xb2: {  	v42 =	vor.u32 v22, v46;
	v12 =	vld.idx.msk [tilespmem:v12+s11+$0x0], $0xffff;
	v7 =	vor.u32 v31, v44;
	[tilespmem:v2+s14+$0x0] =	vst.idx.msk $0xffff, v1  }
0xb3: {  	v0 =	vld [tilespmem:$0x1FEC0]  }
0xb4: {  	v5 =	vor.u32 v22, v53  }
0xb5: {  	v59 =	vld.idx.msk [tilespmem:v59+s11+$0x0], $0xffff;
	v13 =	vor.u32 v30, v56;
	[tilespmem:v4+s14+$0x0] =	vst.idx.msk $0xffff, v17  }
0xb6: {  	v11 =	vld.idx.msk [tilespmem:v11+s11+$0x0], $0xffff;
	v15 =	vor.u32 v22, v49;
	[tilespmem:v9+s14+$0x0] =	vst.idx.msk $0xffff, v6  }
0xb7: {  	v34 =	vor.u32 v31, v37;
	v52 =	vld.idx.msk [tilespmem:v42+s11+$0x0], $0xffff;
	v17 =	vor.u32 v22, v48;
	[tilespmem:v7+s14+$0x0] =	vst.idx.msk $0xffff, v12  }
0xb8: {  	v2 =	vor.u32 v0, v54;
	v1 =	vld [tilespmem:$0x1FE10]  }
0xb9: {  	v55 =	vor.u32 v27, v47;
	v42 =	vld.idx.msk [tilespmem:v5+s11+$0x0], $0xffff  }
0xba: {  	v9 =	vld.idx.msk [tilespmem:v13+s11+$0x0], $0xffff;
	v6 =	vor.u32 v0, v58  }
0xbb: {  	v7 =	vor.u32 v31, v39;
	v12 =	vld.idx.msk [tilespmem:v15+s11+$0x0], $0xffff  }
0xbc: {  	v35 =	vor.u32 v22, v63;
	[tilespmem:v34+s14+$0x0] =	vst.idx.msk $0xffff, v11;
	v11 =	vor.u32 v0, v10;
	v15 =	vld.idx.msk [tilespmem:v17+s11+$0x0], $0xffff  }
0xbd: {  	v17 =	vor.u32 v0, v44;
	v4 =	vor.u32 v1, v8;
	v1 =	vld [tilespmem:$0x1FE20];
	[tilespmem:v2+s14+$0x0] =	vst.idx.msk $0xffff, v52  }
0xbe: {  	v2 =	vld [tilespmem:$0x1FE30];
	[tilespmem:v55+s14+$0x0] =	vst.idx.msk $0xffff, v59  }
0xbf: {  	[tilespmem:v6+s14+$0x0] =	vst.idx.msk $0xffff, v42  }
0xc0: {  	v62 =	vor.u32 v3, v45;
	v3 =	vld [tilespmem:$0x1FE40];
	[tilespmem:v7+s14+$0x0] =	vst.idx.msk $0xffff, v9  }
0xc1: {  	v5 =	vor.u32 v33, v47;
	[tilespmem:v11+s14+$0x0] =	vst.idx.msk $0xffff, v12  }
0xc2: {  	v13 =	vor.u32 v28, v46;
	v33 =	vor.u32 v0, v37;
	v34 =	vld.idx.msk [tilespmem:v35+s11+$0x0], $0xffff;
	[tilespmem:v17+s14+$0x0] =	vst.idx.msk $0xffff, v15  }
0xc3: {  	v9 =	vld [tilespmem:$0x1FE50];
	_ =	sdelay $0x2  }
0xc4: {  	v57 =	vor.u32 v32, v8  }
0xc5: {  	v35 =	vor.u32 v38, v54;
	[tilespmem:v33+s14+$0x0] =	vst.idx.msk $0xffff, v34;
	v60 =	vor.u32 v3, v47;
	v3 =	vld.idx.msk [tilespmem:v13+s11+$0x0], $0xffff  }
0xc6: {  	v26 =	vor.u32 v28, v63;
	v61 =	vor.u32 v9, v47;
	v9 =	vld [tilespmem:$0x1FE60]  }
0xc7: {  	v40 =	vor.u32 v30, v45;
	v29 =	vor.u32 v36, v53;
	v53 =	vor.u32 v28, v53  }
0xc8: {  	v41 =	vor.u32 v25, v51;
	v43 =	vor.u32 v36, v56;
	v16 =	vor.u32 v22, v56  }
0xc9: {  	v32 =	vor.u32 v28, v49;
	v50 =	vor.u32 v24, v51;
	v6 =	vor.u32 v38, v10;
	v52 =	vld.idx.msk [tilespmem:v57+s11+$0x0], $0xffff  }
0xca: {  	v55 =	vor.u32 v36, v49;
	v42 =	vor.u32 v28, v48;
	v13 =	vld.idx.msk [tilespmem:v62+s11+$0x0], $0xffff;
	[tilespmem:v35+s14+$0x0] =	vst.idx.msk $0xffff, v3  }
0xcb: {  	v17 =	vor.u32 v0, v39;
	v62 =	vor.u32 v9, v8;
	v9 =	vor.u32 v0, v51;
	v0 =	vld [tilespmem:$0x1FE70]  }
0xcc: {  	v49 =	vor.u32 v36, v63;
	v7 =	vor.u32 v31, v51;
	v11 =	vor.u32 v36, v46;
	v53 =	vld.idx.msk [tilespmem:v53+s11+$0x0], $0xffff  }
0xcd: {  	v12 =	vor.u32 v25, v54;
	v57 =	vor.u32 v25, v10;
	v10 =	vor.u32 v25, v44;
	v15 =	vld.idx.msk [tilespmem:v16+s11+$0x0], $0xffff  }
0xce: {  	v54 =	vor.u32 v38, v58;
	v58 =	vor.u32 v38, v44;
	v46 =	vor.u32 v36, v48;
	v59 =	vld.idx.msk [tilespmem:v32+s11+$0x0], $0xffff  }
0xcf: {  	v16 =	vor.u32 v28, v56;
	v1 =	vor.u32 v1, v47;
	v2 =	vor.u32 v2, v8;
	v56 =	vld.idx.msk [tilespmem:v42+s11+$0x0], $0xffff  }
0xd0: {  	s24 =	simm.s32 $0x8;
	v8 =	vor.u32 v28, v45;
	v51 =	vor.u32 v38, v37;
	v3 =	vor.u32 v0, v47;
	v47 =	vld.idx.msk [tilespmem:v26+s11+$0x0], $0xffff  }
.LBB2_3:
0xd1: {  	v63 =	vmov v21;
	v21 =	vmov v20;
	v20 =	vld [tilespmem:$0x1FF20]  }
0xd2: {  	v27 =	vld [tilespmem:$0x1FFD0]  }
0xd3: {  	v24 =	vlaneseq.u32;
	s31 =	sadd.s32 $0x2, s24;
	[tilespmem:v5+s14+$0x0] =	vst.idx.msk $0xffff, v52;
	v52 =	vld.idx.msk [tilespmem:v11+s11+$0x0], $0xffff  }
0xd4: {  	v0 =	vld [tilespmem:$0x1FDC0];
	v35 =	vadd.s32 s31, v24  }
0xd5: {  	[tilespmem:v50+s14+$0x0] =	vst.idx.msk $0xffff, v13;
	v22 =	vld [tilespmem:$0x1FF50];
	v45 =	vand.u32 $0x3F, v35  }
0xd6: {  	[tilespmem:v17+s14+$0x0] =	vst.idx.msk $0xffff, v15;
	v34 =	vld.idx.msk [tilespmem:v4+s11+$0x0], $0xffff;
	v17 =	vor.u32 v20, v45  }
0xd7: {  	v40 =	vld.idx.msk [tilespmem:v40+s11+$0x0], $0xffff  }
0xd8: {  	s25 =	sadd.s32 $0x1, s24;
	v30 =	vld [tilespmem:$0x1FF60];
	s31 =	smov.u32 s24  }
0xd9: {  	v13 =	vor.u32 v38, v39;
	v28 =	vld [tilespmem:$0x1FF70];
	v39 =	vadd.s32 s25, v24;
	s25 =	sadd.s32 $0x4, s31;
	[tilespmem:v54+s14+$0x0] =	vst.idx.msk $0xffff, v53  }
0xda: {  	v23 =	vld [tilespmem:$0x1FE80];
	v26 =	vadd.s32 s25, v24;
	[tilespmem:v58+s14+$0x0] =	vst.idx.msk $0xffff, v56  }
0xdb: {  	v54 =	vand.u32 $0x3F, v26;
	[tilespmem:v1+s14+$0x0] =	vst.idx.msk $0xffff, v34;
	v1 =	vld.idx.msk [tilespmem:v17+s11+$0x0], $0xffff  }
0xdc: {  	v56 =	vor.u32 v20, v54;
	[tilespmem:v7+s14+$0x0] =	vst.idx.msk $0xffff, v40;
	v7 =	vld [tilespmem:$0x1FDF0]  }
0xdd: {  	s29 =	sadd.s32 $0x7, s24;
	v16 =	vld.idx.msk [tilespmem:v16+s11+$0x0], $0xffff;
	[tilespmem:v51+s14+$0x0] =	vst.idx.msk $0xffff, v47  }
0xde: {  	v48 =	vadd.s32 s24, v24;
	v15 =	vadd.s32 s29, v24;
	v5 =	vmovc v41;
	v41 =	vshll.u32 v26, $0x7;
	[tilespmem:v6+s14+$0x0] =	vst.idx.msk $0xffff, v59;
	v6 =	vld [tilespmem:$0x1FF00]  }
0xdf: {  	v51 =	vand.u32 $0x38, v48;
	v26 =	vshll.u32 v15, $0x7;
	v25 =	vor.u32 v27, v37;
	v11 =	vmovc v0;
	v0 =	vld.idx.msk [tilespmem:v49+s11+$0x0], $0xffff  }
0xe0: {  	v37 =	vshll.u32 v48, $0x7;
	v49 =	vand.u32 $0x1F80, v41;
	v48 =	vand.u32 $0x3F, v15;
	v34 =	vld.idx.msk [tilespmem:v46+s11+$0x0], $0xffff  }
0xe1: {  	s28 =	sadd.s32 $0x5, s24;
	v15 =	vld.idx.msk [tilespmem:v56+s11+$0x0], $0xffff;
	v17 =	vor.u32 v18, v51;
	v40 =	vor.u32 v20, v48;
	v18 =	vor.u32 v24, v49  }
0xe2: {  	v33 =	vadd.s32 s28, v24;
	v44 =	vand.u32 $0x3F, v39;
	v42 =	vld.idx.msk [tilespmem:v29+s11+$0x0], $0xffff  }
0xe3: {  	v50 =	vand.u32 $0x3F, v33;
	v4 =	vor.u32 v36, v45;
	v36 =	vor.u32 v20, v44;
	v29 =	vld [tilespmem:$0x1FE90]  }
0xe4: {  	v14 =	vor.u32 v20, v50;
	v46 =	vand.u32 $0x1F80, v26;
	[tilespmem:v13+s14+$0x0] =	vst.idx.msk $0xffff, v16;
	v16 =	vld.idx.msk [tilespmem:v7+s11+$0x0], $0xffff;
	v7 =	vshll.u32 v39, $0x7  }
0xe5: {  	v47 =	vand.u32 $0x1C00, v37;
	v13 =	vshll.u32 v33, $0x7;
	[tilespmem:v10+s14+$0x0] =	vst.idx.msk $0xffff, v34;
	v37 =	vand.u32 $0x1F80, v7;
	v7 =	vld [tilespmem:$0x1FDE0]  }
0xe6: {  	v56 =	vand.u32 $0x1F80, v13;
	v13 =	vor.u32 v24, v46;
	[tilespmem:v18+s14+$0x0] =	vst.idx.msk $0xffff, v15;
	v15 =	vld.idx.msk [tilespmem:v40+s11+$0x0], $0xffff  }
0xe7: {  	v26 =	vld [tilespmem:$0x1FF30]  }
0xe8: {  	v41 =	vld.idx.msk [tilespmem:v2+s11+$0x0], $0xffff  }
0xe9: {  	[tilespmem:v12+s14+$0x0] =	vst.idx.msk $0xffff, v52;
	v43 =	vld.idx.msk [tilespmem:v43+s11+$0x0], $0xffff  }
0xea: {  	v14 =	vld.idx.msk [tilespmem:v14+s11+$0x0], $0xffff  }
0xeb: {  	v36 =	vld.idx.msk [tilespmem:v36+s11+$0x0], $0xffff;
	[tilespmem:v13+s14+$0x0] =	vst.idx.msk $0xffff, v15  }
0xec: {  	s26 =	sadd.s32 $0x3, s24;
	s30 =	sadd.s32 $0x6, s24;
	v10 =	vor.u32 v26, v54;
	v13 =	vld [tilespmem:$0x1FDB0];
	[tilespmem:v9+s14+$0x0] =	vst.idx.msk $0xffff, v16  }
0xed: {  	v32 =	vadd.s32 s26, v24;
	v58 =	vadd.s32 s30, v24;
	[tilespmem:v7+s14+$0x0] =	vst.idx.msk $0xffff, v42;
	v7 =	vld [tilespmem:$0x1FE00]  }
0xee: {  	v35 =	vshll.u32 v35, $0x7;
	v53 =	vand.u32 $0x3F, v32;
	v38 =	vshll.u32 v58, $0x7;
	[tilespmem:v25+s14+$0x0] =	vst.idx.msk $0xffff, v0;
	v16 =	vld.idx.msk [tilespmem:v8+s11+$0x0], $0xffff  }
0xef: {  	v32 =	vshll.u32 v32, $0x7;
	[tilespmem:v60+s14+$0x0] =	vst.idx.msk $0xffff, v41;
	v39 =	vand.u32 $0x1F80, v38;
	v38 =	vor.u32 v24, v37;
	v8 =	vld [tilespmem:$0x1FDD0]  }
0xf0: {  	v52 =	vand.u32 $0x1F80, v35;
	v59 =	vand.u32 $0x1F80, v32;
	v25 =	vld [tilespmem:$0x1FF80];
	[tilespmem:$0x1FD70] =	vst v1;
	v1 =	vor.u32 v28, v44  }
0xf1: {  	v35 =	vor.u32 v20, v53;
	v58 =	vand.u32 $0x3F, v58;
	[tilespmem:$0x1FD90] =	vst v1;
	v10 =	vld.idx.msk [tilespmem:v10+s11+$0x0], $0xffff;
	v9 =	vor.u32 v27, v59  }
0xf2: {  	v32 =	vor.u32 v24, v59;
	v2 =	vor.u32 v24, v52;
	v34 =	vor.u32 v24, v56;
	v1 =	vld [tilespmem:$0x1FFA0];
	[tilespmem:$0x1FDE0] =	vst v9  }
0xf3: {  	v60 =	vor.u32 v24, v39;
	v24 =	vld [tilespmem:$0x1FFC0];
	v9 =	vor.u32 v20, v58;
	[tilespmem:v11+s14+$0x0] =	vst.idx.msk $0xffff, v16  }
0xf4: {  	[tilespmem:v38+s14+$0x0] =	vst.idx.msk $0xffff, v36;
	v36 =	vor.u32 v26, v48;
	v13 =	vld.idx.msk [tilespmem:v13+s11+$0x0], $0xffff  }
0xf5: {  	v33 =	vor.u32 v19, v47;
	v20 =	vor.u32 v25, v45;
	v19 =	vld.idx.msk [tilespmem:v7+s11+$0x0], $0xffff  }
0xf6: {  	[tilespmem:$0x1FDF0] =	vst v20;
	v20 =	vld [tilespmem:$0x1FF90];
	v42 =	vor.u32 v26, v50  }
0xf7: {  	v41 =	vor.u32 v27, v39;
	v18 =	vld.idx.msk [tilespmem:v35+s11+$0x0], $0xffff;
	[tilespmem:v8+s14+$0x0] =	vst.idx.msk $0xffff, v43  }
0xf8: {  	[tilespmem:v34+s14+$0x0] =	vst.idx.msk $0xffff, v14;
	v40 =	vmov v41;
	v41 =	vld.idx.msk [tilespmem:v9+s11+$0x0], $0xffff  }
0xf9: {  	v36 =	vld.idx.msk [tilespmem:v36+s11+$0x0], $0xffff;
	[tilespmem:v5+s14+$0x0] =	vst.idx.msk $0xffff, v13;
	v5 =	vor.u32 v26, v58  }
0xfa: {  	v6 =	vor.u32 v6, v52;
	[tilespmem:v61+s14+$0x0] =	vst.idx.msk $0xffff, v19;
	v19 =	vld.idx.msk [tilespmem:v55+s11+$0x0], $0xffff  }
0xfb: {  	[tilespmem:$0x1FDC0] =	vst v6;
	v35 =	vor.u32 v26, v53;
	v61 =	vld.idx.msk [tilespmem:v42+s11+$0x0], $0xffff  }
0xfc: {  	v6 =	vor.u32 v26, v45;
	v14 =	vor.u32 v22, v56;
	[tilespmem:$0x1FDD0] =	vst v40;
	v55 =	vor.u32 v26, v44;
	v26 =	vld [tilespmem:$0x1FEA0]  }
0xfd: {  	v11 =	vor.u32 v1, v47;
	v1 =	vor.u32 v24, v45;
	[tilespmem:v60+s14+$0x0] =	vst.idx.msk $0xffff, v41;
	v38 =	vld.idx.msk [tilespmem:v62+s11+$0x0], $0xffff  }
0xfe: {  	[tilespmem:$0x1FDA0] =	vst v1;
	v60 =	vld.idx.msk [tilespmem:v5+s11+$0x0], $0xffff  }
0xff: {  	v43 =	vor.u32 v22, v49;
	[tilespmem:v32+s14+$0x0] =	vst.idx.msk $0xffff, v18;
	v15 =	vld.idx.msk [tilespmem:v17+s11+$0x0], $0xffff  }
0x100: {  	v0 =	vor.u32 v30, v54;
	[tilespmem:v57+s14+$0x0] =	vst.idx.msk $0xffff, v19;
	v19 =	vld.idx.msk [tilespmem:v35+s11+$0x0], $0xffff  }
0x101: {  	v12 =	vor.u32 v21, v51;
	v34 =	vor.u32 v30, v50;
	[tilespmem:v14+s14+$0x0] =	vst.idx.msk $0xffff, v61;
	v61 =	vmov v4;
	v4 =	vld [tilespmem:$0x1FF10]  }
0x102: {  	v20 =	vor.u32 v20, v51;
	v17 =	vor.u32 v22, v59;
	[tilespmem:v3+s14+$0x0] =	vst.idx.msk $0xffff, v38;
	v38 =	vld.idx.msk [tilespmem:v55+s11+$0x0], $0xffff  }
0x103: {  	[tilespmem:$0x1FE00] =	vst v20;
	v7 =	vor.u32 v22, v52;
	v57 =	vor.u32 v22, v46;
	v3 =	vld [tilespmem:$0x1FF10]  }
0x104: {  	v42 =	vmov v21;
	v21 =	vor.u32 v22, v39;
	v55 =	vor.u32 v22, v37;
	[tilespmem:v43+s14+$0x0] =	vst.idx.msk $0xffff, v10;
	v22 =	vld [tilespmem:$0x1FD70]  }
0x105: {  	v1 =	vor.u32 v27, v52;
	v18 =	vor.u32 v30, v53;
	[tilespmem:v33+s14+$0x0] =	vst.idx.msk $0xffff, v15;
	v0 =	vld.idx.msk [tilespmem:v0+s11+$0x0], $0xffff  }
0x106: {  	[tilespmem:$0x1FD80] =	vst v1;
	v10 =	vor.u32 v30, v48;
	v12 =	vld.idx.msk [tilespmem:v12+s11+$0x0], $0xffff  }
0x107: {  	v40 =	vor.u32 v23, v56;
	v20 =	vor.u32 v30, v44;
	v33 =	vld.idx.msk [tilespmem:v34+s11+$0x0], $0xffff;
	[tilespmem:v17+s14+$0x0] =	vst.idx.msk $0xffff, v19  }
0x108: {  	v32 =	vor.u32 v23, v49;
	v43 =	vor.u32 v4, v58;
	[tilespmem:v57+s14+$0x0] =	vst.idx.msk $0xffff, v36;
	v4 =	vld [tilespmem:$0x1FEF0]  }
0x109: {  	v35 =	vor.u32 v29, v50;
	v1 =	vor.u32 v3, v53;
	v3 =	vld [tilespmem:$0x1FFE0];
	[tilespmem:v55+s14+$0x0] =	vst.idx.msk $0xffff, v38  }
0x10a: {  	v62 =	vor.u32 v29, v54;
	v18 =	vld.idx.msk [tilespmem:v18+s11+$0x0], $0xffff;
	[tilespmem:v2+s14+$0x0] =	vst.idx.msk $0xffff, v22  }
0x10b: {  	v16 =	vor.u32 v63, v51;
	v10 =	vld.idx.msk [tilespmem:v10+s11+$0x0], $0xffff;
	[tilespmem:v11+s14+$0x0] =	vst.idx.msk $0xffff, v12;
	v12 =	vor.u32 v23, v46  }
0x10c: {  	v38 =	vor.u32 v23, v37;
	v20 =	vld.idx.msk [tilespmem:v20+s11+$0x0], $0xffff;
	[tilespmem:v40+s14+$0x0] =	vst.idx.msk $0xffff, v33;
	v33 =	vor.u32 v29, v48  }
0x10d: {  	[tilespmem:$0x1FDB0] =	vst v61;
	v61 =	vor.u32 v29, v44;
	v6 =	vld.idx.msk [tilespmem:v6+s11+$0x0], $0xffff  }
0x10e: {  	[tilespmem:v32+s14+$0x0] =	vst.idx.msk $0xffff, v0;
	v2 =	vld.idx.msk [tilespmem:v35+s11+$0x0], $0xffff  }
0x10f: {  	v32 =	vld.idx.msk [tilespmem:v62+s11+$0x0], $0xffff  }
0x110: {  	v16 =	vld.idx.msk [tilespmem:v16+s11+$0x0], $0xffff;
	[tilespmem:v12+s14+$0x0] =	vst.idx.msk $0xffff, v10  }
0x111: {  	v34 =	vor.u32 v23, v59;
	v11 =	vor.u32 v30, v58;
	[tilespmem:v38+s14+$0x0] =	vst.idx.msk $0xffff, v20;
	v12 =	vld.idx.msk [tilespmem:v33+s11+$0x0], $0xffff  }
0x112: {  	[tilespmem:v21+s14+$0x0] =	vst.idx.msk $0xffff, v60;
	v21 =	vor.u32 v26, v37;
	v33 =	vld.idx.msk [tilespmem:v61+s11+$0x0], $0xffff  }
0x113: {  	v55 =	vor.u32 v29, v53;
	v5 =	vor.u32 v4, v47;
	v4 =	vld [tilespmem:$0x1FE10]  }
0x114: {  	v9 =	vor.u32 v3, v47;
	v3 =	vld [tilespmem:$0x1FFF0]  }
0x115: {  	v8 =	vor.u32 v30, v45;
	v19 =	vor.u32 v26, v56;
	[tilespmem:v7+s14+$0x0] =	vst.idx.msk $0xffff, v6;
	v6 =	vld [tilespmem:$0x1FEC0]  }
0x116: {  	v41 =	vor.u32 v24, v50;
	[tilespmem:v34+s14+$0x0] =	vst.idx.msk $0xffff, v18;
	v0 =	vld.idx.msk [tilespmem:v11+s11+$0x0], $0xffff  }
0x117: {  	v60 =	vor.u32 v23, v39;
	v11 =	vor.u32 v24, v44;
	[tilespmem:v21+s14+$0x0] =	vst.idx.msk $0xffff, v33;
	v21 =	vld [tilespmem:$0x1FE40]  }
0x118: {  	v35 =	vld.idx.msk [tilespmem:v55+s11+$0x0], $0xffff  }
0x119: {  	v14 =	vor.u32 v26, v49;
	v15 =	vor.u32 v29, v45;
	v10 =	vor.u32 v29, v58;
	v29 =	vmovc v1;
	v1 =	vld [tilespmem:$0x1FE20]  }
0x11a: {  	v17 =	vor.u32 v24, v54;
	v40 =	vor.u32 v26, v59;
	[tilespmem:v19+s14+$0x0] =	vst.idx.msk $0xffff, v2;
	v7 =	vld.idx.msk [tilespmem:v8+s11+$0x0], $0xffff  }
0x11b: {  	v57 =	vor.u32 v24, v53;
	v34 =	vor.u32 v31, v56;
	v38 =	vor.u32 v6, v49;
	v6 =	vld.idx.msk [tilespmem:v41+s11+$0x0], $0xffff  }
0x11c: {  	v55 =	vor.u32 v25, v50;
	[tilespmem:v60+s14+$0x0] =	vst.idx.msk $0xffff, v0;
	v60 =	vor.u32 v21, v47;
	v21 =	vld.idx.msk [tilespmem:v11+s11+$0x0], $0xffff  }
0x11d: {  	v11 =	vld [tilespmem:$0x1FF10]  }
0x11e: {  	v8 =	vld [tilespmem:$0x1FEC0];
	[tilespmem:v14+s14+$0x0] =	vst.idx.msk $0xffff, v32  }
0x11f: {  	v13 =	vor.u32 v23, v52;
	v17 =	vld.idx.msk [tilespmem:v17+s11+$0x0], $0xffff;
	[tilespmem:v40+s14+$0x0] =	vst.idx.msk $0xffff, v35  }
0x120: {  	v20 =	vor.u32 v26, v46;
	v40 =	vld.idx.msk [tilespmem:v57+s11+$0x0], $0xffff;
	[tilespmem:v34+s14+$0x0] =	vst.idx.msk $0xffff, v6  }
0x121: {  	v36 =	vor.u32 v31, v49;
	v34 =	vld.idx.msk [tilespmem:v55+s11+$0x0], $0xffff  }
0x122: {  	v41 =	vor.u32 v31, v59;
	v55 =	vor.u32 v11, v54;
	v11 =	vld [tilespmem:$0x1FF00]  }
0x123: {  	v19 =	vor.u32 v24, v48;
	v2 =	vld [tilespmem:$0x1FE30]  }
0x124: {  	v18 =	vor.u32 v25, v54;
	v32 =	vor.u32 v26, v39;
	[tilespmem:v13+s14+$0x0] =	vst.idx.msk $0xffff, v7;
	v10 =	vld.idx.msk [tilespmem:v10+s11+$0x0], $0xffff  }
0x125: {  	v8 =	vor.u32 v8, v56;
	[tilespmem:v20+s14+$0x0] =	vst.idx.msk $0xffff, v12;
	v13 =	vld.idx.msk [tilespmem:v15+s11+$0x0], $0xffff  }
0x126: {  	v61 =	vor.u32 v25, v53;
	v12 =	vor.u32 v24, v58;
	[tilespmem:v36+s14+$0x0] =	vst.idx.msk $0xffff, v17;
	v36 =	vld [tilespmem:$0x1FF10]  }
0x127: {  	v0 =	vor.u32 v31, v37;
	[tilespmem:v41+s14+$0x0] =	vst.idx.msk $0xffff, v40;
	v40 =	vor.u32 v11, v56;
	v11 =	vld [tilespmem:$0x1FEC0]  }
0x128: {  	v20 =	vor.u32 v31, v46;
	v19 =	vld.idx.msk [tilespmem:v19+s11+$0x0], $0xffff  }
0x129: {  	v62 =	vor.u32 v25, v48;
	v18 =	vld.idx.msk [tilespmem:v18+s11+$0x0], $0xffff;
	[tilespmem:v32+s14+$0x0] =	vst.idx.msk $0xffff, v10  }
0x12a: {  	[tilespmem:v8+s14+$0x0] =	vst.idx.msk $0xffff, v34;
	v8 =	vld [tilespmem:$0x1FE60]  }
0x12b: {  	v24 =	vor.u32 v31, v39;
	v17 =	vld.idx.msk [tilespmem:v12+s11+$0x0], $0xffff  }
0x12c: {  	v15 =	vld.idx.msk [tilespmem:v61+s11+$0x0], $0xffff;
	[tilespmem:v0+s14+$0x0] =	vst.idx.msk $0xffff, v21;
	v0 =	vor.u32 v25, v58;
	v41 =	vor.u32 v11, v59  }
0x12d: {  	[tilespmem:v20+s14+$0x0] =	vst.idx.msk $0xffff, v19;
	v12 =	vld [tilespmem:$0x1FEC0]  }
0x12e: {  	v20 =	vld.idx.msk [tilespmem:v62+s11+$0x0], $0xffff  }
0x12f: {  	v62 =	vor.u32 v8, v51;
	v8 =	vld [tilespmem:$0x1FEC0]  }
0x130: {  	v3 =	vor.u32 v3, v51;
	[tilespmem:v24+s14+$0x0] =	vst.idx.msk $0xffff, v17;
	v11 =	vld [tilespmem:$0x1FF10]  }
0x131: {  	[tilespmem:v41+s14+$0x0] =	vst.idx.msk $0xffff, v15;
	v15 =	vld.idx.msk [tilespmem:v0+s11+$0x0], $0xffff  }
0x132: {  	v0 =	vld [tilespmem:$0x1FEC0]  }
0x133: {  	v6 =	vld [tilespmem:$0x1FF00]  }
0x134: {  	[tilespmem:v9+s14+$0x0] =	vst.idx.msk $0xffff, v16;
	v57 =	vor.u32 v28, v50;
	v7 =	vor.u32 v31, v52;
	v10 =	vld [tilespmem:$0x1FEC0]  }
0x135: {  	v9 =	vor.u32 v8, v52;
	v11 =	vor.u32 v11, v50;
	v50 =	vor.u32 v26, v52;
	v52 =	vld.idx.msk [tilespmem:v3+s11+$0x0], $0xffff  }
0x136: {  	v14 =	vor.u32 v25, v44;
	v3 =	vld [tilespmem:$0x1FF00]  }
0x137: {  	v21 =	vor.u32 v12, v46;
	v17 =	vor.u32 v0, v39;
	v0 =	vld [tilespmem:$0x1FE70]  }
0x138: {  	v19 =	vor.u32 v28, v48;
	v12 =	vld [tilespmem:$0x1FE50]  }
0x139: {  	[tilespmem:v38+s14+$0x0] =	vst.idx.msk $0xffff, v18;
	v38 =	vld [tilespmem:$0x1FF00]  }
0x13a: {  	v4 =	vor.u32 v4, v51;
	v18 =	vld [tilespmem:$0x1FED0]  }
0x13b: {  	v35 =	vor.u32 v28, v54;
	v2 =	vor.u32 v2, v51;
	v32 =	vor.u32 v10, v37;
	v14 =	vld.idx.msk [tilespmem:v14+s11+$0x0], $0xffff  }
0x13c: {  	[tilespmem:v21+s14+$0x0] =	vst.idx.msk $0xffff, v20;
	v51 =	vor.u32 v3, v37;
	v3 =	vor.u32 v0, v47;
	v0 =	vld [tilespmem:$0x1FD90]  }
0x13d: {  	v10 =	vor.u32 v28, v53;
	v61 =	vor.u32 v12, v47;
	v12 =	vor.u32 v27, v56;
	v56 =	vld.idx.msk [tilespmem:v19+s11+$0x0], $0xffff  }
0x13e: {  	v26 =	vld.idx.msk [tilespmem:v57+s11+$0x0], $0xffff  }
0x13f: {  	p0 =	slt.u32 s24, $0x38;
	v19 =	vld [tilespmem:$0x1FEE0]  }
.Ltmp0:
0x140: {  	v54 =	vor.u32 v38, v59;
	v59 =	vld.idx.msk [tilespmem:v35+s11+$0x0], $0xffff;
	(pc) =	sbr.rel @p0 .LBB2_3-.Ltmp0, $4  }
0x141: {  	v16 =	vor.u32 v28, v58;
	v1 =	vor.u32 v1, v47;
	v6 =	vor.u32 v6, v49;
	v41 =	vld [tilespmem:$0x1FD80]  }
0x142: {  	v58 =	vor.u32 v38, v46;
	v21 =	vmov v63;
	[tilespmem:v32+s14+$0x0] =	vst.idx.msk $0xffff, v14;
	v53 =	vld.idx.msk [tilespmem:v10+s11+$0x0], $0xffff  }
0x143: {  	v20 =	vmov v42;
	v8 =	vor.u32 v28, v45;
	v57 =	vor.u32 v27, v49;
	[tilespmem:v40+s14+$0x0] =	vst.idx.msk $0xffff, v26;
	v40 =	vld [tilespmem:$0x1FDA0]  }
0x144: {  	s24 =	sadd.s32 $0x8, s24;
	v49 =	vor.u32 v36, v44;
	v10 =	vor.u32 v27, v46;
	v46 =	vor.u32 v36, v48;
	v47 =	vld.idx.msk [tilespmem:v0+s11+$0x0], $0xffff  }
0x145: {  	v28 =	vld [tilespmem:$0x1FF70]  }
0x146: {  	v27 =	vld [tilespmem:$0x1FF80]  }
0x147: {  	v30 =	vld [tilespmem:$0x1FFC0]  }
0x148: {  	v26 =	vld [tilespmem:$0x1FF60]  }
0x149: {  	v25 =	vld [tilespmem:$0x1FF50]  }
0x14a: {  	v21 =	vld [tilespmem:$0x1FF30]  }
0x14b: {  	v23 =	vld [tilespmem:$0x1FF20]  }
0x14c: {  	v35 =	vld [tilespmem:$0x1FF90]  }
0x14d: {  	v34 =	vld [tilespmem:$0x1FFF0]  }
0x14e: {  	v33 =	vld [tilespmem:$0x1FFE0]  }
0x14f: {  	v32 =	vld [tilespmem:$0x1FFA0];
	[tilespmem:v5+s14+$0x0] =	vst.idx.msk $0xffff, v52  }
0x150: {  	v0 =	vld.idx.msk [tilespmem:v4+s11+$0x0], $0xffff  }
0x151: {  	[tilespmem:v50+s14+$0x0] =	vst.idx.msk $0xffff, v13  }
0x152: {  	v4 =	vld.idx.msk [tilespmem:v40+s11+$0x0], $0xffff;
	_ =	sdelay $0x2  }
0x153: {  	[tilespmem:v1+s14+$0x0] =	vst.idx.msk $0xffff, v0  }
0x154: {  	[tilespmem:v17+s14+$0x0] =	vst.idx.msk $0xffff, v15;
	v0 =	vld.idx.msk [tilespmem:v2+s11+$0x0], $0xffff  }
0x155: {  	[tilespmem:v7+s14+$0x0] =	vst.idx.msk $0xffff, v4  }
0x156: {  	v1 =	vld [tilespmem:$0x1FDF0];
	[tilespmem:v54+s14+$0x0] =	vst.idx.msk $0xffff, v53  }
0x157: {  	[tilespmem:v58+s14+$0x0] =	vst.idx.msk $0xffff, v56  }
0x158: {  	[tilespmem:v51+s14+$0x0] =	vst.idx.msk $0xffff, v47  }
0x159: {  	[tilespmem:v60+s14+$0x0] =	vst.idx.msk $0xffff, v0  }
0x15a: {  	v0 =	vld [tilespmem:$0x1FE00];
	_ =	sdelay $0x2  }
0x15b: {  	v2 =	vld.idx.msk [tilespmem:v11+s11+$0x0], $0xffff  }
0x15c: {  	v5 =	vld.idx.msk [tilespmem:v16+s11+$0x0], $0xffff;
	v4 =	vor.u32 v38, v39;
	_ =	sdelay $0x1  }
0x15d: {  	v1 =	vld.idx.msk [tilespmem:v1+s11+$0x0], $0xffff  }
0x15e: {  	v7 =	vld.idx.msk [tilespmem:v46+s11+$0x0], $0xffff  }
0x15f: {  	[tilespmem:v12+s14+$0x0] =	vst.idx.msk $0xffff, v2;
	v0 =	vld.idx.msk [tilespmem:v0+s11+$0x0], $0xffff  }
0x160: {  	[tilespmem:v4+s14+$0x0] =	vst.idx.msk $0xffff, v5  }
0x161: {  	[tilespmem:v6+s14+$0x0] =	vst.idx.msk $0xffff, v59  }
0x162: {  	[tilespmem:v9+s14+$0x0] =	vst.idx.msk $0xffff, v1  }
0x163: {  	v31 =	vld [tilespmem:$0x1FFD0];
	[tilespmem:v10+s14+$0x0] =	vst.idx.msk $0xffff, v7  }
0x164: {  	v1 =	vld.idx.msk [tilespmem:v8+s11+$0x0], $0xffff;
	[tilespmem:v61+s14+$0x0] =	vst.idx.msk $0xffff, v0  }
0x165: {  	v8 =	vld [tilespmem:$0x1FDC0];
	_ =	sdelay $0x7  }
0x166: {  	[tilespmem:v8+s14+$0x0] =	vst.idx.msk $0xffff, v1  }
0x167: {  	v1 =	vld [tilespmem:$0x1FDE0];
	_ =	sdelay $0x2  }
0x168: {  	v2 =	vld.idx.msk [tilespmem:v29+s11+$0x0], $0xffff;
	_ =	sdelay $0x4  }
0x169: {  	[tilespmem:v1+s14+$0x0] =	vst.idx.msk $0xffff, v2  }
0x16a: {  	v1 =	vld [tilespmem:$0x1FDB0];
	_ =	sdelay $0x2  }
0x16b: {  	v0 =	vld.idx.msk [tilespmem:v55+s11+$0x0], $0xffff  }
0x16c: {  	v2 =	vld [tilespmem:$0x1FDD0]  }
0x16d: {  	v7 =	vld.idx.msk [tilespmem:v62+s11+$0x0], $0xffff  }
0x16e: {  	v6 =	vld.idx.msk [tilespmem:v49+s11+$0x0], $0xffff;
	v5 =	vor.u32 v31, v37  }
0x16f: {  	v4 =	vld.idx.msk [tilespmem:v43+s11+$0x0], $0xffff  }
0x170: {  	v1 =	vld.idx.msk [tilespmem:v1+s11+$0x0], $0xffff  }
0x171: {  	s28 =	simm.s32 $0x0;
	v22 =	vlaneseq.u32;
	s31 =	simm.s32 $0x2;
	[tilespmem:v57+s14+$0x0] =	vst.idx.msk $0xffff, v0  }
0x172: {  	s24 =	sshll.u32 s22, $0x13;
	[tilespmem:v3+s14+$0x0] =	vst.idx.msk $0xffff, v7;
	v0 =	vadd.s32 s28, v22;
	s28 =	simm.s32 $0x5;
	v3 =	vadd.s32 s31, v22  }
0x173: {  	p0 =	seq.s32 s22, $0x63;
	s24 =	sor.u32 s6, s24;
	[tilespmem:v5+s14+$0x0] =	vst.idx.msk $0xffff, v6;
	s31 =	simm.s32 $0x6;
	v5 =	vadd.s32 s28, v22;
	v45 =	vand.u32 $0x3F, v3  }
0x174: {  	s29 =	simm.s32 $0x1;
	s30 =	simm.s32 $0x3;
	s24 =	sshrl.u32 s24, $0x3;
	v11 =	vadd.s32 s31, v22;
	v3 =	vshll.u32 v3, $0x7;
	v48 =	vand.u32 $0x3F, v5;
	[tilespmem:v2+s14+$0x0] =	vst.idx.msk $0xffff, v4  }
0x175: {  	p1 =	seq.s32 @!p0 s22, $0x0;
	s24 =	sadd.s32 s1, s24;
	v6 =	vor.u32 v36, v45;
	v14 =	vshll.u32 v11, $0x7;
	v2 =	vadd.s32 s29, v22;
	s29 =	simm.s32 $0x7;
	[tilespmem:v41+s14+$0x0] =	vst.idx.msk $0xffff, v1  }
0x176: {  	v51 =	vand.u32 $0x1F80, v3;
	v15 =	vor.u32 v23, v48;
	v39 =	vand.u32 $0x1F80, v14;
	[hbm4b:s24+s15] =	stream.strided.scatter [tilespmem:s14], [sflag:$0x3], $0x2000, s16, s15, $0x38;
	[tilespmem:$0xE400] =	vst v63  }
0x177: {  	v60 =	vor.u32 v22, v39;
	v24 =	vor.u32 v31, v39;
	v4 =	vadd.s32 s30, v22;
	s30 =	simm.s32 $0x4;
	s24 =	sshll.u32 @!p0 s22, $0x8;
	_ =	swait.ge [sflag:s17], $0x2000  }
0x178: {  	s25 =	simm.s32 @!p0 $0x80;
	v44 =	vand.u32 $0x3F, v2;
	v7 =	vadd.s32 s29, v22;
	v8 =	vadd.s32 s30, v22;
	s24 =	sand.u32 @!p0 $0x3FFFFF00, s24;
	[sflag:s17] =	ssyncset.done $0x0  }
0x179: {  	s26 =	simm.s32 @!p0 $0x6400;
	v2 =	vshll.u32 v2, $0x7;
	v52 =	vand.u32 $0x3F, v8;
	v12 =	vor.u32 v23, v44;
	s24 =	sadd.s32 @!p0 $0x100, s24;
	[sflag:s17] =	ssyncadd.s32 $0xFFFFE000  }
0x17a: {  	v10 =	vshll.u32 v8, $0x7;
	v8 =	vand.u32 $0x38, v0;
	v47 =	vand.u32 $0x3F, v7;
	[tilespmem:s26], [sflag:$0x1] =	stream.indirect.gather @!p0 [hbm4b:s4+s25], $0x40, s24, s25, $0xb8;
	[tilespmem:$0xE400] =	vst v63  }
0x17b: {  	v13 =	vor.u32 v23, v52;
	v1 =	vshll.u32 v0, $0x7;
	v0 =	vshll.u32 v7, $0x7;
	p0 =	por p0, !p1  }
0x17c: {  	v37 =	vand.u32 $0x1F80, v2;
	v49 =	vand.u32 $0x1F80, v10;
	v3 =	vand.u32 $0x1F80, v0;
	_ =	swait.ge @p0 [sflag:s20], $0x2000  }
0x17d: {  	v46 =	vand.u32 $0x1C00, v1;
	v0 =	vshll.u32 v5, $0x7;
	[tilespmem:$0x1FD10] =	vst v6;
	v6 =	vand.u32 $0x3F, v4  }
0x17e: {  	v5 =	vor.u32 v38, v51;
	v17 =	vor.u32 v19, v46;
	[sflag:s20] =	ssyncset.done @p0 $0x0;
	v19 =	vor.u32 v23, v6  }
0x17f: {  	v16 =	vor.u32 v20, v8;
	v2 =	vor.u32 v21, v52;
	v20 =	vor.u32 v22, v49;
	[tilespmem:$0x1FD20] =	vst v5;
	[sflag:s20] =	ssyncadd.s32 @p0 $0xFFFFE000  }
0x180: {  	v29 =	vmovc v21;
	v7 =	vor.u32 v18, v8;
	v18 =	vor.u32 v23, v47;
	v10 =	vand.u32 $0x1F80, v0;
	v13 =	vld.idx.msk [tilespmem:v13+s13+$0x0], $0xffff  }
0x181: {  	v5 =	vor.u32 v21, v45;
	v21 =	vor.u32 v22, v10;
	v4 =	vshll.u32 v4, $0x7;
	v14 =	vld.idx.msk [tilespmem:v15+s13+$0x0], $0xffff;
	[tilespmem:$0x1FD30] =	vst v24  }
0x182: {  	v36 =	vor.u32 v22, v37;
	v1 =	vor.u32 v22, v51;
	v56 =	vand.u32 $0x1F80, v4;
	v12 =	vld.idx.msk [tilespmem:v12+s13+$0x0], $0xffff  }
0x183: {  	v0 =	vor.u32 v22, v3;
	v61 =	vor.u32 v22, v56;
	v22 =	vor.u32 v31, v56;
	v19 =	vld.idx.msk [tilespmem:v19+s13+$0x0], $0xffff  }
0x184: {  	v54 =	vand.u32 $0x3F, v11;
	v15 =	vor.u32 v29, v48;
	[tilespmem:$0x1FD40] =	vst v22  }
0x185: {  	v11 =	vor.u32 v23, v54;
	[tilespmem:v20+s18+$0x0] =	vst.idx.msk $0xffff, v13;
	v13 =	vld.idx.msk [tilespmem:v18+s13+$0x0], $0xffff  }
0x186: {  	[tilespmem:v21+s18+$0x0] =	vst.idx.msk $0xffff, v14;
	v7 =	vld.idx.msk [tilespmem:v7+s13+$0x0], $0xffff  }
0x187: {  	v62 =	vor.u32 v25, v49;
	v2 =	vld.idx.msk [tilespmem:v2+s13+$0x0], $0xffff;
	[tilespmem:v36+s18+$0x0] =	vst.idx.msk $0xffff, v12  }
0x188: {  	v18 =	vor.u32 v29, v6;
	v36 =	vld [tilespmem:$0x1FF10];
	[tilespmem:v61+s18+$0x0] =	vst.idx.msk $0xffff, v19;
	v19 =	vor.u32 v27, v45  }
0x189: {  	v21 =	vor.u32 v25, v10;
	v12 =	vld.idx.msk [tilespmem:v15+s13+$0x0], $0xffff;
	[tilespmem:$0x1FD50] =	vst v19;
	v19 =	vor.u32 v35, v8  }
0x18a: {  	v11 =	vld.idx.msk [tilespmem:v11+s13+$0x0], $0xffff;
	[tilespmem:$0x1FD60] =	vst v19  }
0x18b: {  	v42 =	vor.u32 v29, v44;
	v38 =	vld [tilespmem:$0x1FF00];
	[tilespmem:v0+s18+$0x0] =	vst.idx.msk $0xffff, v13  }
0x18c: {  	v14 =	vor.u32 v29, v47;
	[tilespmem:v62+s18+$0x0] =	vst.idx.msk $0xffff, v2  }
0x18d: {  	[tilespmem:v17+s18+$0x0] =	vst.idx.msk $0xffff, v7  }
0x18e: {  	v9 =	vor.u32 v23, v45;
	v13 =	vld.idx.msk [tilespmem:v18+s13+$0x0], $0xffff;
	[tilespmem:v21+s18+$0x0] =	vst.idx.msk $0xffff, v12  }
0x18f: {  	v59 =	vmov v27;
	v15 =	vor.u32 v26, v48;
	v0 =	vor.u32 v25, v56;
	v27 =	vld [tilespmem:$0x1FE80]  }
0x190: {  	v19 =	vld.idx.msk [tilespmem:v42+s13+$0x0], $0xffff;
	v2 =	vor.u32 v25, v37  }
0x191: {  	v62 =	vor.u32 v25, v3;
	v14 =	vld.idx.msk [tilespmem:v14+s13+$0x0], $0xffff  }
0x192: {  	v17 =	vor.u32 v32, v46;
	v12 =	vld.idx.msk [tilespmem:v16+s13+$0x0], $0xffff  }
0x193: {  	v7 =	vor.u32 v29, v54;
	v9 =	vld.idx.msk [tilespmem:v9+s13+$0x0], $0xffff;
	[tilespmem:v60+s18+$0x0] =	vst.idx.msk $0xffff, v11  }
0x194: {  	v18 =	vor.u32 v26, v6;
	v15 =	vld.idx.msk [tilespmem:v15+s13+$0x0], $0xffff;
	[tilespmem:v0+s18+$0x0] =	vst.idx.msk $0xffff, v13;
	v16 =	vor.u32 v27, v10  }
0x195: {  	v58 =	vor.u32 v28, v44;
	v24 =	vmov v28;
	v28 =	vld [tilespmem:$0x1FE90];
	[tilespmem:v2+s18+$0x0] =	vst.idx.msk $0xffff, v19  }
0x196: {  	v50 =	vor.u32 v26, v52;
	[tilespmem:v62+s18+$0x0] =	vst.idx.msk $0xffff, v14  }
0x197: {  	[tilespmem:v17+s18+$0x0] =	vst.idx.msk $0xffff, v12  }
0x198: {  	v0 =	vor.u32 v26, v44;
	v7 =	vld.idx.msk [tilespmem:v7+s13+$0x0], $0xffff;
	[tilespmem:v1+s18+$0x0] =	vst.idx.msk $0xffff, v9  }
0x199: {  	v11 =	vor.u32 v26, v47;
	v18 =	vld.idx.msk [tilespmem:v18+s13+$0x0], $0xffff;
	v2 =	vor.u32 v27, v56;
	[tilespmem:v16+s18+$0x0] =	vst.idx.msk $0xffff, v15  }
0x19a: {  	v14 =	vor.u32 v25, v39;
	v13 =	vor.u32 v28, v48;
	v29 =	vld [tilespmem:$0x1FEA0]  }
0x19b: {  	v43 =	vld.idx.msk [tilespmem:v50+s13+$0x0], $0xffff;
	v19 =	vor.u32 v27, v49  }
0x19c: {  	v4 =	vor.u32 v25, v51;
	v5 =	vld.idx.msk [tilespmem:v5+s13+$0x0], $0xffff  }
0x19d: {  	v1 =	vor.u32 v27, v37;
	v0 =	vld.idx.msk [tilespmem:v0+s13+$0x0], $0xffff  }
0x19e: {  	v17 =	vor.u32 v26, v54;
	v11 =	vld.idx.msk [tilespmem:v11+s13+$0x0], $0xffff;
	v15 =	vor.u32 v27, v3;
	[tilespmem:v2+s18+$0x0] =	vst.idx.msk $0xffff, v18  }
0x19f: {  	v12 =	vor.u32 v28, v6;
	[tilespmem:v14+s18+$0x0] =	vst.idx.msk $0xffff, v7;
	v13 =	vld.idx.msk [tilespmem:v13+s13+$0x0], $0xffff;
	v9 =	vor.u32 v29, v10  }
0x1a0: {  	[tilespmem:v19+s18+$0x0] =	vst.idx.msk $0xffff, v43  }
0x1a1: {  	v16 =	vor.u32 v28, v52;
	[tilespmem:v4+s18+$0x0] =	vst.idx.msk $0xffff, v5  }
0x1a2: {  	v2 =	vor.u32 v28, v47;
	[tilespmem:v1+s18+$0x0] =	vst.idx.msk $0xffff, v0  }
0x1a3: {  	v7 =	vor.u32 v28, v44;
	v17 =	vld.idx.msk [tilespmem:v17+s13+$0x0], $0xffff;
	[tilespmem:v15+s18+$0x0] =	vst.idx.msk $0xffff, v11  }
0x1a4: {  	v20 =	vor.u32 v26, v45;
	v12 =	vld.idx.msk [tilespmem:v12+s13+$0x0], $0xffff;
	v11 =	vor.u32 v27, v39;
	[tilespmem:v9+s18+$0x0] =	vst.idx.msk $0xffff, v13  }
0x1a5: {  	v40 =	vor.u32 v31, v51;
	v25 =	vmovc v31;
	v14 =	vor.u32 v30, v48;
	v18 =	vor.u32 v29, v56;
	v31 =	vld [tilespmem:$0x1FEB0]  }
0x1a6: {  	v0 =	vor.u32 v30, v6;
	v1 =	vld.idx.msk [tilespmem:v16+s13+$0x0], $0xffff;
	v15 =	vor.u32 v29, v49  }
0x1a7: {  	v16 =	vor.u32 v28, v54;
	v2 =	vld.idx.msk [tilespmem:v2+s13+$0x0], $0xffff;
	v9 =	vor.u32 v29, v3  }
0x1a8: {  	v4 =	vor.u32 v29, v37;
	v5 =	vld.idx.msk [tilespmem:v7+s13+$0x0], $0xffff;
	v13 =	vor.u32 v30, v52  }
0x1a9: {  	v19 =	vor.u32 v27, v51;
	[tilespmem:v11+s18+$0x0] =	vst.idx.msk $0xffff, v17;
	v17 =	vld.idx.msk [tilespmem:v20+s13+$0x0], $0xffff  }
0x1aa: {  	[tilespmem:v18+s18+$0x0] =	vst.idx.msk $0xffff, v12;
	v14 =	vld.idx.msk [tilespmem:v14+s13+$0x0], $0xffff;
	v7 =	vor.u32 v31, v10  }
0x1ab: {  	[tilespmem:v15+s18+$0x0] =	vst.idx.msk $0xffff, v1;
	v0 =	vld.idx.msk [tilespmem:v0+s13+$0x0], $0xffff;
	v1 =	vor.u32 v31, v56  }
0x1ac: {  	v16 =	vld.idx.msk [tilespmem:v16+s13+$0x0], $0xffff;
	[tilespmem:v9+s18+$0x0] =	vst.idx.msk $0xffff, v2;
	v2 =	vor.u32 v29, v39  }
0x1ad: {  	v12 =	vor.u32 v30, v47;
	[tilespmem:v4+s18+$0x0] =	vst.idx.msk $0xffff, v5;
	v5 =	vld.idx.msk [tilespmem:v13+s13+$0x0], $0xffff;
	v9 =	vor.u32 v31, v49  }
0x1ae: {  	[tilespmem:v19+s18+$0x0] =	vst.idx.msk $0xffff, v17  }
0x1af: {  	[tilespmem:v7+s18+$0x0] =	vst.idx.msk $0xffff, v14  }
0x1b0: {  	[tilespmem:v1+s18+$0x0] =	vst.idx.msk $0xffff, v0  }
0x1b1: {  	v11 =	vor.u32 v30, v44;
	v23 =	vld [tilespmem:$0x1FEC0];
	[tilespmem:v2+s18+$0x0] =	vst.idx.msk $0xffff, v16  }
0x1b2: {  	v20 =	vor.u32 v59, v48;
	v12 =	vld.idx.msk [tilespmem:v12+s13+$0x0], $0xffff;
	v7 =	vor.u32 v31, v3;
	[tilespmem:v9+s18+$0x0] =	vst.idx.msk $0xffff, v5  }
0x1b3: {  	v1 =	vld [tilespmem:$0x1FEF0]  }
0x1b4: {  	v21 =	vor.u32 v63, v8  }
0x1b5: {  	v4 =	vor.u32 v59, v6  }
0x1b6: {  	v13 =	vor.u32 v30, v54;
	v11 =	vld.idx.msk [tilespmem:v11+s13+$0x0], $0xffff  }
0x1b7: {  	v17 =	vor.u32 v31, v37;
	v14 =	vor.u32 v59, v52;
	v20 =	vld.idx.msk [tilespmem:v20+s13+$0x0], $0xffff;
	[tilespmem:v7+s18+$0x0] =	vst.idx.msk $0xffff, v12  }
0x1b8: {  	v0 =	vor.u32 v23, v10;
	v5 =	vor.u32 v1, v46;
	v1 =	vld [tilespmem:$0x1FE10]  }
0x1b9: {  	v21 =	vld.idx.msk [tilespmem:v21+s13+$0x0], $0xffff;
	v16 =	vor.u32 v59, v47  }
0x1ba: {  	v18 =	vor.u32 v33, v46;
	v35 =	vld.idx.msk [tilespmem:v4+s13+$0x0], $0xffff  }
0x1bb: {  	v19 =	vor.u32 v34, v8;
	v34 =	vor.u32 v59, v44;
	v13 =	vld.idx.msk [tilespmem:v13+s13+$0x0], $0xffff;
	v9 =	vor.u32 v23, v56  }
0x1bc: {  	v7 =	vor.u32 v31, v39;
	v12 =	vld.idx.msk [tilespmem:v14+s13+$0x0], $0xffff;
	[tilespmem:v17+s18+$0x0] =	vst.idx.msk $0xffff, v11  }
0x1bd: {  	v4 =	vor.u32 v1, v8;
	v1 =	vld [tilespmem:$0x1FE20];
	[tilespmem:v0+s18+$0x0] =	vst.idx.msk $0xffff, v20;
	v0 =	vor.u32 v24, v48  }
0x1be: {  	v14 =	vld.idx.msk [tilespmem:v16+s13+$0x0], $0xffff;
	v11 =	vor.u32 v23, v49  }
0x1bf: {  	v15 =	vor.u32 v28, v45;
	v16 =	vor.u32 v23, v3;
	v2 =	vld [tilespmem:$0x1FE30];
	[tilespmem:v18+s18+$0x0] =	vst.idx.msk $0xffff, v21  }
0x1c0: {  	[tilespmem:v9+s18+$0x0] =	vst.idx.msk $0xffff, v35;
	v9 =	vor.u32 v23, v37;
	v18 =	vld.idx.msk [tilespmem:v34+s13+$0x0], $0xffff  }
0x1c1: {  	v20 =	vld [tilespmem:$0x1FE40]  }
0x1c2: {  	v32 =	vor.u32 v30, v45;
	v41 =	vor.u32 v38, v10;
	[tilespmem:v7+s18+$0x0] =	vst.idx.msk $0xffff, v13;
	v0 =	vld.idx.msk [tilespmem:v0+s13+$0x0], $0xffff  }
0x1c3: {  	v42 =	vor.u32 v36, v6;
	v55 =	vor.u32 v36, v52;
	[tilespmem:v11+s18+$0x0] =	vst.idx.msk $0xffff, v12  }
0x1c4: {  	v57 =	vor.u32 v25, v49;
	v17 =	vor.u32 v24, v52;
	v13 =	vld.idx.msk [tilespmem:v15+s13+$0x0], $0xffff;
	[tilespmem:v16+s18+$0x0] =	vst.idx.msk $0xffff, v14  }
0x1c5: {  	v43 =	vor.u32 v36, v54;
	v21 =	vor.u32 v59, v54;
	v12 =	vld [tilespmem:$0x1FE50];
	[tilespmem:v9+s18+$0x0] =	vst.idx.msk $0xffff, v18  }
0x1c6: {  	v50 =	vor.u32 v29, v51;
	v56 =	vor.u32 v38, v56;
	v14 =	vor.u32 v24, v47;
	v9 =	vld [tilespmem:$0x1FE60]  }
0x1c7: {  	v7 =	vor.u32 v31, v51;
	v11 =	vor.u32 v36, v48;
	v53 =	vld.idx.msk [tilespmem:v19+s13+$0x0], $0xffff;
	[tilespmem:v41+s18+$0x0] =	vst.idx.msk $0xffff, v0  }
0x1c8: {  	v15 =	vor.u32 v38, v3;
	v60 =	vor.u32 v20, v46;
	v20 =	vor.u32 v24, v6;
	v0 =	vld [tilespmem:$0x1FE70]  }
0x1c9: {  	v59 =	vld.idx.msk [tilespmem:v17+s13+$0x0], $0xffff;
	v17 =	vor.u32 v24, v54;
	v1 =	vor.u32 v1, v46;
	v2 =	vor.u32 v2, v8  }
0x1ca: {  	v16 =	vld.idx.msk [tilespmem:v21+s13+$0x0], $0xffff;
	v6 =	vor.u32 v38, v49;
	v49 =	vor.u32 v36, v44;
	v61 =	vor.u32 v12, v46  }
0x1cb: {  	v54 =	vld.idx.msk [tilespmem:v14+s13+$0x0], $0xffff;
	v12 =	vor.u32 v25, v10;
	v10 =	vor.u32 v25, v3;
	v62 =	vor.u32 v9, v8  }
0x1cc: {  	v58 =	vld.idx.msk [tilespmem:v58+s13+$0x0], $0xffff;
	v9 =	vor.u32 v23, v51;
	v8 =	vor.u32 v24, v45;
	v51 =	vor.u32 v38, v37  }
0x1cd: {  	s24 =	simm.s32 $0x8;
	v52 =	vld.idx.msk [tilespmem:v20+s13+$0x0], $0xffff;
	v45 =	vor.u32 v23, v39;
	v3 =	vor.u32 v0, v46;
	v46 =	vor.u32 v36, v47  }
.LBB2_5:
0x1ce: {  	_ =	sdelay $0x1  }
0x1cf: {  	[tilespmem:v5+s18+$0x0] =	vst.idx.msk $0xffff, v53;
	v26 =	vld [tilespmem:$0x1FF20]  }
0x1d0: {  	[tilespmem:v50+s18+$0x0] =	vst.idx.msk $0xffff, v13;
	v13 =	vor.u32 v38, v39;
	v39 =	vld.idx.msk [tilespmem:v4+s13+$0x0], $0xffff  }
0x1d1: {  	v5 =	vld [tilespmem:$0x1FD20]  }
0x1d2: {  	v22 =	vlaneseq.u32;
	s31 =	sadd.s32 $0x2, s24  }
0x1d3: {  	v35 =	vadd.s32 s31, v22  }
0x1d4: {  	v21 =	vld.idx.msk [tilespmem:v11+s13+$0x0], $0xffff;
	[tilespmem:v45+s18+$0x0] =	vst.idx.msk $0xffff, v16;
	v45 =	vand.u32 $0x3F, v35  }
0x1d5: {  	v41 =	vor.u32 v26, v45;
	[tilespmem:v1+s18+$0x0] =	vst.idx.msk $0xffff, v39;
	v1 =	vld [tilespmem:$0x1FF40]  }
0x1d6: {  	v11 =	vmov v5;
	v5 =	vmov v40;
	v40 =	vld.idx.msk [tilespmem:v32+s13+$0x0], $0xffff  }
0x1d7: {  	s25 =	sadd.s32 $0x1, s24;
	s31 =	smov.u32 s24  }
0x1d8: {  	v0 =	vadd.s32 s24, v22;
	v19 =	vadd.s32 s25, v22;
	s25 =	sadd.s32 $0x4, s31;
	[tilespmem:v15+s18+$0x0] =	vst.idx.msk $0xffff, v54  }
0x1d9: {  	v47 =	vadd.s32 s25, v22;
	[tilespmem:v51+s18+$0x0] =	vst.idx.msk $0xffff, v58;
	v51 =	vand.u32 $0x38, v0  }
0x1da: {  	v54 =	vand.u32 $0x3F, v47;
	[tilespmem:v12+s18+$0x0] =	vst.idx.msk $0xffff, v21;
	v12 =	vor.u32 v1, v51;
	v1 =	vld.idx.msk [tilespmem:v41+s13+$0x0], $0xffff  }
0x1db: {  	v4 =	vor.u32 v36, v45;
	v36 =	vor.u32 v26, v54;
	[tilespmem:v7+s18+$0x0] =	vst.idx.msk $0xffff, v40;
	v7 =	vld [tilespmem:$0x1FD50]  }
0x1dc: {  	s29 =	sadd.s32 $0x7, s24  }
0x1dd: {  	v16 =	vadd.s32 s29, v22;
	v17 =	vld.idx.msk [tilespmem:v17+s13+$0x0], $0xffff;
	v18 =	vshll.u32 v0, $0x7  }
0x1de: {  	v35 =	vshll.u32 v35, $0x7;
	v48 =	vand.u32 $0x3F, v16;
	[tilespmem:v56+s18+$0x0] =	vst.idx.msk $0xffff, v52;
	v47 =	vshll.u32 v47, $0x7;
	v32 =	vld.idx.msk [tilespmem:v49+s13+$0x0], $0xffff  }
0x1df: {  	v52 =	vand.u32 $0x1F80, v35;
	v0 =	vshll.u32 v16, $0x7;
	[tilespmem:v6+s18+$0x0] =	vst.idx.msk $0xffff, v59;
	v21 =	vld.idx.msk [tilespmem:v46+s13+$0x0], $0xffff;
	v49 =	vand.u32 $0x1F80, v47  }
0x1e0: {  	v6 =	vor.u32 v38, v52;
	v38 =	vor.u32 v26, v48;
	v16 =	vld.idx.msk [tilespmem:v36+s13+$0x0], $0xffff;
	v41 =	vor.u32 v22, v49;
	_ =	sdelay $0x1  }
0x1e1: {  	s28 =	sadd.s32 $0x5, s24;
	v24 =	vld [tilespmem:$0x1FF30]  }
0x1e2: {  	v14 =	vor.u32 v25, v37;
	v37 =	vadd.s32 s28, v22;
	[tilespmem:v13+s18+$0x0] =	vst.idx.msk $0xffff, v17;
	v17 =	vld.idx.msk [tilespmem:v7+s13+$0x0], $0xffff  }
0x1e3: {  	s30 =	sadd.s32 $0x6, s24;
	v44 =	vand.u32 $0x3F, v19;
	v46 =	vand.u32 $0x1F80, v0;
	v13 =	vshll.u32 v37, $0x7;
	[tilespmem:v10+s18+$0x0] =	vst.idx.msk $0xffff, v21;
	v7 =	vld [tilespmem:$0x1FED0]  }
0x1e4: {  	v15 =	vadd.s32 s30, v22;
	v56 =	vand.u32 $0x1F80, v13;
	v13 =	vor.u32 v22, v46;
	[tilespmem:v41+s18+$0x0] =	vst.idx.msk $0xffff, v16;
	v16 =	vld.idx.msk [tilespmem:v38+s13+$0x0], $0xffff  }
0x1e5: {  	v58 =	vor.u32 v26, v44;
	v63 =	vshll.u32 v15, $0x7;
	v42 =	vld.idx.msk [tilespmem:v42+s13+$0x0], $0xffff  }
0x1e6: {  	v39 =	vand.u32 $0x1F80, v63;
	v63 =	vld [tilespmem:$0x1FF50]  }
0x1e7: {  	v50 =	vand.u32 $0x3F, v37;
	v0 =	vld.idx.msk [tilespmem:v2+s13+$0x0], $0xffff  }
0x1e8: {  	v33 =	vor.u32 v26, v50;
	v47 =	vand.u32 $0x1C00, v18;
	v18 =	vor.u32 v7, v51;
	v7 =	vld [tilespmem:$0x1FEE0]  }
0x1e9: {  	s26 =	sadd.s32 $0x3, s24;
	[tilespmem:v13+s18+$0x0] =	vst.idx.msk $0xffff, v16;
	v13 =	vld [tilespmem:$0x1FD10]  }
0x1ea: {  	v20 =	vadd.s32 s26, v22;
	v35 =	vld.idx.msk [tilespmem:v58+s13+$0x0], $0xffff;
	[tilespmem:v9+s18+$0x0] =	vst.idx.msk $0xffff, v17  }
0x1eb: {  	v53 =	vand.u32 $0x3F, v20;
	v20 =	vshll.u32 v20, $0x7;
	v58 =	vand.u32 $0x3F, v15;
	v15 =	vld.idx.msk [tilespmem:v8+s13+$0x0], $0xffff  }
0x1ec: {  	v59 =	vand.u32 $0x1F80, v20;
	v41 =	vld [tilespmem:$0x1FF70]  }
0x1ed: {  	[tilespmem:$0x1FD20] =	vst v6;
	v2 =	vor.u32 v22, v52;
	v33 =	vld.idx.msk [tilespmem:v33+s13+$0x0], $0xffff;
	v34 =	vor.u32 v7, v47;
	v7 =	vshll.u32 v19, $0x7  }
0x1ee: {  	v10 =	vor.u32 v24, v54;
	v21 =	vor.u32 v22, v56;
	[tilespmem:v14+s18+$0x0] =	vst.idx.msk $0xffff, v32;
	v37 =	vand.u32 $0x1F80, v7;
	v7 =	vld [tilespmem:$0x1FD40]  }
0x1ef: {  	v40 =	vld.idx.msk [tilespmem:v43+s13+$0x0], $0xffff;
	v43 =	vor.u32 v22, v39;
	[tilespmem:v60+s18+$0x0] =	vst.idx.msk $0xffff, v0;
	v60 =	vor.u32 v25, v39  }
0x1f0: {  	v17 =	vor.u32 v22, v59;
	v8 =	vld [tilespmem:$0x1FD30];
	[tilespmem:v11+s18+$0x0] =	vst.idx.msk $0xffff, v15;
	v0 =	vor.u32 v22, v37;
	v22 =	vmov v60  }
0x1f1: {  	v13 =	vld.idx.msk [tilespmem:v13+s13+$0x0], $0xffff;
	[tilespmem:$0x1FD30] =	vst v22;
	v22 =	vor.u32 v41, v44  }
0x1f2: {  	[tilespmem:$0x1FD00] =	vst v22;
	v22 =	vld [tilespmem:$0x1FF80]  }
0x1f3: {  	[tilespmem:v21+s18+$0x0] =	vst.idx.msk $0xffff, v33;
	v33 =	vld.idx.msk [tilespmem:v55+s13+$0x0], $0xffff;
	v9 =	vor.u32 v25, v59  }
0x1f4: {  	v6 =	vor.u32 v24, v45;
	v10 =	vld.idx.msk [tilespmem:v10+s13+$0x0], $0xffff;
	[tilespmem:$0x1FD40] =	vst v9  }
0x1f5: {  	v19 =	vor.u32 v26, v53;
	v9 =	vor.u32 v26, v58;
	v26 =	vld [tilespmem:$0x1FF60];
	[tilespmem:v0+s18+$0x0] =	vst.idx.msk $0xffff, v35  }
0x1f6: {  	[tilespmem:v7+s18+$0x0] =	vst.idx.msk $0xffff, v42;
	v7 =	vld [tilespmem:$0x1FD60]  }
0x1f7: {  	v16 =	vld [tilespmem:$0x1FFB0];
	[tilespmem:v5+s18+$0x0] =	vst.idx.msk $0xffff, v13;
	v42 =	vor.u32 v24, v50;
	v0 =	vor.u32 v22, v45  }
0x1f8: {  	v11 =	vld [tilespmem:$0x1FFA0];
	[tilespmem:$0x1FD50] =	vst v0;
	v0 =	vor.u32 v24, v48  }
0x1f9: {  	v38 =	vor.u32 v63, v49;
	[tilespmem:v2+s18+$0x0] =	vst.idx.msk $0xffff, v1;
	v1 =	vld [tilespmem:$0x1FE20]  }
0x1fa: {  	v6 =	vld.idx.msk [tilespmem:v6+s13+$0x0], $0xffff  }
0x1fb: {  	v14 =	vor.u32 v26, v54;
	v19 =	vld.idx.msk [tilespmem:v19+s13+$0x0], $0xffff  }
0x1fc: {  	v20 =	vor.u32 v24, v53;
	v21 =	vor.u32 v63, v56;
	v60 =	vld.idx.msk [tilespmem:v42+s13+$0x0], $0xffff  }
0x1fd: {  	[tilespmem:v57+s18+$0x0] =	vst.idx.msk $0xffff, v33;
	v57 =	vor.u32 v63, v46;
	v32 =	vor.u32 v26, v50;
	v0 =	vld.idx.msk [tilespmem:v0+s13+$0x0], $0xffff  }
0x1fe: {  	[tilespmem:v38+s18+$0x0] =	vst.idx.msk $0xffff, v10;
	v10 =	vor.u32 v26, v48;
	v36 =	vld.idx.msk [tilespmem:v7+s13+$0x0], $0xffff  }
0x1ff: {  	[tilespmem:v8+s18+$0x0] =	vst.idx.msk $0xffff, v40;
	v40 =	vor.u32 v24, v44;
	v5 =	vor.u32 v24, v58;
	v24 =	vmov v4;
	v4 =	vld [tilespmem:$0x1FF10]  }
0x200: {  	v14 =	vld.idx.msk [tilespmem:v14+s13+$0x0], $0xffff;
	[tilespmem:v17+s18+$0x0] =	vst.idx.msk $0xffff, v19;
	v19 =	vor.u32 v27, v49  }
0x201: {  	v20 =	vld.idx.msk [tilespmem:v20+s13+$0x0], $0xffff;
	v7 =	vor.u32 v63, v52;
	[tilespmem:v21+s18+$0x0] =	vst.idx.msk $0xffff, v60  }
0x202: {  	v8 =	vor.u32 v26, v45;
	v32 =	vld.idx.msk [tilespmem:v32+s13+$0x0], $0xffff;
	[tilespmem:v57+s18+$0x0] =	vst.idx.msk $0xffff, v0  }
0x203: {  	v15 =	vor.u32 v30, v45;
	v10 =	vld.idx.msk [tilespmem:v10+s13+$0x0], $0xffff;
	[tilespmem:v61+s18+$0x0] =	vst.idx.msk $0xffff, v36;
	v61 =	vor.u32 v28, v54  }
0x204: {  	[tilespmem:$0x1FCF0] =	vst v15;
	v35 =	vld.idx.msk [tilespmem:v62+s13+$0x0], $0xffff  }
0x205: {  	v17 =	vor.u32 v63, v59;
	[tilespmem:v19+s18+$0x0] =	vst.idx.msk $0xffff, v14;
	v62 =	vld [tilespmem:$0x1FF90]  }
0x206: {  	[tilespmem:v7+s18+$0x0] =	vst.idx.msk $0xffff, v6;
	v15 =	vld.idx.msk [tilespmem:v18+s13+$0x0], $0xffff;
	v18 =	vor.u32 v25, v52  }
0x207: {  	v7 =	vld.idx.msk [tilespmem:v8+s13+$0x0], $0xffff;
	[tilespmem:$0x1FCE0] =	vst v18;
	v18 =	vor.u32 v26, v53  }
0x208: {  	v19 =	vld.idx.msk [tilespmem:v61+s13+$0x0], $0xffff  }
0x209: {  	v55 =	vor.u32 v63, v37;
	v21 =	vor.u32 v29, v49;
	[tilespmem:v3+s18+$0x0] =	vst.idx.msk $0xffff, v35;
	v3 =	vld [tilespmem:$0x1FF10]  }
0x20a: {  	[tilespmem:v17+s18+$0x0] =	vst.idx.msk $0xffff, v20;
	v17 =	vor.u32 v30, v54;
	v36 =	vor.u32 v62, v51;
	v35 =	vld.idx.msk [tilespmem:v40+s13+$0x0], $0xffff  }
0x20b: {  	v38 =	vor.u32 v26, v44;
	v62 =	vor.u32 v27, v56;
	[tilespmem:$0x1FD60] =	vst v36;
	v36 =	vld.idx.msk [tilespmem:v9+s13+$0x0], $0xffff  }
0x20c: {  	[tilespmem:v34+s18+$0x0] =	vst.idx.msk $0xffff, v15;
	v18 =	vld.idx.msk [tilespmem:v18+s13+$0x0], $0xffff  }
0x20d: {  	v33 =	vor.u32 v28, v50;
	v13 =	vor.u32 v27, v52;
	v12 =	vld.idx.msk [tilespmem:v12+s13+$0x0], $0xffff  }
0x20e: {  	v15 =	vor.u32 v28, v45;
	[tilespmem:v21+s18+$0x0] =	vst.idx.msk $0xffff, v19;
	v42 =	vor.u32 v3, v53;
	v3 =	vld [tilespmem:$0x1FFE0]  }
0x20f: {  	v11 =	vor.u32 v11, v47;
	[tilespmem:v55+s18+$0x0] =	vst.idx.msk $0xffff, v35;
	v17 =	vld.idx.msk [tilespmem:v17+s13+$0x0], $0xffff  }
0x210: {  	v16 =	vor.u32 v16, v51;
	[tilespmem:v62+s18+$0x0] =	vst.idx.msk $0xffff, v32;
	v38 =	vld.idx.msk [tilespmem:v38+s13+$0x0], $0xffff  }
0x211: {  	v34 =	vor.u32 v27, v59;
	[tilespmem:v43+s18+$0x0] =	vst.idx.msk $0xffff, v36;
	v43 =	vor.u32 v4, v58;
	v4 =	vld [tilespmem:$0x1FEF0]  }
0x212: {  	[tilespmem:v13+s18+$0x0] =	vst.idx.msk $0xffff, v7;
	v55 =	vor.u32 v28, v53;
	v2 =	vld.idx.msk [tilespmem:v33+s13+$0x0], $0xffff  }
0x213: {  	v13 =	vld.idx.msk [tilespmem:v15+s13+$0x0], $0xffff  }
0x214: {  	v20 =	vor.u32 v29, v56;
	v60 =	vld.idx.msk [tilespmem:v5+s13+$0x0], $0xffff;
	[tilespmem:v11+s18+$0x0] =	vst.idx.msk $0xffff, v12  }
0x215: {  	v63 =	vor.u32 v63, v39;
	v36 =	vor.u32 v30, v50;
	v11 =	vor.u32 v27, v46;
	v12 =	vld.idx.msk [tilespmem:v16+s13+$0x0], $0xffff  }
0x216: {  	[tilespmem:v34+s18+$0x0] =	vst.idx.msk $0xffff, v18;
	v16 =	vor.u32 v28, v48;
	v9 =	vor.u32 v3, v47;
	v3 =	vld [tilespmem:$0x1FFF0]  }
0x217: {  	v0 =	vor.u32 v26, v58;
	v35 =	vor.u32 v27, v37;
	v34 =	vld.idx.msk [tilespmem:v55+s13+$0x0], $0xffff  }
0x218: {  	v40 =	vor.u32 v28, v44;
	v32 =	vor.u32 v31, v49;
	v5 =	vor.u32 v4, v47;
	v4 =	vld [tilespmem:$0x1FE10]  }
0x219: {  	v18 =	vor.u32 v22, v54;
	v55 =	vor.u32 v29, v59;
	[tilespmem:v20+s18+$0x0] =	vst.idx.msk $0xffff, v2;
	v2 =	vld [tilespmem:$0x1FE30]  }
0x21a: {  	v62 =	vor.u32 v30, v53;
	v33 =	vor.u32 v31, v56;
	[tilespmem:v11+s18+$0x0] =	vst.idx.msk $0xffff, v10;
	v6 =	vld.idx.msk [tilespmem:v36+s13+$0x0], $0xffff  }
0x21b: {  	[tilespmem:v63+s18+$0x0] =	vst.idx.msk $0xffff, v60;
	v11 =	vld.idx.msk [tilespmem:v16+s13+$0x0], $0xffff;
	v16 =	vor.u32 v29, v46  }
0x21c: {  	v57 =	vor.u32 v22, v50;
	v61 =	vor.u32 v27, v39;
	[tilespmem:v35+s18+$0x0] =	vst.idx.msk $0xffff, v38;
	v0 =	vld.idx.msk [tilespmem:v0+s13+$0x0], $0xffff  }
0x21d: {  	[tilespmem:v32+s18+$0x0] =	vst.idx.msk $0xffff, v17;
	v60 =	vor.u32 v29, v37;
	v10 =	vor.u32 v28, v58;
	v35 =	vld.idx.msk [tilespmem:v40+s13+$0x0], $0xffff  }
0x21e: {  	v14 =	vor.u32 v30, v44;
	v17 =	vld.idx.msk [tilespmem:v18+s13+$0x0], $0xffff;
	[tilespmem:v55+s18+$0x0] =	vst.idx.msk $0xffff, v34  }
0x21f: {  	v20 =	vor.u32 v30, v48;
	v36 =	vld.idx.msk [tilespmem:v62+s13+$0x0], $0xffff;
	[tilespmem:v33+s18+$0x0] =	vst.idx.msk $0xffff, v6  }
0x220: {  	[tilespmem:v16+s18+$0x0] =	vst.idx.msk $0xffff, v11;
	v11 =	vld [tilespmem:$0x1FE40]  }
0x221: {  	v8 =	vor.u32 v23, v56;
	[tilespmem:v61+s18+$0x0] =	vst.idx.msk $0xffff, v0;
	v57 =	vld.idx.msk [tilespmem:v57+s13+$0x0], $0xffff  }
0x222: {  	v21 =	vor.u32 v29, v39;
	v3 =	vor.u32 v3, v51;
	[tilespmem:v60+s18+$0x0] =	vst.idx.msk $0xffff, v35;
	v10 =	vld.idx.msk [tilespmem:v10+s13+$0x0], $0xffff  }
0x223: {  	v14 =	vld.idx.msk [tilespmem:v14+s13+$0x0], $0xffff  }
0x224: {  	v38 =	vor.u32 v23, v49;
	v16 =	vor.u32 v30, v58;
	v20 =	vld.idx.msk [tilespmem:v20+s13+$0x0], $0xffff  }
0x225: {  	[tilespmem:v9+s18+$0x0] =	vst.idx.msk $0xffff, v12;
	v0 =	vor.u32 v31, v37;
	v60 =	vor.u32 v11, v47;
	v11 =	vld [tilespmem:$0x1FF10]  }
0x226: {  	v62 =	vor.u32 v22, v48;
	v35 =	vor.u32 v31, v46;
	[tilespmem:v8+s18+$0x0] =	vst.idx.msk $0xffff, v57;
	v8 =	vld [tilespmem:$0x1FE60]  }
0x227: {  	v61 =	vor.u32 v22, v53;
	[tilespmem:v21+s18+$0x0] =	vst.idx.msk $0xffff, v10;
	v10 =	vor.u32 v41, v53;
	v53 =	vld.idx.msk [tilespmem:v3+s13+$0x0], $0xffff  }
0x228: {  	v55 =	vor.u32 v31, v59;
	v3 =	vld [tilespmem:$0x1FF00]  }
0x229: {  	v18 =	vor.u32 v31, v39;
	[tilespmem:v38+s18+$0x0] =	vst.idx.msk $0xffff, v17;
	v16 =	vld.idx.msk [tilespmem:v16+s13+$0x0], $0xffff  }
0x22a: {  	v38 =	vld [tilespmem:$0x1FF00];
	[tilespmem:v0+s18+$0x0] =	vst.idx.msk $0xffff, v14;
	v0 =	vor.u32 v22, v58  }
0x22b: {  	v6 =	vld [tilespmem:$0x1FF00];
	[tilespmem:v35+s18+$0x0] =	vst.idx.msk $0xffff, v20  }
0x22c: {  	v63 =	vor.u32 v41, v50;
	v4 =	vor.u32 v4, v51;
	v14 =	vld.idx.msk [tilespmem:v62+s13+$0x0], $0xffff  }
0x22d: {  	v2 =	vor.u32 v2, v51;
	[tilespmem:v55+s18+$0x0] =	vst.idx.msk $0xffff, v36;
	v55 =	vor.u32 v11, v54;
	v11 =	vld [tilespmem:$0x1FF00]  }
0x22e: {  	v62 =	vor.u32 v8, v51;
	v51 =	vor.u32 v3, v37;
	v3 =	vld [tilespmem:$0x1FF10];
	[tilespmem:v18+s18+$0x0] =	vst.idx.msk $0xffff, v16  }
0x22f: {  	v19 =	vor.u32 v22, v44;
	v16 =	vld.idx.msk [tilespmem:v0+s13+$0x0], $0xffff  }
0x230: {  	v0 =	vld [tilespmem:$0x1FE70]  }
0x231: {  	v40 =	vor.u32 v23, v59;
	v15 =	vld.idx.msk [tilespmem:v61+s13+$0x0], $0xffff  }
0x232: {  	v22 =	vld [tilespmem:$0x1FE50]  }
0x233: {  	v63 =	vld.idx.msk [tilespmem:v63+s13+$0x0], $0xffff;
	v36 =	vor.u32 v11, v56  }
0x234: {  	v32 =	vor.u32 v23, v46;
	v6 =	vor.u32 v6, v49;
	v57 =	vor.u32 v25, v49;
	v19 =	vld.idx.msk [tilespmem:v19+s13+$0x0], $0xffff  }
0x235: {  	v20 =	vor.u32 v41, v48;
	v49 =	vor.u32 v3, v44;
	v3 =	vor.u32 v0, v47;
	v0 =	vld [tilespmem:$0x1FD00]  }
0x236: {  	v34 =	vor.u32 v41, v54;
	[tilespmem:v40+s18+$0x0] =	vst.idx.msk $0xffff, v15;
	v40 =	vld [tilespmem:$0x1FCE0]  }
0x237: {  	[tilespmem:$0x1FD10] =	vst v24;
	v21 =	vor.u32 v23, v37;
	v11 =	vld [tilespmem:$0x1FF10]  }
0x238: {  	p0 =	slt.u32 s24, $0x38;
	v1 =	vor.u32 v1, v47;
	[tilespmem:v36+s18+$0x0] =	vst.idx.msk $0xffff, v63;
	v36 =	vld [tilespmem:$0x1FF10]  }
.Ltmp1:
0x239: {  	v7 =	vor.u32 v31, v52;
	v9 =	vor.u32 v23, v52;
	[tilespmem:v32+s18+$0x0] =	vst.idx.msk $0xffff, v14;
	v32 =	vld [tilespmem:$0x1FCF0];
	(pc) =	sbr.rel @p0 .LBB2_5-.Ltmp1, $4  }
0x23a: {  	v12 =	vor.u32 v25, v56;
	v17 =	vor.u32 v41, v58;
	v61 =	vor.u32 v22, v47;
	v54 =	vld.idx.msk [tilespmem:v20+s13+$0x0], $0xffff  }
0x23b: {  	v8 =	vor.u32 v41, v45;
	v45 =	vor.u32 v23, v39;
	v56 =	vor.u32 v38, v59;
	v59 =	vld.idx.msk [tilespmem:v34+s13+$0x0], $0xffff  }
0x23c: {  	[tilespmem:v21+s18+$0x0] =	vst.idx.msk $0xffff, v19;
	v11 =	vor.u32 v11, v50;
	v50 =	vor.u32 v29, v52;
	v52 =	vld.idx.msk [tilespmem:v10+s13+$0x0], $0xffff  }
0x23d: {  	s24 =	sadd.s32 $0x8, s24;
	v15 =	vor.u32 v38, v46;
	v10 =	vor.u32 v25, v46;
	v46 =	vor.u32 v36, v48;
	v58 =	vld.idx.msk [tilespmem:v0+s13+$0x0], $0xffff  }
0x23e: {  	_ =	sdelay $0x3  }
0x23f: {  	[tilespmem:v5+s18+$0x0] =	vst.idx.msk $0xffff, v53  }
0x240: {  	v0 =	vld.idx.msk [tilespmem:v4+s13+$0x0], $0xffff  }
0x241: {  	[tilespmem:v50+s18+$0x0] =	vst.idx.msk $0xffff, v13  }
0x242: {  	v50 =	vld.idx.msk [tilespmem:v32+s13+$0x0], $0xffff;
	_ =	sdelay $0x2  }
0x243: {  	[tilespmem:v1+s18+$0x0] =	vst.idx.msk $0xffff, v0  }
0x244: {  	[tilespmem:v45+s18+$0x0] =	vst.idx.msk $0xffff, v16;
	v0 =	vld.idx.msk [tilespmem:v2+s13+$0x0], $0xffff  }
0x245: {  	[tilespmem:v7+s18+$0x0] =	vst.idx.msk $0xffff, v50  }
0x246: {  	v1 =	vld [tilespmem:$0x1FD50];
	[tilespmem:v56+s18+$0x0] =	vst.idx.msk $0xffff, v52  }
0x247: {  	[tilespmem:v15+s18+$0x0] =	vst.idx.msk $0xffff, v54  }
0x248: {  	[tilespmem:v51+s18+$0x0] =	vst.idx.msk $0xffff, v58  }
0x249: {  	[tilespmem:v60+s18+$0x0] =	vst.idx.msk $0xffff, v0  }
0x24a: {  	v0 =	vld [tilespmem:$0x1FD60];
	_ =	sdelay $0x2  }
0x24b: {  	v2 =	vld.idx.msk [tilespmem:v11+s13+$0x0], $0xffff  }
0x24c: {  	v53 =	vor.u32 v38, v39;
	v56 =	vld.idx.msk [tilespmem:v17+s13+$0x0], $0xffff;
	_ =	sdelay $0x1  }
0x24d: {  	v58 =	vld.idx.msk [tilespmem:v46+s13+$0x0], $0xffff  }
0x24e: {  	v1 =	vld.idx.msk [tilespmem:v1+s13+$0x0], $0xffff  }
0x24f: {  	[tilespmem:v12+s18+$0x0] =	vst.idx.msk $0xffff, v2;
	v0 =	vld.idx.msk [tilespmem:v0+s13+$0x0], $0xffff  }
0x250: {  	[tilespmem:v53+s18+$0x0] =	vst.idx.msk $0xffff, v56  }
0x251: {  	[tilespmem:v6+s18+$0x0] =	vst.idx.msk $0xffff, v59  }
0x252: {  	[tilespmem:v10+s18+$0x0] =	vst.idx.msk $0xffff, v58  }
0x253: {  	[tilespmem:v9+s18+$0x0] =	vst.idx.msk $0xffff, v1  }
0x254: {  	[tilespmem:v61+s18+$0x0] =	vst.idx.msk $0xffff, v0  }
0x255: {  	v63 =	vld [tilespmem:$0x1FD20];
	_ =	sdelay $0x2  }
0x256: {  	v1 =	vld.idx.msk [tilespmem:v8+s13+$0x0], $0xffff;
	_ =	sdelay $0x4  }
0x257: {  	[tilespmem:v63+s18+$0x0] =	vst.idx.msk $0xffff, v1  }
0x258: {  	v1 =	vld [tilespmem:$0x1FD40];
	_ =	sdelay $0x2  }
0x259: {  	v2 =	vld.idx.msk [tilespmem:v42+s13+$0x0], $0xffff;
	_ =	sdelay $0x4  }
0x25a: {  	[tilespmem:v1+s18+$0x0] =	vst.idx.msk $0xffff, v2  }
0x25b: {  	v1 =	vld [tilespmem:$0x1FD10];
	_ =	sdelay $0x2  }
0x25c: {  	v60 =	vld.idx.msk [tilespmem:v49+s13+$0x0], $0xffff  }
0x25d: {  	v59 =	vor.u32 v25, v37;
	v2 =	vld [tilespmem:$0x1FD30]  }
0x25e: {  	v0 =	vld.idx.msk [tilespmem:v55+s13+$0x0], $0xffff  }
0x25f: {  	v62 =	vld.idx.msk [tilespmem:v62+s13+$0x0], $0xffff  }
0x260: {  	v4 =	vld.idx.msk [tilespmem:v43+s13+$0x0], $0xffff  }
0x261: {  	v1 =	vld.idx.msk [tilespmem:v1+s13+$0x0], $0xffff  }
0x262: {  	[tilespmem:v59+s18+$0x0] =	vst.idx.msk $0xffff, v60  }
0x263: {  	[tilespmem:v57+s18+$0x0] =	vst.idx.msk $0xffff, v0  }
0x264: {  	[tilespmem:v3+s18+$0x0] =	vst.idx.msk $0xffff, v62  }
0x265: {  	[tilespmem:v2+s18+$0x0] =	vst.idx.msk $0xffff, v4  }
0x266: {  	[tilespmem:v40+s18+$0x0] =	vst.idx.msk $0xffff, v1  }
0x267: {  	v18 =	vld [tilespmem:$0x1FED0]  }
0x268: {  	v19 =	vld [tilespmem:$0x1FEE0]  }
0x269: {  	v20 =	vld [tilespmem:$0x1FF40]  }
0x26a: {  	v14 =	vld [tilespmem:$0x1FFA0]  }
0x26b: {  	v21 =	vld [tilespmem:$0x1FFB0]  }
0x26c: {  	v27 =	vld [tilespmem:$0x1FFE0]  }
0x26d: {  	v32 =	vld [tilespmem:$0x1FFF0]  }
0x26e: {  	v33 =	vld [tilespmem:$0x1FEF0]  }
0x26f: {  	s22 =	sadd.s32 $0x1, s22;
	v24 =	vld [tilespmem:$0x1FF90]  }
0x270: {  	p0 =	sne.s32 s22, $0x64;
	v26 =	vld [tilespmem:$0x1FF20]  }
.Ltmp2:
0x271: {  	s23 =	sshll.u32 s23, $0x12;
	v23 =	vld [tilespmem:$0x1FF30];
	(pc) =	sbr.rel @p0 .LBB2_2-.Ltmp2, $4  }
0x272: {  	s23 =	sor.u32 s6, s23;
	v29 =	vld [tilespmem:$0x1FF50]  }
0x273: {  	s23 =	sshrl.u32 s23, $0x3;
	v31 =	vld [tilespmem:$0x1FF60]  }
0x274: {  	s23 =	sadd.s32 s1, s23;
	v22 =	vld [tilespmem:$0x1FF80]  }
0x275: {  	v0 =	vlaneseq.u32;
	[hbm4b:s23+s15] =	stream.strided.scatter [tilespmem:s18], [sflag:$0x4], $0x2000, s16, s15, $0x38;
	v28 =	vld [tilespmem:$0x1FF70]  }
0x276: {  	s21 =	sadd.s32 $0x1, s21  }
0x277: {  	_ =	swait.ge [sflag:s19], $0x2000;
	p0 =	sne.s32 s21, s7  }
.Ltmp3:
0x278: {  	[sflag:s19] =	ssyncset.done $0x0;
	(pc) =	sbr.rel @p0 .LBB2_1-.Ltmp3, $4  }
0x279: {  	[sflag:s19] =	ssyncadd.s32 $0xFFFFE000  }
0x27a: {  	_ =	swait.ge [sflag:s20], $0x2000  }
0x27b: {  	[sflag:s20] =	ssyncset.done $0x0  }
0x27c: {  	[sflag:s20] =	ssyncadd.s32 $0xFFFFE000  }
0x27d: {  	_ =	sfence.sel $0x180000  }
0x27e: {  	[bflag:$0x0] =	sbarrier.arrive $0xFFFF  }
0x27f: {  	p0 =	sne.s32 s2, $0x0;
	_ =	strace $0x9000004A  }
0x280: {  	s0 =	sadd.s32 @!p0 $0x100000, s0;
	[bflag:$0x2] =	sbarrier.arrive $0xFFFF  }
0x281: {  	[sflag:s0] =	ssyncadd.tile.s32 @!p0 $0x1;
	_ =	shalt  }
.Lfunc_end2:
_tile_overlayer_lowered:
.L_overlay_start_2:
0x282: {  	(tag) =	ssettag $0x2  }
0x283: {  	s0 =	rddreg [dreg:$0x0];
	s2 =	stileid.u32  }
0x284: {  	s1 =	rddreg [dreg:$0x1];
	p0 =	sne.s32 s2, $0x0  }
0x285: {  	s3 =	rddreg [dreg:$0x2];
	[bflag:$0x3] =	sbarrier.arrive $0xFFFF;
	s2 =	simm.s32 @!p0 $0x1C05  }
0x286: {  	[timem:s3], [sflag:s2] =	dma.local @!p0 [hbm:s0], s1  }
0x287: {  	s0 =	simm.s32 @!p0 $0x5  }
0x288: {  	_ =	swait.ge @!p0 [sflag:s0], s1  }
0x289: {  	s1 =	ssub.s32 @!p0 $0x0, s1;
	[sflag:s0] =	ssyncset.done @!p0 $0x0  }
0x28a: {  	[sflag:s0] =	ssyncadd.s32 @!p0 s1  }
0x28b: {  	[bflag:$0x3] =	sbarrier.arrive $0xFFFF  }
0x28c: {  	_ =	shalt  }

</sc_bundles>
